<compile_context>
chip_gen: v7x
topology: tpu7x:2x2x1
jax: 0.10.2.dev20260603
libtpu: 0.0.44.dev20260713+nightly
codegen_flags: <defaults>
</compile_context>

<pallas_src>
import functools

import jax
import jax.numpy as jnp
from jax import lax
from jax.experimental import pallas as pl
from jax.experimental.pallas import tpu as pltpu
from jax.experimental.pallas import tpu_sc as plsc

NC = 2
NS = 16
LANES = 16
CH = 80
ZR = 128


def _make_deg(E, N):
    ept = E // (NC * NS)
    n_chunks = ept // CH
    npt = N // NS
    nz = npt // ZR
    mesh = plsc.VectorSubcoreMesh(core_axis_name="c", subcore_axis_name="s",
                                  num_cores=NC, num_subcores=NS)

    @functools.partial(
        pl.kernel,
        out_type=jax.ShapeDtypeStruct((NC * N, LANES), jnp.float32),
        mesh=mesh,
        scratch_types=[
            pltpu.VMEM((CH,), jnp.int32),
            pltpu.VMEM((CH, LANES), jnp.float32),
            pltpu.VMEM((ZR, LANES), jnp.float32),
            pltpu.VMEM_SHARED((N, LANES), jnp.float32),
        ],
    )
    def deg_k(dst_hbm, out_hbm, dbuf, ones_v, zeros_v, acc_sh):
        c = lax.axis_index("c")
        s = lax.axis_index("s")
        wid = c * NS + s
        one16 = jnp.ones((LANES,), jnp.float32)
        zero16 = jnp.zeros((LANES,), jnp.float32)
        for i in range(CH):
            ones_v[i, :] = one16
        for i in range(ZR):
            zeros_v[i, :] = zero16

        rbase = s * npt

        def zbody(j, carry):
            pltpu.sync_copy(zeros_v, acc_sh.at[pl.ds(rbase + j * ZR, ZR)])
            return carry
        lax.fori_loop(0, nz, zbody, 0)
        plsc.subcore_barrier()

        ebase = wid * ept

        def ebody(g, carry):
            pltpu.sync_copy(dst_hbm.at[pl.ds(ebase + g * CH, CH)], dbuf)
            pltpu.sync_copy(ones_v, acc_sh.at[dbuf], add=True)
            return carry
        lax.fori_loop(0, n_chunks, ebody, 0)
        plsc.subcore_barrier()

        def obody(j, carry):
            r = rbase + j * ZR
            pltpu.sync_copy(acc_sh.at[pl.ds(r, ZR)],
                            out_hbm.at[pl.ds(c * N + r, ZR)])
            return carry
        lax.fori_loop(0, nz, obody, 0)

    return deg_k


def _make_agg(E, N, F):
    ept = E // NS
    n_chunks = ept // CH
    n_pairs = n_chunks // 2
    npt = N // NS
    no = npt // ZR
    mesh = plsc.VectorSubcoreMesh(core_axis_name="c", subcore_axis_name="s",
                                  num_cores=NC, num_subcores=NS)

    @functools.partial(
        pl.kernel,
        out_type=jax.ShapeDtypeStruct((NC * N, F), jnp.float32),
        mesh=mesh,
        scratch_types=[
            [pltpu.VMEM((CH,), jnp.int32) for _ in range(3)],
            [pltpu.VMEM((CH,), jnp.int32) for _ in range(3)],
            [pltpu.VMEM((CH, F), jnp.float32) for _ in range(3)],
            pltpu.VMEM_SHARED((N, F), jnp.float32),
            [pltpu.SemaphoreType.DMA for _ in range(3)],
            [pltpu.SemaphoreType.DMA for _ in range(3)],
            [pltpu.SemaphoreType.DMA for _ in range(3)],
            [pltpu.SemaphoreType.DMA for _ in range(3)],
        ],
    )
    def agg_k(y2_hbm, src_hbm, dst2_hbm, out_hbm,
              gbufs, sbufs, rows, acc_sh, gsems, ssems, isems, jsems):
        c = lax.axis_index("c")
        s = lax.axis_index("s")
        rbase = s * npt
        off = c * N
        eoff = c * (NS * ept)
        BR = CH

        def ibody(j, carry):
            r = rbase + j * BR
            pltpu.sync_copy(y2_hbm.at[pl.ds(off + r, BR)], rows[0])
            pltpu.sync_copy(rows[0], acc_sh.at[pl.ds(r, BR)])
            return carry
        lax.fori_loop(0, npt // BR, ibody, 0)
        plsc.subcore_barrier()

        ebase = s * ept


        K = 3
        n_trip = n_chunks // K
        n_rem = n_chunks - n_trip * K
        dummy = y2_hbm.at[pl.ds(0, CH)]

        def ebody(t, carry):
            e0 = ebase + t * (K * CH)
            icps, jcps, gcps = [], [], []
            for k in range(K):
                @pl.when(t > 0)
                def _():
                    pltpu.make_async_copy(dummy, rows[k], ssems[k]).wait()
                jcps.append(pltpu.async_copy(
                    dst2_hbm.at[pl.ds(eoff + e0 + k * CH, CH)], gbufs[k],
                    jsems[k]))
                icps.append(pltpu.async_copy(
                    src_hbm.at[pl.ds(e0 + k * CH, CH)], sbufs[k], isems[k]))
            for k in range(K):
                jcps[k].wait()
                gcps.append(pltpu.async_copy(y2_hbm.at[gbufs[k]], rows[k],
                                             gsems[k]))
            for k in range(K):
                gcps[k].wait()
                icps[k].wait()
                pltpu.async_copy(rows[k], acc_sh.at[sbufs[k]],
                                 ssems[k], add=True)
            return carry
        lax.fori_loop(0, n_trip, ebody, 0)
        for k in range(K):
            pltpu.make_async_copy(dummy, rows[k], ssems[k]).wait()
        if n_rem:
            for k in range(n_rem):
                e1 = ebase + (n_trip * K + k) * CH
                pltpu.sync_copy(dst2_hbm.at[pl.ds(eoff + e1, CH)], gbufs[0])
                pltpu.sync_copy(src_hbm.at[pl.ds(e1, CH)], sbufs[0])
                pltpu.async_copy(y2_hbm.at[gbufs[0]],
                                 rows[0], gsems[0]).wait()
                pltpu.async_copy(rows[0], acc_sh.at[sbufs[0]],
                                 ssems[0], add=True).wait()
        plsc.subcore_barrier()

        def obody(j, carry):
            r = rbase + j * BR
            pltpu.sync_copy(acc_sh.at[pl.ds(r, BR)], rows[0])
            pltpu.sync_copy(rows[0], out_hbm.at[pl.ds(off + r, BR)])
            return carry
        lax.fori_loop(0, npt // BR, obody, 0)

    return agg_k


def _prep_body(x_ref, w_ref, deg_ref, y2_ref, d_ref):
    deg = deg_ref[0] + deg_ref[1] + 1.0
    dfull = lax.rsqrt(deg)
    d = dfull[:, 0:1]
    y = lax.dot_general(x_ref[0], w_ref[...], (((1,), (1,)), ((), ())),
                        preferred_element_type=jnp.float32)
    y2_ref[0] = y * d
    d_ref[...] = d


def _make_idx_body(npad):
    def _idx_body(dst_ref, o_ref):
        o_ref[0] = dst_ref[...]
        o_ref[1] = dst_ref[...] + npad
    return _idx_body


def _fin_body(acc_ref, d_ref, b_ref, o_ref):
    o_ref[0] = acc_ref[0] * d_ref[...] + b_ref[...]


def kernel(x, src, dst, W, b):
    B, N, F_IN = x.shape
    F_OUT = W.shape[0]
    E = src.shape[0]

    npad = -(-N // (NS * ZR)) * (NS * ZR)

    degp = _make_deg(E, npad)(dst)
    degp = degp.reshape(NC, npad, LANES)

    R = 1000
    y2, d = pl.pallas_call(
        _prep_body,
        grid=(B, N // R),
        in_specs=[
            pl.BlockSpec((1, R, F_IN), lambda bb, i: (bb, i, 0)),
            pl.BlockSpec((F_OUT, F_IN), lambda bb, i: (0, 0)),
            pl.BlockSpec((NC, R, LANES), lambda bb, i: (0, i, 0)),
        ],
        out_specs=[
            pl.BlockSpec((1, R, F_OUT), lambda bb, i: (bb, i, 0)),
            pl.BlockSpec((R, 1), lambda bb, i: (i, 0)),
        ],
        out_shape=[
            jax.ShapeDtypeStruct((B, npad, F_OUT), jnp.float32),
            jax.ShapeDtypeStruct((N, 1), jnp.float32),
        ],
    )(x, W, degp)

    dst2 = pl.pallas_call(
        _make_idx_body(npad),
        grid=(1,),
        in_specs=[pl.BlockSpec((E // 128, 128), lambda i: (0, 0))],
        out_specs=pl.BlockSpec((NC, E // 128, 128), lambda i: (0, 0, 0)),
        out_shape=jax.ShapeDtypeStruct((NC, E // 128, 128), jnp.int32),
    )(dst.reshape(E // 128, 128)).reshape(NC * E)

    y2f = y2.reshape(B * npad, F_OUT)
    accf = _make_agg(E, npad, F_OUT)(y2f, src, dst2)
    acc = accf.reshape(B, npad, F_OUT)[:, :N, :]

    out = pl.pallas_call(
        _fin_body,
        grid=(B, N // R),
        in_specs=[
            pl.BlockSpec((1, R, F_OUT), lambda bb, i: (bb, i, 0)),
            pl.BlockSpec((R, 1), lambda bb, i: (i, 0)),
            pl.BlockSpec((1, F_OUT), lambda bb, i: (0, 0)),
        ],
        out_specs=pl.BlockSpec((1, R, F_OUT), lambda bb, i: (bb, i, 0)),
        out_shape=jax.ShapeDtypeStruct((B, N, F_OUT), jnp.float32),
    )(acc, d, b.reshape(1, F_OUT))
    return out

# --- scband reference (transcript-rebuilt; emitter-appended) ---
"""Pipeline reference for scband-gcn-layer-90546500534889 (READ-ONLY COPY).

The authoritative reference and input builder live on the scoring server;
editing this copy changes nothing except your own understanding.
"""

import jax, jax.numpy as jnp
import numpy as np

N = 10000
E = 320000
F_IN = 128
F_OUT = 128
B = 2


def setup_inputs(seed: int = 0) -> dict:
    key = jax.random.key(seed)
    k1, k2, k3, k4, k5 = jax.random.split(key, 5)
    x = jax.random.normal(k1, (B, N, F_IN), dtype=jnp.float32)
    # adjacency A given at construction time as a (sparse) matrix; we represent
    # its nonzeros as an edge list: A[src[e], dst[e]] = 1 (add semantics)
    src = jax.random.randint(k2, (E,), 0, N, dtype=jnp.int32)
    dst = jax.random.randint(k3, (E,), 0, N, dtype=jnp.int32)
    # nn.Linear(in_features, out_features) parameters
    W = (jax.random.normal(k4, (F_OUT, F_IN), dtype=jnp.float32) / np.sqrt(F_IN)).astype(jnp.float32)
    b = (jax.random.normal(k5, (F_OUT,), dtype=jnp.float32) * 0.01).astype(jnp.float32)
    return {"x": x, "src": src, "dst": dst, "W": W, "b": b}


def reference(x, src, dst, W, b):
    # --- self_looped_adj_mat, computed sparsely (mathematically identical) ---
    # A_self = A + I ; deg[j] = sum_i A_self[i, j]  (column sums)
    edge_vals = jnp.ones((E,), dtype=jnp.float32)
    deg = jnp.zeros((N,), dtype=jnp.float32).at[dst].add(edge_vals) + 1.0
    # d = sqrt(1/deg)  (torch.sqrt(torch.reciprocal(...)))
    d = jnp.sqrt(jnp.reciprocal(deg))
    # normalized A_norm[i, j] = d[i] * A_self[i, j] * d[j]
    w_edge = d[src] * d[dst]          # off-diagonal (plus possible multiplicity)
    w_self = d * d                    # self-loop diagonal entries
    # --- sbdmm: out[b, i, f] = sum_j A_norm[i, j] * x[b, j, f] ---
    msg = jnp.take(x, dst, axis=1) * w_edge[None, :, None]   # gather [B, E, F]
    agg = jnp.zeros((B, N, F_IN), dtype=jnp.float32).at[:, src, :].add(msg)  # scatter-add
    agg = agg + x * w_self[None, :, None]
    # --- fc ---
    out = jnp.einsum('bnf,of->bno', agg, W) + b[None, None, :]
    return out

if __name__ == "__main__":
    import jax
    _d = setup_inputs()
    print(jax.jit(kernel)(*tuple(_d.values())))

</pallas_src>

<mosaic_0001>
#map = affine_map<(d0, d1) -> (0, 0)>
#map1 = affine_map<(d0, d1) -> (0)>
module attributes {stable_mosaic.version = 14 : i64} {
  func.func @agg_k(%arg0: i32, %arg1: i32, %arg2: memref<20480x128xf32, #tpu.memory_space<hbm>>, %arg3: memref<320000xi32, #tpu.memory_space<hbm>>, %arg4: memref<640000xi32, #tpu.memory_space<hbm>>, %arg5: memref<20480x128xf32, #tpu.memory_space<hbm>>, %arg6: memref<80xi32, #tpu.memory_space<vmem>>, %arg7: memref<80xi32, #tpu.memory_space<vmem>>, %arg8: memref<80xi32, #tpu.memory_space<vmem>>, %arg9: memref<80xi32, #tpu.memory_space<vmem>>, %arg10: memref<80xi32, #tpu.memory_space<vmem>>, %arg11: memref<80xi32, #tpu.memory_space<vmem>>, %arg12: memref<80x128xf32, #tpu.memory_space<vmem>>, %arg13: memref<80x128xf32, #tpu.memory_space<vmem>>, %arg14: memref<80x128xf32, #tpu.memory_space<vmem>>, %arg15: memref<10240x128xf32, #tpu.memory_space<vmem_shared>>, %arg16: memref<!tpu.dma_semaphore, #tpu.memory_space<semaphore_mem>>, %arg17: memref<!tpu.dma_semaphore, #tpu.memory_space<semaphore_mem>>, %arg18: memref<!tpu.dma_semaphore, #tpu.memory_space<semaphore_mem>>, %arg19: memref<!tpu.dma_semaphore, #tpu.memory_space<semaphore_mem>>, %arg20: memref<!tpu.dma_semaphore, #tpu.memory_space<semaphore_mem>>, %arg21: memref<!tpu.dma_semaphore, #tpu.memory_space<semaphore_mem>>, %arg22: memref<!tpu.dma_semaphore, #tpu.memory_space<semaphore_mem>>, %arg23: memref<!tpu.dma_semaphore, #tpu.memory_space<semaphore_mem>>, %arg24: memref<!tpu.dma_semaphore, #tpu.memory_space<semaphore_mem>>, %arg25: memref<!tpu.dma_semaphore, #tpu.memory_space<semaphore_mem>>, %arg26: memref<!tpu.dma_semaphore, #tpu.memory_space<semaphore_mem>>, %arg27: memref<!tpu.dma_semaphore, #tpu.memory_space<semaphore_mem>>) attributes {dimension_semantics = [#tpu.dimension_semantics<core_parallel>, #tpu.dimension_semantics<subcore_parallel>], iteration_bounds = array<i64: 2, 16>, scalar_prefetch = 0 : i64, scratch_operands = 22 : i64, tpu.core_type = #tpu.core_type<sc_vector_subcore>, window_params = [{transform_indices = #map}, {transform_indices = #map1}, {transform_indices = #map1}, {transform_indices = #map}]} {
    %mul3A = arith.constant 640 : i32
    %mul3A_0 = arith.muli %arg1, %mul3A : i32
    %mul3A_1 = arith.constant 10240 : i32
    %mul3A_2 = arith.muli %arg0, %mul3A_1 : i32
    %mul3A_3 = arith.constant 320000 : i32
    %mul3A_4 = arith.muli %arg0, %mul3A_3 : i32
    %scan3A = arith.constant 0 : i32
    %scan3A_5 = arith.constant 0 : i32
    %scan3A_6 = arith.constant 8 : i32
    %scan3A_7 = arith.addi %scan3A_5, %scan3A_6 : i32
    %scan3A_8 = arith.constant 1 : i32
    scf.for %scan3A_55 = %scan3A_5 to %scan3A_7 step %scan3A_8  : i32 {
      %mul3A_56 = arith.constant 80 : i32
      %mul3A_57 = arith.muli %scan3A_55, %mul3A_56 : i32
      %add3A_58 = arith.addi %mul3A_0, %mul3A_57 : i32
      %add3A_59 = arith.addi %mul3A_2, %add3A_58 : i32
      "tpu.region"() ({
        %run_scoped3A = tpu.sem_alloc : memref<!tpu.dma_semaphore, #tpu.memory_space<semaphore_mem>>
        %dma_start3A_60 = arith.constant 0 : i32
        %dma_start3A_61 = tpu.memref_slice %arg2[%add3A_59, %dma_start3A_60] : memref<20480x128xf32, #tpu.memory_space<hbm>> -> memref<80x128xf32, #tpu.memory_space<hbm>>
        %dma_start3A_62 = arith.constant 0 : i32
        %dma_start3A_63 = tpu.memref_slice %arg2[%add3A_59, %dma_start3A_62] : memref<20480x128xf32, #tpu.memory_space<hbm>> -> memref<80x128xf32, #tpu.memory_space<hbm>>
        tpu.enqueue_dma source(%dma_start3A_63 : memref<80x128xf32, #tpu.memory_space<hbm>>) target(%arg12 : memref<80x128xf32, #tpu.memory_space<vmem>>) target_semaphore(%run_scoped3A : memref<!tpu.dma_semaphore, #tpu.memory_space<semaphore_mem>>)
        %dma_wait3A_64 = arith.constant 0 : i32
        %dma_wait3A_65 = tpu.memref_slice %arg2[%add3A_59, %dma_wait3A_64] : memref<20480x128xf32, #tpu.memory_space<hbm>> -> memref<80x128xf32, #tpu.memory_space<hbm>>
        %dma_wait3A_66 = arith.constant 0 : i32
        %dma_wait3A_67 = tpu.memref_slice %arg2[%add3A_59, %dma_wait3A_66] : memref<20480x128xf32, #tpu.memory_space<hbm>> -> memref<80x128xf32, #tpu.memory_space<hbm>>
        tpu.wait_dma2 semaphore(%run_scoped3A : memref<!tpu.dma_semaphore, #tpu.memory_space<semaphore_mem>>) src(%dma_wait3A_67 : memref<80x128xf32, #tpu.memory_space<hbm>>) dst(%arg12 : memref<80x128xf32, #tpu.memory_space<vmem>>)
        tpu.yield
      }) : () -> ()
      "tpu.region"() ({
        %run_scoped3A = tpu.sem_alloc : memref<!tpu.dma_semaphore, #tpu.memory_space<semaphore_mem>>
        %dma_start3A_60 = arith.constant 0 : i32
        %dma_start3A_61 = tpu.memref_slice %arg15[%add3A_58, %dma_start3A_60] : memref<10240x128xf32, #tpu.memory_space<vmem_shared>> -> memref<80x128xf32, #tpu.memory_space<vmem_shared>>
        %dma_start3A_62 = arith.constant 0 : i32
        %dma_start3A_63 = tpu.memref_slice %arg15[%add3A_58, %dma_start3A_62] : memref<10240x128xf32, #tpu.memory_space<vmem_shared>> -> memref<80x128xf32, #tpu.memory_space<vmem_shared>>
        tpu.enqueue_dma source(%arg12 : memref<80x128xf32, #tpu.memory_space<vmem>>) target(%dma_start3A_63 : memref<80x128xf32, #tpu.memory_space<vmem_shared>>) target_semaphore(%run_scoped3A : memref<!tpu.dma_semaphore, #tpu.memory_space<semaphore_mem>>)
        %dma_wait3A_64 = arith.constant 0 : i32
        %dma_wait3A_65 = tpu.memref_slice %arg15[%add3A_58, %dma_wait3A_64] : memref<10240x128xf32, #tpu.memory_space<vmem_shared>> -> memref<80x128xf32, #tpu.memory_space<vmem_shared>>
        %dma_wait3A_66 = arith.constant 0 : i32
        %dma_wait3A_67 = tpu.memref_slice %arg15[%add3A_58, %dma_wait3A_66] : memref<10240x128xf32, #tpu.memory_space<vmem_shared>> -> memref<80x128xf32, #tpu.memory_space<vmem_shared>>
        tpu.wait_dma2 semaphore(%run_scoped3A : memref<!tpu.dma_semaphore, #tpu.memory_space<semaphore_mem>>) src(%arg12 : memref<80x128xf32, #tpu.memory_space<vmem>>) dst(%dma_wait3A_67 : memref<80x128xf32, #tpu.memory_space<vmem_shared>>)
        tpu.yield
      }) : () -> ()
    }
    %scan3A_9 = arith.constant 8 : i32
    %barrier3A = arith.constant 0 : index
    tpu.barrier barrier_id(%barrier3A)
    %mul3A_10 = arith.constant 20000 : i32
    %mul3A_11 = arith.muli %arg1, %mul3A_10 : i32
    %scan3A_12 = arith.constant 0 : i32
    %scan3A_13 = arith.constant 0 : i32
    %scan3A_14 = arith.constant 83 : i32
    %scan3A_15 = arith.addi %scan3A_13, %scan3A_14 : i32
    %scan3A_16 = arith.constant 1 : i32
    scf.for %scan3A_55 = %scan3A_13 to %scan3A_15 step %scan3A_16  : i32 {
      %mul3A_56 = arith.constant 240 : i32
      %mul3A_57 = arith.muli %scan3A_55, %mul3A_56 : i32
      %add3A_58 = arith.addi %mul3A_11, %mul3A_57 : i32
      %gt3A = arith.constant 0 : i32
      %gt3A_59 = arith.cmpi sgt, %scan3A_55, %gt3A : i32
      %convert_element_type3A = arith.extui %gt3A_59 : i1 to i32
      %cond3A = arith.constant 0 : i32
      %cond3A_60 = arith.cmpi ne, %convert_element_type3A, %cond3A : i32
      scf.if %cond3A_60 {
        %dma_wait3A_137 = arith.constant 0 : i32
        %dma_wait3A_138 = arith.constant 0 : i32
        %dma_wait3A_139 = tpu.memref_slice %arg2[%dma_wait3A_137, %dma_wait3A_138] : memref<20480x128xf32, #tpu.memory_space<hbm>> -> memref<80x128xf32, #tpu.memory_space<hbm>>
        %dma_wait3A_140 = arith.constant 0 : i32
        %dma_wait3A_141 = arith.constant 0 : i32
        %dma_wait3A_142 = tpu.memref_slice %arg2[%dma_wait3A_140, %dma_wait3A_141] : memref<20480x128xf32, #tpu.memory_space<hbm>> -> memref<80x128xf32, #tpu.memory_space<hbm>>
        tpu.wait_dma2 semaphore(%arg19 : memref<!tpu.dma_semaphore, #tpu.memory_space<semaphore_mem>>) src(%dma_wait3A_142 : memref<80x128xf32, #tpu.memory_space<hbm>>) dst(%arg12 : memref<80x128xf32, #tpu.memory_space<vmem>>)
      } else {
      }
      %add3A_61 = arith.addi %mul3A_4, %add3A_58 : i32
      %add3A_62 = arith.constant 0 : i32
      %add3A_63 = arith.addi %add3A_61, %add3A_62 : i32
      %dma_start3A_64 = tpu.memref_slice %arg4[%add3A_63] : memref<640000xi32, #tpu.memory_space<hbm>> -> memref<80xi32, #tpu.memory_space<hbm>>
      %dma_start3A_65 = tpu.memref_slice %arg4[%add3A_63] : memref<640000xi32, #tpu.memory_space<hbm>> -> memref<80xi32, #tpu.memory_space<hbm>>
      tpu.enqueue_dma source(%dma_start3A_65 : memref<80xi32, #tpu.memory_space<hbm>>) target(%arg6 : memref<80xi32, #tpu.memory_space<vmem>>) target_semaphore(%arg25 : memref<!tpu.dma_semaphore, #tpu.memory_space<semaphore_mem>>)
      %add3A_66 = arith.constant 0 : i32
      %add3A_67 = arith.addi %add3A_58, %add3A_66 : i32
      %dma_start3A_68 = tpu.memref_slice %arg3[%add3A_67] : memref<320000xi32, #tpu.memory_space<hbm>> -> memref<80xi32, #tpu.memory_space<hbm>>
      %dma_start3A_69 = tpu.memref_slice %arg3[%add3A_67] : memref<320000xi32, #tpu.memory_space<hbm>> -> memref<80xi32, #tpu.memory_space<hbm>>
      tpu.enqueue_dma source(%dma_start3A_69 : memref<80xi32, #tpu.memory_space<hbm>>) target(%arg9 : memref<80xi32, #tpu.memory_space<vmem>>) target_semaphore(%arg22 : memref<!tpu.dma_semaphore, #tpu.memory_space<semaphore_mem>>)
      %gt3A_70 = arith.constant 0 : i32
      %gt3A_71 = arith.cmpi sgt, %scan3A_55, %gt3A_70 : i32
      %convert_element_type3A_72 = arith.extui %gt3A_71 : i1 to i32
      %cond3A_73 = arith.constant 0 : i32
      %cond3A_74 = arith.cmpi ne, %convert_element_type3A_72, %cond3A_73 : i32
      scf.if %cond3A_74 {
        %dma_wait3A_137 = arith.constant 0 : i32
        %dma_wait3A_138 = arith.constant 0 : i32
        %dma_wait3A_139 = tpu.memref_slice %arg2[%dma_wait3A_137, %dma_wait3A_138] : memref<20480x128xf32, #tpu.memory_space<hbm>> -> memref<80x128xf32, #tpu.memory_space<hbm>>
        %dma_wait3A_140 = arith.constant 0 : i32
        %dma_wait3A_141 = arith.constant 0 : i32
        %dma_wait3A_142 = tpu.memref_slice %arg2[%dma_wait3A_140, %dma_wait3A_141] : memref<20480x128xf32, #tpu.memory_space<hbm>> -> memref<80x128xf32, #tpu.memory_space<hbm>>
        tpu.wait_dma2 semaphore(%arg20 : memref<!tpu.dma_semaphore, #tpu.memory_space<semaphore_mem>>) src(%dma_wait3A_142 : memref<80x128xf32, #tpu.memory_space<hbm>>) dst(%arg13 : memref<80x128xf32, #tpu.memory_space<vmem>>)
      } else {
      }
      %add3A_75 = arith.addi %mul3A_4, %add3A_58 : i32
      %add3A_76 = arith.constant 80 : i32
      %add3A_77 = arith.addi %add3A_75, %add3A_76 : i32
      %dma_start3A_78 = tpu.memref_slice %arg4[%add3A_77] : memref<640000xi32, #tpu.memory_space<hbm>> -> memref<80xi32, #tpu.memory_space<hbm>>
      %dma_start3A_79 = tpu.memref_slice %arg4[%add3A_77] : memref<640000xi32, #tpu.memory_space<hbm>> -> memref<80xi32, #tpu.memory_space<hbm>>
      tpu.enqueue_dma source(%dma_start3A_79 : memref<80xi32, #tpu.memory_space<hbm>>) target(%arg7 : memref<80xi32, #tpu.memory_space<vmem>>) target_semaphore(%arg26 : memref<!tpu.dma_semaphore, #tpu.memory_space<semaphore_mem>>)
      %add3A_80 = arith.constant 80 : i32
      %add3A_81 = arith.addi %add3A_58, %add3A_80 : i32
      %dma_start3A_82 = tpu.memref_slice %arg3[%add3A_81] : memref<320000xi32, #tpu.memory_space<hbm>> -> memref<80xi32, #tpu.memory_space<hbm>>
      %dma_start3A_83 = tpu.memref_slice %arg3[%add3A_81] : memref<320000xi32, #tpu.memory_space<hbm>> -> memref<80xi32, #tpu.memory_space<hbm>>
      tpu.enqueue_dma source(%dma_start3A_83 : memref<80xi32, #tpu.memory_space<hbm>>) target(%arg10 : memref<80xi32, #tpu.memory_space<vmem>>) target_semaphore(%arg23 : memref<!tpu.dma_semaphore, #tpu.memory_space<semaphore_mem>>)
      %gt3A_84 = arith.constant 0 : i32
      %gt3A_85 = arith.cmpi sgt, %scan3A_55, %gt3A_84 : i32
      %convert_element_type3A_86 = arith.extui %gt3A_85 : i1 to i32
      %cond3A_87 = arith.constant 0 : i32
      %cond3A_88 = arith.cmpi ne, %convert_element_type3A_86, %cond3A_87 : i32
      scf.if %cond3A_88 {
        %dma_wait3A_137 = arith.constant 0 : i32
        %dma_wait3A_138 = arith.constant 0 : i32
        %dma_wait3A_139 = tpu.memref_slice %arg2[%dma_wait3A_137, %dma_wait3A_138] : memref<20480x128xf32, #tpu.memory_space<hbm>> -> memref<80x128xf32, #tpu.memory_space<hbm>>
        %dma_wait3A_140 = arith.constant 0 : i32
        %dma_wait3A_141 = arith.constant 0 : i32
        %dma_wait3A_142 = tpu.memref_slice %arg2[%dma_wait3A_140, %dma_wait3A_141] : memref<20480x128xf32, #tpu.memory_space<hbm>> -> memref<80x128xf32, #tpu.memory_space<hbm>>
        tpu.wait_dma2 semaphore(%arg21 : memref<!tpu.dma_semaphore, #tpu.memory_space<semaphore_mem>>) src(%dma_wait3A_142 : memref<80x128xf32, #tpu.memory_space<hbm>>) dst(%arg14 : memref<80x128xf32, #tpu.memory_space<vmem>>)
      } else {
      }
      %add3A_89 = arith.addi %mul3A_4, %add3A_58 : i32
      %add3A_90 = arith.constant 160 : i32
      %add3A_91 = arith.addi %add3A_89, %add3A_90 : i32
      %dma_start3A_92 = tpu.memref_slice %arg4[%add3A_91] : memref<640000xi32, #tpu.memory_space<hbm>> -> memref<80xi32, #tpu.memory_space<hbm>>
      %dma_start3A_93 = tpu.memref_slice %arg4[%add3A_91] : memref<640000xi32, #tpu.memory_space<hbm>> -> memref<80xi32, #tpu.memory_space<hbm>>
      tpu.enqueue_dma source(%dma_start3A_93 : memref<80xi32, #tpu.memory_space<hbm>>) target(%arg8 : memref<80xi32, #tpu.memory_space<vmem>>) target_semaphore(%arg27 : memref<!tpu.dma_semaphore, #tpu.memory_space<semaphore_mem>>)
      %add3A_94 = arith.constant 160 : i32
      %add3A_95 = arith.addi %add3A_58, %add3A_94 : i32
      %dma_start3A_96 = tpu.memref_slice %arg3[%add3A_95] : memref<320000xi32, #tpu.memory_space<hbm>> -> memref<80xi32, #tpu.memory_space<hbm>>
      %dma_start3A_97 = tpu.memref_slice %arg3[%add3A_95] : memref<320000xi32, #tpu.memory_space<hbm>> -> memref<80xi32, #tpu.memory_space<hbm>>
      tpu.enqueue_dma source(%dma_start3A_97 : memref<80xi32, #tpu.memory_space<hbm>>) target(%arg11 : memref<80xi32, #tpu.memory_space<vmem>>) target_semaphore(%arg24 : memref<!tpu.dma_semaphore, #tpu.memory_space<semaphore_mem>>)
      %dma_wait3A_98 = tpu.memref_slice %arg4[%add3A_63] : memref<640000xi32, #tpu.memory_space<hbm>> -> memref<80xi32, #tpu.memory_space<hbm>>
      %dma_wait3A_99 = tpu.memref_slice %arg4[%add3A_63] : memref<640000xi32, #tpu.memory_space<hbm>> -> memref<80xi32, #tpu.memory_space<hbm>>
      tpu.wait_dma2 semaphore(%arg25 : memref<!tpu.dma_semaphore, #tpu.memory_space<semaphore_mem>>) src(%dma_wait3A_99 : memref<80xi32, #tpu.memory_space<hbm>>) dst(%arg6 : memref<80xi32, #tpu.memory_space<vmem>>)
      %dma_start3A_100 = arith.constant 0 : i32
      %dma_start3A_101 = arith.constant 0 : i32
      %dma_start3A_102 = tpu.memref_slice %arg2[%dma_start3A_100, %dma_start3A_101] : memref<20480x128xf32, #tpu.memory_space<hbm>> -> memref<20480x128xf32, #tpu.memory_space<hbm>>
      tpu.enqueue_indirect_dma source(%dma_start3A_102 : memref<20480x128xf32, #tpu.memory_space<hbm>>) target(%arg12 : memref<80x128xf32, #tpu.memory_space<vmem>>) offsets(%arg6 : memref<80xi32, #tpu.memory_space<vmem>>) semaphore(%arg16 : memref<!tpu.dma_semaphore, #tpu.memory_space<semaphore_mem>>)
      %dma_wait3A_103 = tpu.memref_slice %arg4[%add3A_77] : memref<640000xi32, #tpu.memory_space<hbm>> -> memref<80xi32, #tpu.memory_space<hbm>>
      %dma_wait3A_104 = tpu.memref_slice %arg4[%add3A_77] : memref<640000xi32, #tpu.memory_space<hbm>> -> memref<80xi32, #tpu.memory_space<hbm>>
      tpu.wait_dma2 semaphore(%arg26 : memref<!tpu.dma_semaphore, #tpu.memory_space<semaphore_mem>>) src(%dma_wait3A_104 : memref<80xi32, #tpu.memory_space<hbm>>) dst(%arg7 : memref<80xi32, #tpu.memory_space<vmem>>)
      %dma_start3A_105 = arith.constant 0 : i32
      %dma_start3A_106 = arith.constant 0 : i32
      %dma_start3A_107 = tpu.memref_slice %arg2[%dma_start3A_105, %dma_start3A_106] : memref<20480x128xf32, #tpu.memory_space<hbm>> -> memref<20480x128xf32, #tpu.memory_space<hbm>>
      tpu.enqueue_indirect_dma source(%dma_start3A_107 : memref<20480x128xf32, #tpu.memory_space<hbm>>) target(%arg13 : memref<80x128xf32, #tpu.memory_space<vmem>>) offsets(%arg7 : memref<80xi32, #tpu.memory_space<vmem>>) semaphore(%arg17 : memref<!tpu.dma_semaphore, #tpu.memory_space<semaphore_mem>>)
      %dma_wait3A_108 = tpu.memref_slice %arg4[%add3A_91] : memref<640000xi32, #tpu.memory_space<hbm>> -> memref<80xi32, #tpu.memory_space<hbm>>
      %dma_wait3A_109 = tpu.memref_slice %arg4[%add3A_91] : memref<640000xi32, #tpu.memory_space<hbm>> -> memref<80xi32, #tpu.memory_space<hbm>>
      tpu.wait_dma2 semaphore(%arg27 : memref<!tpu.dma_semaphore, #tpu.memory_space<semaphore_mem>>) src(%dma_wait3A_109 : memref<80xi32, #tpu.memory_space<hbm>>) dst(%arg8 : memref<80xi32, #tpu.memory_space<vmem>>)
      %dma_start3A_110 = arith.constant 0 : i32
      %dma_start3A_111 = arith.constant 0 : i32
      %dma_start3A_112 = tpu.memref_slice %arg2[%dma_start3A_110, %dma_start3A_111] : memref<20480x128xf32, #tpu.memory_space<hbm>> -> memref<20480x128xf32, #tpu.memory_space<hbm>>
      tpu.enqueue_indirect_dma source(%dma_start3A_112 : memref<20480x128xf32, #tpu.memory_space<hbm>>) target(%arg14 : memref<80x128xf32, #tpu.memory_space<vmem>>) offsets(%arg8 : memref<80xi32, #tpu.memory_space<vmem>>) semaphore(%arg18 : memref<!tpu.dma_semaphore, #tpu.memory_space<semaphore_mem>>)
      %dma_wait3A_113 = arith.constant 0 : i32
      %dma_wait3A_114 = arith.constant 0 : i32
      %dma_wait3A_115 = tpu.memref_slice %arg2[%dma_wait3A_113, %dma_wait3A_114] : memref<20480x128xf32, #tpu.memory_space<hbm>> -> memref<20480x128xf32, #tpu.memory_space<hbm>>
      tpu.wait_indirect_dma semaphore(%arg16 : memref<!tpu.dma_semaphore, #tpu.memory_space<semaphore_mem>>) src(%dma_wait3A_115 : memref<20480x128xf32, #tpu.memory_space<hbm>>) dst(%arg12 : memref<80x128xf32, #tpu.memory_space<vmem>>)
      %dma_wait3A_116 = tpu.memref_slice %arg3[%add3A_67] : memref<320000xi32, #tpu.memory_space<hbm>> -> memref<80xi32, #tpu.memory_space<hbm>>
      %dma_wait3A_117 = tpu.memref_slice %arg3[%add3A_67] : memref<320000xi32, #tpu.memory_space<hbm>> -> memref<80xi32, #tpu.memory_space<hbm>>
      tpu.wait_dma2 semaphore(%arg22 : memref<!tpu.dma_semaphore, #tpu.memory_space<semaphore_mem>>) src(%dma_wait3A_117 : memref<80xi32, #tpu.memory_space<hbm>>) dst(%arg9 : memref<80xi32, #tpu.memory_space<vmem>>)
      %dma_start3A_118 = arith.constant 0 : i32
      %dma_start3A_119 = arith.constant 0 : i32
      %dma_start3A_120 = tpu.memref_slice %arg15[%dma_start3A_118, %dma_start3A_119] : memref<10240x128xf32, #tpu.memory_space<vmem_shared>> -> memref<10240x128xf32, #tpu.memory_space<vmem_shared>>
      tpu.enqueue_indirect_dma source(%arg12 : memref<80x128xf32, #tpu.memory_space<vmem>>) target(%dma_start3A_120 : memref<10240x128xf32, #tpu.memory_space<vmem_shared>>) offsets(%arg9 : memref<80xi32, #tpu.memory_space<vmem>>) semaphore(%arg19 : memref<!tpu.dma_semaphore, #tpu.memory_space<semaphore_mem>>) {add = true}
      %dma_wait3A_121 = arith.constant 0 : i32
      %dma_wait3A_122 = arith.constant 0 : i32
      %dma_wait3A_123 = tpu.memref_slice %arg2[%dma_wait3A_121, %dma_wait3A_122] : memref<20480x128xf32, #tpu.memory_space<hbm>> -> memref<20480x128xf32, #tpu.memory_space<hbm>>
      tpu.wait_indirect_dma semaphore(%arg17 : memref<!tpu.dma_semaphore, #tpu.memory_space<semaphore_mem>>) src(%dma_wait3A_123 : memref<20480x128xf32, #tpu.memory_space<hbm>>) dst(%arg13 : memref<80x128xf32, #tpu.memory_space<vmem>>)
      %dma_wait3A_124 = tpu.memref_slice %arg3[%add3A_81] : memref<320000xi32, #tpu.memory_space<hbm>> -> memref<80xi32, #tpu.memory_space<hbm>>
      %dma_wait3A_125 = tpu.memref_slice %arg3[%add3A_81] : memref<320000xi32, #tpu.memory_space<hbm>> -> memref<80xi32, #tpu.memory_space<hbm>>
      tpu.wait_dma2 semaphore(%arg23 : memref<!tpu.dma_semaphore, #tpu.memory_space<semaphore_mem>>) src(%dma_wait3A_125 : memref<80xi32, #tpu.memory_space<hbm>>) dst(%arg10 : memref<80xi32, #tpu.memory_space<vmem>>)
      %dma_start3A_126 = arith.constant 0 : i32
      %dma_start3A_127 = arith.constant 0 : i32
      %dma_start3A_128 = tpu.memref_slice %arg15[%dma_start3A_126, %dma_start3A_127] : memref<10240x128xf32, #tpu.memory_space<vmem_shared>> -> memref<10240x128xf32, #tpu.memory_space<vmem_shared>>
      tpu.enqueue_indirect_dma source(%arg13 : memref<80x128xf32, #tpu.memory_space<vmem>>) target(%dma_start3A_128 : memref<10240x128xf32, #tpu.memory_space<vmem_shared>>) offsets(%arg10 : memref<80xi32, #tpu.memory_space<vmem>>) semaphore(%arg20 : memref<!tpu.dma_semaphore, #tpu.memory_space<semaphore_mem>>) {add = true}
      %dma_wait3A_129 = arith.constant 0 : i32
      %dma_wait3A_130 = arith.constant 0 : i32
      %dma_wait3A_131 = tpu.memref_slice %arg2[%dma_wait3A_129, %dma_wait3A_130] : memref<20480x128xf32, #tpu.memory_space<hbm>> -> memref<20480x128xf32, #tpu.memory_space<hbm>>
      tpu.wait_indirect_dma semaphore(%arg18 : memref<!tpu.dma_semaphore, #tpu.memory_space<semaphore_mem>>) src(%dma_wait3A_131 : memref<20480x128xf32, #tpu.memory_space<hbm>>) dst(%arg14 : memref<80x128xf32, #tpu.memory_space<vmem>>)
      %dma_wait3A_132 = tpu.memref_slice %arg3[%add3A_95] : memref<320000xi32, #tpu.memory_space<hbm>> -> memref<80xi32, #tpu.memory_space<hbm>>
      %dma_wait3A_133 = tpu.memref_slice %arg3[%add3A_95] : memref<320000xi32, #tpu.memory_space<hbm>> -> memref<80xi32, #tpu.memory_space<hbm>>
      tpu.wait_dma2 semaphore(%arg24 : memref<!tpu.dma_semaphore, #tpu.memory_space<semaphore_mem>>) src(%dma_wait3A_133 : memref<80xi32, #tpu.memory_space<hbm>>) dst(%arg11 : memref<80xi32, #tpu.memory_space<vmem>>)
      %dma_start3A_134 = arith.constant 0 : i32
      %dma_start3A_135 = arith.constant 0 : i32
      %dma_start3A_136 = tpu.memref_slice %arg15[%dma_start3A_134, %dma_start3A_135] : memref<10240x128xf32, #tpu.memory_space<vmem_shared>> -> memref<10240x128xf32, #tpu.memory_space<vmem_shared>>
      tpu.enqueue_indirect_dma source(%arg14 : memref<80x128xf32, #tpu.memory_space<vmem>>) target(%dma_start3A_136 : memref<10240x128xf32, #tpu.memory_space<vmem_shared>>) offsets(%arg11 : memref<80xi32, #tpu.memory_space<vmem>>) semaphore(%arg21 : memref<!tpu.dma_semaphore, #tpu.memory_space<semaphore_mem>>) {add = true}
    }
    %scan3A_17 = arith.constant 83 : i32
    %dma_wait3A = arith.constant 0 : i32
    %dma_wait3A_18 = arith.constant 0 : i32
    %dma_wait3A_19 = tpu.memref_slice %arg2[%dma_wait3A, %dma_wait3A_18] : memref<20480x128xf32, #tpu.memory_space<hbm>> -> memref<80x128xf32, #tpu.memory_space<hbm>>
    %dma_wait3A_20 = arith.constant 0 : i32
    %dma_wait3A_21 = arith.constant 0 : i32
    %dma_wait3A_22 = tpu.memref_slice %arg2[%dma_wait3A_20, %dma_wait3A_21] : memref<20480x128xf32, #tpu.memory_space<hbm>> -> memref<80x128xf32, #tpu.memory_space<hbm>>
    tpu.wait_dma2 semaphore(%arg19 : memref<!tpu.dma_semaphore, #tpu.memory_space<semaphore_mem>>) src(%dma_wait3A_22 : memref<80x128xf32, #tpu.memory_space<hbm>>) dst(%arg12 : memref<80x128xf32, #tpu.memory_space<vmem>>)
    %dma_wait3A_23 = arith.constant 0 : i32
    %dma_wait3A_24 = arith.constant 0 : i32
    %dma_wait3A_25 = tpu.memref_slice %arg2[%dma_wait3A_23, %dma_wait3A_24] : memref<20480x128xf32, #tpu.memory_space<hbm>> -> memref<80x128xf32, #tpu.memory_space<hbm>>
    %dma_wait3A_26 = arith.constant 0 : i32
    %dma_wait3A_27 = arith.constant 0 : i32
    %dma_wait3A_28 = tpu.memref_slice %arg2[%dma_wait3A_26, %dma_wait3A_27] : memref<20480x128xf32, #tpu.memory_space<hbm>> -> memref<80x128xf32, #tpu.memory_space<hbm>>
    tpu.wait_dma2 semaphore(%arg20 : memref<!tpu.dma_semaphore, #tpu.memory_space<semaphore_mem>>) src(%dma_wait3A_28 : memref<80x128xf32, #tpu.memory_space<hbm>>) dst(%arg13 : memref<80x128xf32, #tpu.memory_space<vmem>>)
    %dma_wait3A_29 = arith.constant 0 : i32
    %dma_wait3A_30 = arith.constant 0 : i32
    %dma_wait3A_31 = tpu.memref_slice %arg2[%dma_wait3A_29, %dma_wait3A_30] : memref<20480x128xf32, #tpu.memory_space<hbm>> -> memref<80x128xf32, #tpu.memory_space<hbm>>
    %dma_wait3A_32 = arith.constant 0 : i32
    %dma_wait3A_33 = arith.constant 0 : i32
    %dma_wait3A_34 = tpu.memref_slice %arg2[%dma_wait3A_32, %dma_wait3A_33] : memref<20480x128xf32, #tpu.memory_space<hbm>> -> memref<80x128xf32, #tpu.memory_space<hbm>>
    tpu.wait_dma2 semaphore(%arg21 : memref<!tpu.dma_semaphore, #tpu.memory_space<semaphore_mem>>) src(%dma_wait3A_34 : memref<80x128xf32, #tpu.memory_space<hbm>>) dst(%arg14 : memref<80x128xf32, #tpu.memory_space<vmem>>)
    %add3A = arith.constant 19920 : i32
    %add3A_35 = arith.addi %mul3A_11, %add3A : i32
    %add3A_36 = arith.addi %mul3A_4, %add3A_35 : i32
    "tpu.region"() ({
      %run_scoped3A = tpu.sem_alloc : memref<!tpu.dma_semaphore, #tpu.memory_space<semaphore_mem>>
      %dma_start3A_55 = tpu.memref_slice %arg4[%add3A_36] : memref<640000xi32, #tpu.memory_space<hbm>> -> memref<80xi32, #tpu.memory_space<hbm>>
      %dma_start3A_56 = tpu.memref_slice %arg4[%add3A_36] : memref<640000xi32, #tpu.memory_space<hbm>> -> memref<80xi32, #tpu.memory_space<hbm>>
      tpu.enqueue_dma source(%dma_start3A_56 : memref<80xi32, #tpu.memory_space<hbm>>) target(%arg6 : memref<80xi32, #tpu.memory_space<vmem>>) target_semaphore(%run_scoped3A : memref<!tpu.dma_semaphore, #tpu.memory_space<semaphore_mem>>)
      %dma_wait3A_57 = tpu.memref_slice %arg4[%add3A_36] : memref<640000xi32, #tpu.memory_space<hbm>> -> memref<80xi32, #tpu.memory_space<hbm>>
      %dma_wait3A_58 = tpu.memref_slice %arg4[%add3A_36] : memref<640000xi32, #tpu.memory_space<hbm>> -> memref<80xi32, #tpu.memory_space<hbm>>
      tpu.wait_dma2 semaphore(%run_scoped3A : memref<!tpu.dma_semaphore, #tpu.memory_space<semaphore_mem>>) src(%dma_wait3A_58 : memref<80xi32, #tpu.memory_space<hbm>>) dst(%arg6 : memref<80xi32, #tpu.memory_space<vmem>>)
      tpu.yield
    }) : () -> ()
    "tpu.region"() ({
      %run_scoped3A = tpu.sem_alloc : memref<!tpu.dma_semaphore, #tpu.memory_space<semaphore_mem>>
      %dma_start3A_55 = tpu.memref_slice %arg3[%add3A_35] : memref<320000xi32, #tpu.memory_space<hbm>> -> memref<80xi32, #tpu.memory_space<hbm>>
      %dma_start3A_56 = tpu.memref_slice %arg3[%add3A_35] : memref<320000xi32, #tpu.memory_space<hbm>> -> memref<80xi32, #tpu.memory_space<hbm>>
      tpu.enqueue_dma source(%dma_start3A_56 : memref<80xi32, #tpu.memory_space<hbm>>) target(%arg9 : memref<80xi32, #tpu.memory_space<vmem>>) target_semaphore(%run_scoped3A : memref<!tpu.dma_semaphore, #tpu.memory_space<semaphore_mem>>)
      %dma_wait3A_57 = tpu.memref_slice %arg3[%add3A_35] : memref<320000xi32, #tpu.memory_space<hbm>> -> memref<80xi32, #tpu.memory_space<hbm>>
      %dma_wait3A_58 = tpu.memref_slice %arg3[%add3A_35] : memref<320000xi32, #tpu.memory_space<hbm>> -> memref<80xi32, #tpu.memory_space<hbm>>
      tpu.wait_dma2 semaphore(%run_scoped3A : memref<!tpu.dma_semaphore, #tpu.memory_space<semaphore_mem>>) src(%dma_wait3A_58 : memref<80xi32, #tpu.memory_space<hbm>>) dst(%arg9 : memref<80xi32, #tpu.memory_space<vmem>>)
      tpu.yield
    }) : () -> ()
    %dma_start3A = arith.constant 0 : i32
    %dma_start3A_37 = arith.constant 0 : i32
    %dma_start3A_38 = tpu.memref_slice %arg2[%dma_start3A, %dma_start3A_37] : memref<20480x128xf32, #tpu.memory_space<hbm>> -> memref<20480x128xf32, #tpu.memory_space<hbm>>
    tpu.enqueue_indirect_dma source(%dma_start3A_38 : memref<20480x128xf32, #tpu.memory_space<hbm>>) target(%arg12 : memref<80x128xf32, #tpu.memory_space<vmem>>) offsets(%arg6 : memref<80xi32, #tpu.memory_space<vmem>>) semaphore(%arg16 : memref<!tpu.dma_semaphore, #tpu.memory_space<semaphore_mem>>)
    %dma_wait3A_39 = arith.constant 0 : i32
    %dma_wait3A_40 = arith.constant 0 : i32
    %dma_wait3A_41 = tpu.memref_slice %arg2[%dma_wait3A_39, %dma_wait3A_40] : memref<20480x128xf32, #tpu.memory_space<hbm>> -> memref<20480x128xf32, #tpu.memory_space<hbm>>
    tpu.wait_indirect_dma semaphore(%arg16 : memref<!tpu.dma_semaphore, #tpu.memory_space<semaphore_mem>>) src(%dma_wait3A_41 : memref<20480x128xf32, #tpu.memory_space<hbm>>) dst(%arg12 : memref<80x128xf32, #tpu.memory_space<vmem>>)
    %dma_start3A_42 = arith.constant 0 : i32
    %dma_start3A_43 = arith.constant 0 : i32
    %dma_start3A_44 = tpu.memref_slice %arg15[%dma_start3A_42, %dma_start3A_43] : memref<10240x128xf32, #tpu.memory_space<vmem_shared>> -> memref<10240x128xf32, #tpu.memory_space<vmem_shared>>
    tpu.enqueue_indirect_dma source(%arg12 : memref<80x128xf32, #tpu.memory_space<vmem>>) target(%dma_start3A_44 : memref<10240x128xf32, #tpu.memory_space<vmem_shared>>) offsets(%arg9 : memref<80xi32, #tpu.memory_space<vmem>>) semaphore(%arg19 : memref<!tpu.dma_semaphore, #tpu.memory_space<semaphore_mem>>) {add = true}
    %dma_wait3A_45 = arith.constant 0 : i32
    %dma_wait3A_46 = arith.constant 0 : i32
    %dma_wait3A_47 = tpu.memref_slice %arg15[%dma_wait3A_45, %dma_wait3A_46] : memref<10240x128xf32, #tpu.memory_space<vmem_shared>> -> memref<10240x128xf32, #tpu.memory_space<vmem_shared>>
    tpu.wait_indirect_dma semaphore(%arg19 : memref<!tpu.dma_semaphore, #tpu.memory_space<semaphore_mem>>) src(%arg12 : memref<80x128xf32, #tpu.memory_space<vmem>>) dst(%dma_wait3A_47 : memref<10240x128xf32, #tpu.memory_space<vmem_shared>>)
    %barrier3A_48 = arith.constant 0 : index
    tpu.barrier barrier_id(%barrier3A_48)
    %scan3A_49 = arith.constant 0 : i32
    %scan3A_50 = arith.constant 0 : i32
    %scan3A_51 = arith.constant 8 : i32
    %scan3A_52 = arith.addi %scan3A_50, %scan3A_51 : i32
    %scan3A_53 = arith.constant 1 : i32
    scf.for %scan3A_55 = %scan3A_50 to %scan3A_52 step %scan3A_53  : i32 {
      %mul3A_56 = arith.constant 80 : i32
      %mul3A_57 = arith.muli %scan3A_55, %mul3A_56 : i32
      %add3A_58 = arith.addi %mul3A_0, %mul3A_57 : i32
      "tpu.region"() ({
        %run_scoped3A = tpu.sem_alloc : memref<!tpu.dma_semaphore, #tpu.memory_space<semaphore_mem>>
        %dma_start3A_60 = arith.constant 0 : i32
        %dma_start3A_61 = tpu.memref_slice %arg15[%add3A_58, %dma_start3A_60] : memref<10240x128xf32, #tpu.memory_space<vmem_shared>> -> memref<80x128xf32, #tpu.memory_space<vmem_shared>>
        %dma_start3A_62 = arith.constant 0 : i32
        %dma_start3A_63 = tpu.memref_slice %arg15[%add3A_58, %dma_start3A_62] : memref<10240x128xf32, #tpu.memory_space<vmem_shared>> -> memref<80x128xf32, #tpu.memory_space<vmem_shared>>
        tpu.enqueue_dma source(%dma_start3A_63 : memref<80x128xf32, #tpu.memory_space<vmem_shared>>) target(%arg12 : memref<80x128xf32, #tpu.memory_space<vmem>>) target_semaphore(%run_scoped3A : memref<!tpu.dma_semaphore, #tpu.memory_space<semaphore_mem>>)
        %dma_wait3A_64 = arith.constant 0 : i32
        %dma_wait3A_65 = tpu.memref_slice %arg15[%add3A_58, %dma_wait3A_64] : memref<10240x128xf32, #tpu.memory_space<vmem_shared>> -> memref<80x128xf32, #tpu.memory_space<vmem_shared>>
        %dma_wait3A_66 = arith.constant 0 : i32
        %dma_wait3A_67 = tpu.memref_slice %arg15[%add3A_58, %dma_wait3A_66] : memref<10240x128xf32, #tpu.memory_space<vmem_shared>> -> memref<80x128xf32, #tpu.memory_space<vmem_shared>>
        tpu.wait_dma2 semaphore(%run_scoped3A : memref<!tpu.dma_semaphore, #tpu.memory_space<semaphore_mem>>) src(%dma_wait3A_67 : memref<80x128xf32, #tpu.memory_space<vmem_shared>>) dst(%arg12 : memref<80x128xf32, #tpu.memory_space<vmem>>)
        tpu.yield
      }) : () -> ()
      %add3A_59 = arith.addi %mul3A_2, %add3A_58 : i32
      "tpu.region"() ({
        %run_scoped3A = tpu.sem_alloc : memref<!tpu.dma_semaphore, #tpu.memory_space<semaphore_mem>>
        %dma_start3A_60 = arith.constant 0 : i32
        %dma_start3A_61 = tpu.memref_slice %arg5[%add3A_59, %dma_start3A_60] : memref<20480x128xf32, #tpu.memory_space<hbm>> -> memref<80x128xf32, #tpu.memory_space<hbm>>
        %dma_start3A_62 = arith.constant 0 : i32
        %dma_start3A_63 = tpu.memref_slice %arg5[%add3A_59, %dma_start3A_62] : memref<20480x128xf32, #tpu.memory_space<hbm>> -> memref<80x128xf32, #tpu.memory_space<hbm>>
        tpu.enqueue_dma source(%arg12 : memref<80x128xf32, #tpu.memory_space<vmem>>) target(%dma_start3A_63 : memref<80x128xf32, #tpu.memory_space<hbm>>) target_semaphore(%run_scoped3A : memref<!tpu.dma_semaphore, #tpu.memory_space<semaphore_mem>>)
        %dma_wait3A_64 = arith.constant 0 : i32
        %dma_wait3A_65 = tpu.memref_slice %arg5[%add3A_59, %dma_wait3A_64] : memref<20480x128xf32, #tpu.memory_space<hbm>> -> memref<80x128xf32, #tpu.memory_space<hbm>>
        %dma_wait3A_66 = arith.constant 0 : i32
        %dma_wait3A_67 = tpu.memref_slice %arg5[%add3A_59, %dma_wait3A_66] : memref<20480x128xf32, #tpu.memory_space<hbm>> -> memref<80x128xf32, #tpu.memory_space<hbm>>
        tpu.wait_dma2 semaphore(%run_scoped3A : memref<!tpu.dma_semaphore, #tpu.memory_space<semaphore_mem>>) src(%arg12 : memref<80x128xf32, #tpu.memory_space<vmem>>) dst(%dma_wait3A_67 : memref<80x128xf32, #tpu.memory_space<hbm>>)
        tpu.yield
      }) : () -> ()
    }
    %scan3A_54 = arith.constant 8 : i32
    return
  }
}

#map = affine_map<(d0, d1) -> (0)>
#map1 = affine_map<(d0, d1) -> (0, 0)>
module attributes {stable_mosaic.version = 14 : i64} {
  func.func @deg_k(%arg0: i32, %arg1: i32, %arg2: memref<320000xi32, #tpu.memory_space<hbm>>, %arg3: memref<20480x16xf32, #tpu.memory_space<hbm>>, %arg4: memref<80xi32, #tpu.memory_space<vmem>>, %arg5: memref<80x16xf32, #tpu.memory_space<vmem>>, %arg6: memref<128x16xf32, #tpu.memory_space<vmem>>, %arg7: memref<10240x16xf32, #tpu.memory_space<vmem_shared>>) attributes {dimension_semantics = [#tpu.dimension_semantics<core_parallel>, #tpu.dimension_semantics<subcore_parallel>], iteration_bounds = array<i64: 2, 16>, scalar_prefetch = 0 : i64, scratch_operands = 4 : i64, tpu.core_type = #tpu.core_type<sc_vector_subcore>, window_params = [{transform_indices = #map}, {transform_indices = #map1}]} {
    %mul3A = arith.constant 16 : i32
    %mul3A_0 = arith.muli %arg0, %mul3A : i32
    %add3A = arith.addi %mul3A_0, %arg1 : i32
    %broadcast_in_dim3A = arith.constant 1.000000e+00 : f32
    %broadcast_in_dim3A_1 = vector.broadcast %broadcast_in_dim3A : f32 to vector<16xf32>
    %broadcast_in_dim3A_2 = arith.constant 0.000000e+00 : f32
    %broadcast_in_dim3A_3 = vector.broadcast %broadcast_in_dim3A_2 : f32 to vector<16xf32>
    %swap3A = arith.constant 0 : i32
    %swap3A_4 = arith.index_cast %swap3A : i32 to index
    %swap3A_5 = arith.constant 0 : index
    %swap3A_6 = tpu.vector_load %arg5[%swap3A_4, %swap3A_5] {strides = array<i32>} : memref<80x16xf32, #tpu.memory_space<vmem>>, vector<1x16xf32>,
    %swap3A_7 = vector.shape_cast %swap3A_6 : vector<1x16xf32> to vector<16xf32>
    %swap3A_8 = vector.shape_cast %broadcast_in_dim3A_1 : vector<16xf32> to vector<1x16xf32>
    tpu.vector_store %arg5[%swap3A_4, %swap3A_5], %swap3A_8 {strides = array<i32>} : memref<80x16xf32, #tpu.memory_space<vmem>>, vector<1x16xf32>,
    %swap3A_9 = arith.constant 1 : i32
    %swap3A_10 = arith.index_cast %swap3A_9 : i32 to index
    %swap3A_11 = arith.constant 0 : index
    %swap3A_12 = tpu.vector_load %arg5[%swap3A_10, %swap3A_11] {strides = array<i32>} : memref<80x16xf32, #tpu.memory_space<vmem>>, vector<1x16xf32>,
    %swap3A_13 = vector.shape_cast %swap3A_12 : vector<1x16xf32> to vector<16xf32>
    %swap3A_14 = vector.shape_cast %broadcast_in_dim3A_1 : vector<16xf32> to vector<1x16xf32>
    tpu.vector_store %arg5[%swap3A_10, %swap3A_11], %swap3A_14 {strides = array<i32>} : memref<80x16xf32, #tpu.memory_space<vmem>>, vector<1x16xf32>,
    %swap3A_15 = arith.constant 2 : i32
    %swap3A_16 = arith.index_cast %swap3A_15 : i32 to index
    %swap3A_17 = arith.constant 0 : index
    %swap3A_18 = tpu.vector_load %arg5[%swap3A_16, %swap3A_17] {strides = array<i32>} : memref<80x16xf32, #tpu.memory_space<vmem>>, vector<1x16xf32>,
    %swap3A_19 = vector.shape_cast %swap3A_18 : vector<1x16xf32> to vector<16xf32>
    %swap3A_20 = vector.shape_cast %broadcast_in_dim3A_1 : vector<16xf32> to vector<1x16xf32>
    tpu.vector_store %arg5[%swap3A_16, %swap3A_17], %swap3A_20 {strides = array<i32>} : memref<80x16xf32, #tpu.memory_space<vmem>>, vector<1x16xf32>,
    %swap3A_21 = arith.constant 3 : i32
    %swap3A_22 = arith.index_cast %swap3A_21 : i32 to index
    %swap3A_23 = arith.constant 0 : index
    %swap3A_24 = tpu.vector_load %arg5[%swap3A_22, %swap3A_23] {strides = array<i32>} : memref<80x16xf32, #tpu.memory_space<vmem>>, vector<1x16xf32>,
    %swap3A_25 = vector.shape_cast %swap3A_24 : vector<1x16xf32> to vector<16xf32>
    %swap3A_26 = vector.shape_cast %broadcast_in_dim3A_1 : vector<16xf32> to vector<1x16xf32>
    tpu.vector_store %arg5[%swap3A_22, %swap3A_23], %swap3A_26 {strides = array<i32>} : memref<80x16xf32, #tpu.memory_space<vmem>>, vector<1x16xf32>,
    %swap3A_27 = arith.constant 4 : i32
    %swap3A_28 = arith.index_cast %swap3A_27 : i32 to index
    %swap3A_29 = arith.constant 0 : index
    %swap3A_30 = tpu.vector_load %arg5[%swap3A_28, %swap3A_29] {strides = array<i32>} : memref<80x16xf32, #tpu.memory_space<vmem>>, vector<1x16xf32>,
    %swap3A_31 = vector.shape_cast %swap3A_30 : vector<1x16xf32> to vector<16xf32>
    %swap3A_32 = vector.shape_cast %broadcast_in_dim3A_1 : vector<16xf32> to vector<1x16xf32>
    tpu.vector_store %arg5[%swap3A_28, %swap3A_29], %swap3A_32 {strides = array<i32>} : memref<80x16xf32, #tpu.memory_space<vmem>>, vector<1x16xf32>,
    %swap3A_33 = arith.constant 5 : i32
    %swap3A_34 = arith.index_cast %swap3A_33 : i32 to index
    %swap3A_35 = arith.constant 0 : index
    %swap3A_36 = tpu.vector_load %arg5[%swap3A_34, %swap3A_35] {strides = array<i32>} : memref<80x16xf32, #tpu.memory_space<vmem>>, vector<1x16xf32>,
    %swap3A_37 = vector.shape_cast %swap3A_36 : vector<1x16xf32> to vector<16xf32>
    %swap3A_38 = vector.shape_cast %broadcast_in_dim3A_1 : vector<16xf32> to vector<1x16xf32>
    tpu.vector_store %arg5[%swap3A_34, %swap3A_35], %swap3A_38 {strides = array<i32>} : memref<80x16xf32, #tpu.memory_space<vmem>>, vector<1x16xf32>,
    %swap3A_39 = arith.constant 6 : i32
    %swap3A_40 = arith.index_cast %swap3A_39 : i32 to index
    %swap3A_41 = arith.constant 0 : index
    %swap3A_42 = tpu.vector_load %arg5[%swap3A_40, %swap3A_41] {strides = array<i32>} : memref<80x16xf32, #tpu.memory_space<vmem>>, vector<1x16xf32>,
    %swap3A_43 = vector.shape_cast %swap3A_42 : vector<1x16xf32> to vector<16xf32>
    %swap3A_44 = vector.shape_cast %broadcast_in_dim3A_1 : vector<16xf32> to vector<1x16xf32>
    tpu.vector_store %arg5[%swap3A_40, %swap3A_41], %swap3A_44 {strides = array<i32>} : memref<80x16xf32, #tpu.memory_space<vmem>>, vector<1x16xf32>,
    %swap3A_45 = arith.constant 7 : i32
    %swap3A_46 = arith.index_cast %swap3A_45 : i32 to index
    %swap3A_47 = arith.constant 0 : index
    %swap3A_48 = tpu.vector_load %arg5[%swap3A_46, %swap3A_47] {strides = array<i32>} : memref<80x16xf32, #tpu.memory_space<vmem>>, vector<1x16xf32>,
    %swap3A_49 = vector.shape_cast %swap3A_48 : vector<1x16xf32> to vector<16xf32>
    %swap3A_50 = vector.shape_cast %broadcast_in_dim3A_1 : vector<16xf32> to vector<1x16xf32>
    tpu.vector_store %arg5[%swap3A_46, %swap3A_47], %swap3A_50 {strides = array<i32>} : memref<80x16xf32, #tpu.memory_space<vmem>>, vector<1x16xf32>,
    %swap3A_51 = arith.constant 8 : i32
    %swap3A_52 = arith.index_cast %swap3A_51 : i32 to index
    %swap3A_53 = arith.constant 0 : index
    %swap3A_54 = tpu.vector_load %arg5[%swap3A_52, %swap3A_53] {strides = array<i32>} : memref<80x16xf32, #tpu.memory_space<vmem>>, vector<1x16xf32>,
    %swap3A_55 = vector.shape_cast %swap3A_54 : vector<1x16xf32> to vector<16xf32>
    %swap3A_56 = vector.shape_cast %broadcast_in_dim3A_1 : vector<16xf32> to vector<1x16xf32>
    tpu.vector_store %arg5[%swap3A_52, %swap3A_53], %swap3A_56 {strides = array<i32>} : memref<80x16xf32, #tpu.memory_space<vmem>>, vector<1x16xf32>,
    %swap3A_57 = arith.constant 9 : i32
    %swap3A_58 = arith.index_cast %swap3A_57 : i32 to index
    %swap3A_59 = arith.constant 0 : index
    %swap3A_60 = tpu.vector_load %arg5[%swap3A_58, %swap3A_59] {strides = array<i32>} : memref<80x16xf32, #tpu.memory_space<vmem>>, vector<1x16xf32>,
    %swap3A_61 = vector.shape_cast %swap3A_60 : vector<1x16xf32> to vector<16xf32>
    %swap3A_62 = vector.shape_cast %broadcast_in_dim3A_1 : vector<16xf32> to vector<1x16xf32>
    tpu.vector_store %arg5[%swap3A_58, %swap3A_59], %swap3A_62 {strides = array<i32>} : memref<80x16xf32, #tpu.memory_space<vmem>>, vector<1x16xf32>,
    %swap3A_63 = arith.constant 10 : i32
    %swap3A_64 = arith.index_cast %swap3A_63 : i32 to index
    %swap3A_65 = arith.constant 0 : index
    %swap3A_66 = tpu.vector_load %arg5[%swap3A_64, %swap3A_65] {strides = array<i32>} : memref<80x16xf32, #tpu.memory_space<vmem>>, vector<1x16xf32>,
    %swap3A_67 = vector.shape_cast %swap3A_66 : vector<1x16xf32> to vector<16xf32>
    %swap3A_68 = vector.shape_cast %broadcast_in_dim3A_1 : vector<16xf32> to vector<1x16xf32>
    tpu.vector_store %arg5[%swap3A_64, %swap3A_65], %swap3A_68 {strides = array<i32>} : memref<80x16xf32, #tpu.memory_space<vmem>>, vector<1x16xf32>,
    %swap3A_69 = arith.constant 11 : i32
    %swap3A_70 = arith.index_cast %swap3A_69 : i32 to index
    %swap3A_71 = arith.constant 0 : index
    %swap3A_72 = tpu.vector_load %arg5[%swap3A_70, %swap3A_71] {strides = array<i32>} : memref<80x16xf32, #tpu.memory_space<vmem>>, vector<1x16xf32>,
    %swap3A_73 = vector.shape_cast %swap3A_72 : vector<1x16xf32> to vector<16xf32>
    %swap3A_74 = vector.shape_cast %broadcast_in_dim3A_1 : vector<16xf32> to vector<1x16xf32>
    tpu.vector_store %arg5[%swap3A_70, %swap3A_71], %swap3A_74 {strides = array<i32>} : memref<80x16xf32, #tpu.memory_space<vmem>>, vector<1x16xf32>,
    %swap3A_75 = arith.constant 12 : i32
    %swap3A_76 = arith.index_cast %swap3A_75 : i32 to index
    %swap3A_77 = arith.constant 0 : index
    %swap3A_78 = tpu.vector_load %arg5[%swap3A_76, %swap3A_77] {strides = array<i32>} : memref<80x16xf32, #tpu.memory_space<vmem>>, vector<1x16xf32>,
    %swap3A_79 = vector.shape_cast %swap3A_78 : vector<1x16xf32> to vector<16xf32>
    %swap3A_80 = vector.shape_cast %broadcast_in_dim3A_1 : vector<16xf32> to vector<1x16xf32>
    tpu.vector_store %arg5[%swap3A_76, %swap3A_77], %swap3A_80 {strides = array<i32>} : memref<80x16xf32, #tpu.memory_space<vmem>>, vector<1x16xf32>,
    %swap3A_81 = arith.constant 13 : i32
    %swap3A_82 = arith.index_cast %swap3A_81 : i32 to index
    %swap3A_83 = arith.constant 0 : index
    %swap3A_84 = tpu.vector_load %arg5[%swap3A_82, %swap3A_83] {strides = array<i32>} : memref<80x16xf32, #tpu.memory_space<vmem>>, vector<1x16xf32>,
    %swap3A_85 = vector.shape_cast %swap3A_84 : vector<1x16xf32> to vector<16xf32>
    %swap3A_86 = vector.shape_cast %broadcast_in_dim3A_1 : vector<16xf32> to vector<1x16xf32>
    tpu.vector_store %arg5[%swap3A_82, %swap3A_83], %swap3A_86 {strides = array<i32>} : memref<80x16xf32, #tpu.memory_space<vmem>>, vector<1x16xf32>,
    %swap3A_87 = arith.constant 14 : i32
    %swap3A_88 = arith.index_cast %swap3A_87 : i32 to index
    %swap3A_89 = arith.constant 0 : index
    %swap3A_90 = tpu.vector_load %arg5[%swap3A_88, %swap3A_89] {strides = array<i32>} : memref<80x16xf32, #tpu.memory_space<vmem>>, vector<1x16xf32>,
    %swap3A_91 = vector.shape_cast %swap3A_90 : vector<1x16xf32> to vector<16xf32>
    %swap3A_92 = vector.shape_cast %broadcast_in_dim3A_1 : vector<16xf32> to vector<1x16xf32>
    tpu.vector_store %arg5[%swap3A_88, %swap3A_89], %swap3A_92 {strides = array<i32>} : memref<80x16xf32, #tpu.memory_space<vmem>>, vector<1x16xf32>,
    %swap3A_93 = arith.constant 15 : i32
    %swap3A_94 = arith.index_cast %swap3A_93 : i32 to index
    %swap3A_95 = arith.constant 0 : index
    %swap3A_96 = tpu.vector_load %arg5[%swap3A_94, %swap3A_95] {strides = array<i32>} : memref<80x16xf32, #tpu.memory_space<vmem>>, vector<1x16xf32>,
    %swap3A_97 = vector.shape_cast %swap3A_96 : vector<1x16xf32> to vector<16xf32>
    %swap3A_98 = vector.shape_cast %broadcast_in_dim3A_1 : vector<16xf32> to vector<1x16xf32>
    tpu.vector_store %arg5[%swap3A_94, %swap3A_95], %swap3A_98 {strides = array<i32>} : memref<80x16xf32, #tpu.memory_space<vmem>>, vector<1x16xf32>,
    %swap3A_99 = arith.constant 16 : i32
    %swap3A_100 = arith.index_cast %swap3A_99 : i32 to index
    %swap3A_101 = arith.constant 0 : index
    %swap3A_102 = tpu.vector_load %arg5[%swap3A_100, %swap3A_101] {strides = array<i32>} : memref<80x16xf32, #tpu.memory_space<vmem>>, vector<1x16xf32>,
    %swap3A_103 = vector.shape_cast %swap3A_102 : vector<1x16xf32> to vector<16xf32>
    %swap3A_104 = vector.shape_cast %broadcast_in_dim3A_1 : vector<16xf32> to vector<1x16xf32>
    tpu.vector_store %arg5[%swap3A_100, %swap3A_101], %swap3A_104 {strides = array<i32>} : memref<80x16xf32, #tpu.memory_space<vmem>>, vector<1x16xf32>,
    %swap3A_105 = arith.constant 17 : i32
    %swap3A_106 = arith.index_cast %swap3A_105 : i32 to index
    %swap3A_107 = arith.constant 0 : index
    %swap3A_108 = tpu.vector_load %arg5[%swap3A_106, %swap3A_107] {strides = array<i32>} : memref<80x16xf32, #tpu.memory_space<vmem>>, vector<1x16xf32>,
    %swap3A_109 = vector.shape_cast %swap3A_108 : vector<1x16xf32> to vector<16xf32>
    %swap3A_110 = vector.shape_cast %broadcast_in_dim3A_1 : vector<16xf32> to vector<1x16xf32>
    tpu.vector_store %arg5[%swap3A_106, %swap3A_107], %swap3A_110 {strides = array<i32>} : memref<80x16xf32, #tpu.memory_space<vmem>>, vector<1x16xf32>,
    %swap3A_111 = arith.constant 18 : i32
    %swap3A_112 = arith.index_cast %swap3A_111 : i32 to index
    %swap3A_113 = arith.constant 0 : index
    %swap3A_114 = tpu.vector_load %arg5[%swap3A_112, %swap3A_113] {strides = array<i32>} : memref<80x16xf32, #tpu.memory_space<vmem>>, vector<1x16xf32>,
    %swap3A_115 = vector.shape_cast %swap3A_114 : vector<1x16xf32> to vector<16xf32>
    %swap3A_116 = vector.shape_cast %broadcast_in_dim3A_1 : vector<16xf32> to vector<1x16xf32>
    tpu.vector_store %arg5[%swap3A_112, %swap3A_113], %swap3A_116 {strides = array<i32>} : memref<80x16xf32, #tpu.memory_space<vmem>>, vector<1x16xf32>,
    %swap3A_117 = arith.constant 19 : i32
    %swap3A_118 = arith.index_cast %swap3A_117 : i32 to index
    %swap3A_119 = arith.constant 0 : index
    %swap3A_120 = tpu.vector_load %arg5[%swap3A_118, %swap3A_119] {strides = array<i32>} : memref<80x16xf32, #tpu.memory_space<vmem>>, vector<1x16xf32>,
    %swap3A_121 = vector.shape_cast %swap3A_120 : vector<1x16xf32> to vector<16xf32>
    %swap3A_122 = vector.shape_cast %broadcast_in_dim3A_1 : vector<16xf32> to vector<1x16xf32>
    tpu.vector_store %arg5[%swap3A_118, %swap3A_119], %swap3A_122 {strides = array<i32>} : memref<80x16xf32, #tpu.memory_space<vmem>>, vector<1x16xf32>,
    %swap3A_123 = arith.constant 20 : i32
    %swap3A_124 = arith.index_cast %swap3A_123 : i32 to index
    %swap3A_125 = arith.constant 0 : index
    %swap3A_126 = tpu.vector_load %arg5[%swap3A_124, %swap3A_125] {strides = array<i32>} : memref<80x16xf32, #tpu.memory_space<vmem>>, vector<1x16xf32>,
    %swap3A_127 = vector.shape_cast %swap3A_126 : vector<1x16xf32> to vector<16xf32>
    %swap3A_128 = vector.shape_cast %broadcast_in_dim3A_1 : vector<16xf32> to vector<1x16xf32>
    tpu.vector_store %arg5[%swap3A_124, %swap3A_125], %swap3A_128 {strides = array<i32>} : memref<80x16xf32, #tpu.memory_space<vmem>>, vector<1x16xf32>,
    %swap3A_129 = arith.constant 21 : i32
    %swap3A_130 = arith.index_cast %swap3A_129 : i32 to index
    %swap3A_131 = arith.constant 0 : index
    %swap3A_132 = tpu.vector_load %arg5[%swap3A_130, %swap3A_131] {strides = array<i32>} : memref<80x16xf32, #tpu.memory_space<vmem>>, vector<1x16xf32>,
    %swap3A_133 = vector.shape_cast %swap3A_132 : vector<1x16xf32> to vector<16xf32>
    %swap3A_134 = vector.shape_cast %broadcast_in_dim3A_1 : vector<16xf32> to vector<1x16xf32>
    tpu.vector_store %arg5[%swap3A_130, %swap3A_131], %swap3A_134 {strides = array<i32>} : memref<80x16xf32, #tpu.memory_space<vmem>>, vector<1x16xf32>,
    %swap3A_135 = arith.constant 22 : i32
    %swap3A_136 = arith.index_cast %swap3A_135 : i32 to index
    %swap3A_137 = arith.constant 0 : index
    %swap3A_138 = tpu.vector_load %arg5[%swap3A_136, %swap3A_137] {strides = array<i32>} : memref<80x16xf32, #tpu.memory_space<vmem>>, vector<1x16xf32>,
    %swap3A_139 = vector.shape_cast %swap3A_138 : vector<1x16xf32> to vector<16xf32>
    %swap3A_140 = vector.shape_cast %broadcast_in_dim3A_1 : vector<16xf32> to vector<1x16xf32>
    tpu.vector_store %arg5[%swap3A_136, %swap3A_137], %swap3A_140 {strides = array<i32>} : memref<80x16xf32, #tpu.memory_space<vmem>>, vector<1x16xf32>,
    %swap3A_141 = arith.constant 23 : i32
    %swap3A_142 = arith.index_cast %swap3A_141 : i32 to index
    %swap3A_143 = arith.constant 0 : index
    %swap3A_144 = tpu.vector_load %arg5[%swap3A_142, %swap3A_143] {strides = array<i32>} : memref<80x16xf32, #tpu.memory_space<vmem>>, vector<1x16xf32>,
    %swap3A_145 = vector.shape_cast %swap3A_144 : vector<1x16xf32> to vector<16xf32>
    %swap3A_146 = vector.shape_cast %broadcast_in_dim3A_1 : vector<16xf32> to vector<1x16xf32>
    tpu.vector_store %arg5[%swap3A_142, %swap3A_143], %swap3A_146 {strides = array<i32>} : memref<80x16xf32, #tpu.memory_space<vmem>>, vector<1x16xf32>,
    %swap3A_147 = arith.constant 24 : i32
    %swap3A_148 = arith.index_cast %swap3A_147 : i32 to index
    %swap3A_149 = arith.constant 0 : index
    %swap3A_150 = tpu.vector_load %arg5[%swap3A_148, %swap3A_149] {strides = array<i32>} : memref<80x16xf32, #tpu.memory_space<vmem>>, vector<1x16xf32>,
    %swap3A_151 = vector.shape_cast %swap3A_150 : vector<1x16xf32> to vector<16xf32>
    %swap3A_152 = vector.shape_cast %broadcast_in_dim3A_1 : vector<16xf32> to vector<1x16xf32>
    tpu.vector_store %arg5[%swap3A_148, %swap3A_149], %swap3A_152 {strides = array<i32>} : memref<80x16xf32, #tpu.memory_space<vmem>>, vector<1x16xf32>,
    %swap3A_153 = arith.constant 25 : i32
    %swap3A_154 = arith.index_cast %swap3A_153 : i32 to index
    %swap3A_155 = arith.constant 0 : index
    %swap3A_156 = tpu.vector_load %arg5[%swap3A_154, %swap3A_155] {strides = array<i32>} : memref<80x16xf32, #tpu.memory_space<vmem>>, vector<1x16xf32>,
    %swap3A_157 = vector.shape_cast %swap3A_156 : vector<1x16xf32> to vector<16xf32>
    %swap3A_158 = vector.shape_cast %broadcast_in_dim3A_1 : vector<16xf32> to vector<1x16xf32>
    tpu.vector_store %arg5[%swap3A_154, %swap3A_155], %swap3A_158 {strides = array<i32>} : memref<80x16xf32, #tpu.memory_space<vmem>>, vector<1x16xf32>,
    %swap3A_159 = arith.constant 26 : i32
    %swap3A_160 = arith.index_cast %swap3A_159 : i32 to index
    %swap3A_161 = arith.constant 0 : index
    %swap3A_162 = tpu.vector_load %arg5[%swap3A_160, %swap3A_161] {strides = array<i32>} : memref<80x16xf32, #tpu.memory_space<vmem>>, vector<1x16xf32>,
    %swap3A_163 = vector.shape_cast %swap3A_162 : vector<1x16xf32> to vector<16xf32>
    %swap3A_164 = vector.shape_cast %broadcast_in_dim3A_1 : vector<16xf32> to vector<1x16xf32>
    tpu.vector_store %arg5[%swap3A_160, %swap3A_161], %swap3A_164 {strides = array<i32>} : memref<80x16xf32, #tpu.memory_space<vmem>>, vector<1x16xf32>,
    %swap3A_165 = arith.constant 27 : i32
    %swap3A_166 = arith.index_cast %swap3A_165 : i32 to index
    %swap3A_167 = arith.constant 0 : index
    %swap3A_168 = tpu.vector_load %arg5[%swap3A_166, %swap3A_167] {strides = array<i32>} : memref<80x16xf32, #tpu.memory_space<vmem>>, vector<1x16xf32>,
    %swap3A_169 = vector.shape_cast %swap3A_168 : vector<1x16xf32> to vector<16xf32>
    %swap3A_170 = vector.shape_cast %broadcast_in_dim3A_1 : vector<16xf32> to vector<1x16xf32>
    tpu.vector_store %arg5[%swap3A_166, %swap3A_167], %swap3A_170 {strides = array<i32>} : memref<80x16xf32, #tpu.memory_space<vmem>>, vector<1x16xf32>,
    %swap3A_171 = arith.constant 28 : i32
    %swap3A_172 = arith.index_cast %swap3A_171 : i32 to index
    %swap3A_173 = arith.constant 0 : index
    %swap3A_174 = tpu.vector_load %arg5[%swap3A_172, %swap3A_173] {strides = array<i32>} : memref<80x16xf32, #tpu.memory_space<vmem>>, vector<1x16xf32>,
    %swap3A_175 = vector.shape_cast %swap3A_174 : vector<1x16xf32> to vector<16xf32>
    %swap3A_176 = vector.shape_cast %broadcast_in_dim3A_1 : vector<16xf32> to vector<1x16xf32>
    tpu.vector_store %arg5[%swap3A_172, %swap3A_173], %swap3A_176 {strides = array<i32>} : memref<80x16xf32, #tpu.memory_space<vmem>>, vector<1x16xf32>,
    %swap3A_177 = arith.constant 29 : i32
    %swap3A_178 = arith.index_cast %swap3A_177 : i32 to index
    %swap3A_179 = arith.constant 0 : index
    %swap3A_180 = tpu.vector_load %arg5[%swap3A_178, %swap3A_179] {strides = array<i32>} : memref<80x16xf32, #tpu.memory_space<vmem>>, vector<1x16xf32>,
    %swap3A_181 = vector.shape_cast %swap3A_180 : vector<1x16xf32> to vector<16xf32>
    %swap3A_182 = vector.shape_cast %broadcast_in_dim3A_1 : vector<16xf32> to vector<1x16xf32>
    tpu.vector_store %arg5[%swap3A_178, %swap3A_179], %swap3A_182 {strides = array<i32>} : memref<80x16xf32, #tpu.memory_space<vmem>>, vector<1x16xf32>,
    %swap3A_183 = arith.constant 30 : i32
    %swap3A_184 = arith.index_cast %swap3A_183 : i32 to index
    %swap3A_185 = arith.constant 0 : index
    %swap3A_186 = tpu.vector_load %arg5[%swap3A_184, %swap3A_185] {strides = array<i32>} : memref<80x16xf32, #tpu.memory_space<vmem>>, vector<1x16xf32>,
    %swap3A_187 = vector.shape_cast %swap3A_186 : vector<1x16xf32> to vector<16xf32>
    %swap3A_188 = vector.shape_cast %broadcast_in_dim3A_1 : vector<16xf32> to vector<1x16xf32>
    tpu.vector_store %arg5[%swap3A_184, %swap3A_185], %swap3A_188 {strides = array<i32>} : memref<80x16xf32, #tpu.memory_space<vmem>>, vector<1x16xf32>,
    %swap3A_189 = arith.constant 31 : i32
    %swap3A_190 = arith.index_cast %swap3A_189 : i32 to index
    %swap3A_191 = arith.constant 0 : index
    %swap3A_192 = tpu.vector_load %arg5[%swap3A_190, %swap3A_191] {strides = array<i32>} : memref<80x16xf32, #tpu.memory_space<vmem>>, vector<1x16xf32>,
    %swap3A_193 = vector.shape_cast %swap3A_192 : vector<1x16xf32> to vector<16xf32>
    %swap3A_194 = vector.shape_cast %broadcast_in_dim3A_1 : vector<16xf32> to vector<1x16xf32>
    tpu.vector_store %arg5[%swap3A_190, %swap3A_191], %swap3A_194 {strides = array<i32>} : memref<80x16xf32, #tpu.memory_space<vmem>>, vector<1x16xf32>,
    %swap3A_195 = arith.constant 32 : i32
    %swap3A_196 = arith.index_cast %swap3A_195 : i32 to index
    %swap3A_197 = arith.constant 0 : index
    %swap3A_198 = tpu.vector_load %arg5[%swap3A_196, %swap3A_197] {strides = array<i32>} : memref<80x16xf32, #tpu.memory_space<vmem>>, vector<1x16xf32>,
    %swap3A_199 = vector.shape_cast %swap3A_198 : vector<1x16xf32> to vector<16xf32>
    %swap3A_200 = vector.shape_cast %broadcast_in_dim3A_1 : vector<16xf32> to vector<1x16xf32>
    tpu.vector_store %arg5[%swap3A_196, %swap3A_197], %swap3A_200 {strides = array<i32>} : memref<80x16xf32, #tpu.memory_space<vmem>>, vector<1x16xf32>,
    %swap3A_201 = arith.constant 33 : i32
    %swap3A_202 = arith.index_cast %swap3A_201 : i32 to index
    %swap3A_203 = arith.constant 0 : index
    %swap3A_204 = tpu.vector_load %arg5[%swap3A_202, %swap3A_203] {strides = array<i32>} : memref<80x16xf32, #tpu.memory_space<vmem>>, vector<1x16xf32>,
    %swap3A_205 = vector.shape_cast %swap3A_204 : vector<1x16xf32> to vector<16xf32>
    %swap3A_206 = vector.shape_cast %broadcast_in_dim3A_1 : vector<16xf32> to vector<1x16xf32>
    tpu.vector_store %arg5[%swap3A_202, %swap3A_203], %swap3A_206 {strides = array<i32>} : memref<80x16xf32, #tpu.memory_space<vmem>>, vector<1x16xf32>,
    %swap3A_207 = arith.constant 34 : i32
    %swap3A_208 = arith.index_cast %swap3A_207 : i32 to index
    %swap3A_209 = arith.constant 0 : index
    %swap3A_210 = tpu.vector_load %arg5[%swap3A_208, %swap3A_209] {strides = array<i32>} : memref<80x16xf32, #tpu.memory_space<vmem>>, vector<1x16xf32>,
    %swap3A_211 = vector.shape_cast %swap3A_210 : vector<1x16xf32> to vector<16xf32>
    %swap3A_212 = vector.shape_cast %broadcast_in_dim3A_1 : vector<16xf32> to vector<1x16xf32>
    tpu.vector_store %arg5[%swap3A_208, %swap3A_209], %swap3A_212 {strides = array<i32>} : memref<80x16xf32, #tpu.memory_space<vmem>>, vector<1x16xf32>,
    %swap3A_213 = arith.constant 35 : i32
    %swap3A_214 = arith.index_cast %swap3A_213 : i32 to index
    %swap3A_215 = arith.constant 0 : index
    %swap3A_216 = tpu.vector_load %arg5[%swap3A_214, %swap3A_215] {strides = array<i32>} : memref<80x16xf32, #tpu.memory_space<vmem>>, vector<1x16xf32>,
    %swap3A_217 = vector.shape_cast %swap3A_216 : vector<1x16xf32> to vector<16xf32>
    %swap3A_218 = vector.shape_cast %broadcast_in_dim3A_1 : vector<16xf32> to vector<1x16xf32>
    tpu.vector_store %arg5[%swap3A_214, %swap3A_215], %swap3A_218 {strides = array<i32>} : memref<80x16xf32, #tpu.memory_space<vmem>>, vector<1x16xf32>,
    %swap3A_219 = arith.constant 36 : i32
    %swap3A_220 = arith.index_cast %swap3A_219 : i32 to index
    %swap3A_221 = arith.constant 0 : index
    %swap3A_222 = tpu.vector_load %arg5[%swap3A_220, %swap3A_221] {strides = array<i32>} : memref<80x16xf32, #tpu.memory_space<vmem>>, vector<1x16xf32>,
    %swap3A_223 = vector.shape_cast %swap3A_222 : vector<1x16xf32> to vector<16xf32>
    %swap3A_224 = vector.shape_cast %broadcast_in_dim3A_1 : vector<16xf32> to vector<1x16xf32>
    tpu.vector_store %arg5[%swap3A_220, %swap3A_221], %swap3A_224 {strides = array<i32>} : memref<80x16xf32, #tpu.memory_space<vmem>>, vector<1x16xf32>,
    %swap3A_225 = arith.constant 37 : i32
    %swap3A_226 = arith.index_cast %swap3A_225 : i32 to index
    %swap3A_227 = arith.constant 0 : index
    %swap3A_228 = tpu.vector_load %arg5[%swap3A_226, %swap3A_227] {strides = array<i32>} : memref<80x16xf32, #tpu.memory_space<vmem>>, vector<1x16xf32>,
    %swap3A_229 = vector.shape_cast %swap3A_228 : vector<1x16xf32> to vector<16xf32>
    %swap3A_230 = vector.shape_cast %broadcast_in_dim3A_1 : vector<16xf32> to vector<1x16xf32>
    tpu.vector_store %arg5[%swap3A_226, %swap3A_227], %swap3A_230 {strides = array<i32>} : memref<80x16xf32, #tpu.memory_space<vmem>>, vector<1x16xf32>,
    %swap3A_231 = arith.constant 38 : i32
    %swap3A_232 = arith.index_cast %swap3A_231 : i32 to index
    %swap3A_233 = arith.constant 0 : index
    %swap3A_234 = tpu.vector_load %arg5[%swap3A_232, %swap3A_233] {strides = array<i32>} : memref<80x16xf32, #tpu.memory_space<vmem>>, vector<1x16xf32>,
    %swap3A_235 = vector.shape_cast %swap3A_234 : vector<1x16xf32> to vector<16xf32>
    %swap3A_236 = vector.shape_cast %broadcast_in_dim3A_1 : vector<16xf32> to vector<1x16xf32>
    tpu.vector_store %arg5[%swap3A_232, %swap3A_233], %swap3A_236 {strides = array<i32>} : memref<80x16xf32, #tpu.memory_space<vmem>>, vector<1x16xf32>,
    %swap3A_237 = arith.constant 39 : i32
    %swap3A_238 = arith.index_cast %swap3A_237 : i32 to index
    %swap3A_239 = arith.constant 0 : index
    %swap3A_240 = tpu.vector_load %arg5[%swap3A_238, %swap3A_239] {strides = array<i32>} : memref<80x16xf32, #tpu.memory_space<vmem>>, vector<1x16xf32>,
    %swap3A_241 = vector.shape_cast %swap3A_240 : vector<1x16xf32> to vector<16xf32>
    %swap3A_242 = vector.shape_cast %broadcast_in_dim3A_1 : vector<16xf32> to vector<1x16xf32>
    tpu.vector_store %arg5[%swap3A_238, %swap3A_239], %swap3A_242 {strides = array<i32>} : memref<80x16xf32, #tpu.memory_space<vmem>>, vector<1x16xf32>,
    %swap3A_243 = arith.constant 40 : i32
    %swap3A_244 = arith.index_cast %swap3A_243 : i32 to index
    %swap3A_245 = arith.constant 0 : index
    %swap3A_246 = tpu.vector_load %arg5[%swap3A_244, %swap3A_245] {strides = array<i32>} : memref<80x16xf32, #tpu.memory_space<vmem>>, vector<1x16xf32>,
    %swap3A_247 = vector.shape_cast %swap3A_246 : vector<1x16xf32> to vector<16xf32>
    %swap3A_248 = vector.shape_cast %broadcast_in_dim3A_1 : vector<16xf32> to vector<1x16xf32>
    tpu.vector_store %arg5[%swap3A_244, %swap3A_245], %swap3A_248 {strides = array<i32>} : memref<80x16xf32, #tpu.memory_space<vmem>>, vector<1x16xf32>,
    %swap3A_249 = arith.constant 41 : i32
    %swap3A_250 = arith.index_cast %swap3A_249 : i32 to index
    %swap3A_251 = arith.constant 0 : index
    %swap3A_252 = tpu.vector_load %arg5[%swap3A_250, %swap3A_251] {strides = array<i32>} : memref<80x16xf32, #tpu.memory_space<vmem>>, vector<1x16xf32>,
    %swap3A_253 = vector.shape_cast %swap3A_252 : vector<1x16xf32> to vector<16xf32>
    %swap3A_254 = vector.shape_cast %broadcast_in_dim3A_1 : vector<16xf32> to vector<1x16xf32>
    tpu.vector_store %arg5[%swap3A_250, %swap3A_251], %swap3A_254 {strides = array<i32>} : memref<80x16xf32, #tpu.memory_space<vmem>>, vector<1x16xf32>,
    %swap3A_255 = arith.constant 42 : i32
    %swap3A_256 = arith.index_cast %swap3A_255 : i32 to index
    %swap3A_257 = arith.constant 0 : index
    %swap3A_258 = tpu.vector_load %arg5[%swap3A_256, %swap3A_257] {strides = array<i32>} : memref<80x16xf32, #tpu.memory_space<vmem>>, vector<1x16xf32>,
    %swap3A_259 = vector.shape_cast %swap3A_258 : vector<1x16xf32> to vector<16xf32>
    %swap3A_260 = vector.shape_cast %broadcast_in_dim3A_1 : vector<16xf32> to vector<1x16xf32>
    tpu.vector_store %arg5[%swap3A_256, %swap3A_257], %swap3A_260 {strides = array<i32>} : memref<80x16xf32, #tpu.memory_space<vmem>>, vector<1x16xf32>,
    %swap3A_261 = arith.constant 43 : i32
    %swap3A_262 = arith.index_cast %swap3A_261 : i32 to index
    %swap3A_263 = arith.constant 0 : index
    %swap3A_264 = tpu.vector_load %arg5[%swap3A_262, %swap3A_263] {strides = array<i32>} : memref<80x16xf32, #tpu.memory_space<vmem>>, vector<1x16xf32>,
    %swap3A_265 = vector.shape_cast %swap3A_264 : vector<1x16xf32> to vector<16xf32>
    %swap3A_266 = vector.shape_cast %broadcast_in_dim3A_1 : vector<16xf32> to vector<1x16xf32>
    tpu.vector_store %arg5[%swap3A_262, %swap3A_263], %swap3A_266 {strides = array<i32>} : memref<80x16xf32, #tpu.memory_space<vmem>>, vector<1x16xf32>,
    %swap3A_267 = arith.constant 44 : i32
    %swap3A_268 = arith.index_cast %swap3A_267 : i32 to index
    %swap3A_269 = arith.constant 0 : index
    %swap3A_270 = tpu.vector_load %arg5[%swap3A_268, %swap3A_269] {strides = array<i32>} : memref<80x16xf32, #tpu.memory_space<vmem>>, vector<1x16xf32>,
    %swap3A_271 = vector.shape_cast %swap3A_270 : vector<1x16xf32> to vector<16xf32>
    %swap3A_272 = vector.shape_cast %broadcast_in_dim3A_1 : vector<16xf32> to vector<1x16xf32>
    tpu.vector_store %arg5[%swap3A_268, %swap3A_269], %swap3A_272 {strides = array<i32>} : memref<80x16xf32, #tpu.memory_space<vmem>>, vector<1x16xf32>,
    %swap3A_273 = arith.constant 45 : i32
    %swap3A_274 = arith.index_cast %swap3A_273 : i32 to index
    %swap3A_275 = arith.constant 0 : index
    %swap3A_276 = tpu.vector_load %arg5[%swap3A_274, %swap3A_275] {strides = array<i32>} : memref<80x16xf32, #tpu.memory_space<vmem>>, vector<1x16xf32>,
    %swap3A_277 = vector.shape_cast %swap3A_276 : vector<1x16xf32> to vector<16xf32>
    %swap3A_278 = vector.shape_cast %broadcast_in_dim3A_1 : vector<16xf32> to vector<1x16xf32>
    tpu.vector_store %arg5[%swap3A_274, %swap3A_275], %swap3A_278 {strides = array<i32>} : memref<80x16xf32, #tpu.memory_space<vmem>>, vector<1x16xf32>,
    %swap3A_279 = arith.constant 46 : i32
    %swap3A_280 = arith.index_cast %swap3A_279 : i32 to index
    %swap3A_281 = arith.constant 0 : index
    %swap3A_282 = tpu.vector_load %arg5[%swap3A_280, %swap3A_281] {strides = array<i32>} : memref<80x16xf32, #tpu.memory_space<vmem>>, vector<1x16xf32>,
    %swap3A_283 = vector.shape_cast %swap3A_282 : vector<1x16xf32> to vector<16xf32>
    %swap3A_284 = vector.shape_cast %broadcast_in_dim3A_1 : vector<16xf32> to vector<1x16xf32>
    tpu.vector_store %arg5[%swap3A_280, %swap3A_281], %swap3A_284 {strides = array<i32>} : memref<80x16xf32, #tpu.memory_space<vmem>>, vector<1x16xf32>,
    %swap3A_285 = arith.constant 47 : i32
    %swap3A_286 = arith.index_cast %swap3A_285 : i32 to index
    %swap3A_287 = arith.constant 0 : index
    %swap3A_288 = tpu.vector_load %arg5[%swap3A_286, %swap3A_287] {strides = array<i32>} : memref<80x16xf32, #tpu.memory_space<vmem>>, vector<1x16xf32>,
    %swap3A_289 = vector.shape_cast %swap3A_288 : vector<1x16xf32> to vector<16xf32>
    %swap3A_290 = vector.shape_cast %broadcast_in_dim3A_1 : vector<16xf32> to vector<1x16xf32>
    tpu.vector_store %arg5[%swap3A_286, %swap3A_287], %swap3A_290 {strides = array<i32>} : memref<80x16xf32, #tpu.memory_space<vmem>>, vector<1x16xf32>,
    %swap3A_291 = arith.constant 48 : i32
    %swap3A_292 = arith.index_cast %swap3A_291 : i32 to index
    %swap3A_293 = arith.constant 0 : index
    %swap3A_294 = tpu.vector_load %arg5[%swap3A_292, %swap3A_293] {strides = array<i32>} : memref<80x16xf32, #tpu.memory_space<vmem>>, vector<1x16xf32>,
    %swap3A_295 = vector.shape_cast %swap3A_294 : vector<1x16xf32> to vector<16xf32>
    %swap3A_296 = vector.shape_cast %broadcast_in_dim3A_1 : vector<16xf32> to vector<1x16xf32>
    tpu.vector_store %arg5[%swap3A_292, %swap3A_293], %swap3A_296 {strides = array<i32>} : memref<80x16xf32, #tpu.memory_space<vmem>>, vector<1x16xf32>,
    %swap3A_297 = arith.constant 49 : i32
    %swap3A_298 = arith.index_cast %swap3A_297 : i32 to index
    %swap3A_299 = arith.constant 0 : index
    %swap3A_300 = tpu.vector_load %arg5[%swap3A_298, %swap3A_299] {strides = array<i32>} : memref<80x16xf32, #tpu.memory_space<vmem>>, vector<1x16xf32>,
    %swap3A_301 = vector.shape_cast %swap3A_300 : vector<1x16xf32> to vector<16xf32>
    %swap3A_302 = vector.shape_cast %broadcast_in_dim3A_1 : vector<16xf32> to vector<1x16xf32>
    tpu.vector_store %arg5[%swap3A_298, %swap3A_299], %swap3A_302 {strides = array<i32>} : memref<80x16xf32, #tpu.memory_space<vmem>>, vector<1x16xf32>,
    %swap3A_303 = arith.constant 50 : i32
    %swap3A_304 = arith.index_cast %swap3A_303 : i32 to index
    %swap3A_305 = arith.constant 0 : index
    %swap3A_306 = tpu.vector_load %arg5[%swap3A_304, %swap3A_305] {strides = array<i32>} : memref<80x16xf32, #tpu.memory_space<vmem>>, vector<1x16xf32>,
    %swap3A_307 = vector.shape_cast %swap3A_306 : vector<1x16xf32> to vector<16xf32>
    %swap3A_308 = vector.shape_cast %broadcast_in_dim3A_1 : vector<16xf32> to vector<1x16xf32>
    tpu.vector_store %arg5[%swap3A_304, %swap3A_305], %swap3A_308 {strides = array<i32>} : memref<80x16xf32, #tpu.memory_space<vmem>>, vector<1x16xf32>,
    %swap3A_309 = arith.constant 51 : i32
    %swap3A_310 = arith.index_cast %swap3A_309 : i32 to index
    %swap3A_311 = arith.constant 0 : index
    %swap3A_312 = tpu.vector_load %arg5[%swap3A_310, %swap3A_311] {strides = array<i32>} : memref<80x16xf32, #tpu.memory_space<vmem>>, vector<1x16xf32>,
    %swap3A_313 = vector.shape_cast %swap3A_312 : vector<1x16xf32> to vector<16xf32>
    %swap3A_314 = vector.shape_cast %broadcast_in_dim3A_1 : vector<16xf32> to vector<1x16xf32>
    tpu.vector_store %arg5[%swap3A_310, %swap3A_311], %swap3A_314 {strides = array<i32>} : memref<80x16xf32, #tpu.memory_space<vmem>>, vector<1x16xf32>,
    %swap3A_315 = arith.constant 52 : i32
    %swap3A_316 = arith.index_cast %swap3A_315 : i32 to index
    %swap3A_317 = arith.constant 0 : index
    %swap3A_318 = tpu.vector_load %arg5[%swap3A_316, %swap3A_317] {strides = array<i32>} : memref<80x16xf32, #tpu.memory_space<vmem>>, vector<1x16xf32>,
    %swap3A_319 = vector.shape_cast %swap3A_318 : vector<1x16xf32> to vector<16xf32>
    %swap3A_320 = vector.shape_cast %broadcast_in_dim3A_1 : vector<16xf32> to vector<1x16xf32>
    tpu.vector_store %arg5[%swap3A_316, %swap3A_317], %swap3A_320 {strides = array<i32>} : memref<80x16xf32, #tpu.memory_space<vmem>>, vector<1x16xf32>,
    %swap3A_321 = arith.constant 53 : i32
    %swap3A_322 = arith.index_cast %swap3A_321 : i32 to index
    %swap3A_323 = arith.constant 0 : index
    %swap3A_324 = tpu.vector_load %arg5[%swap3A_322, %swap3A_323] {strides = array<i32>} : memref<80x16xf32, #tpu.memory_space<vmem>>, vector<1x16xf32>,
    %swap3A_325 = vector.shape_cast %swap3A_324 : vector<1x16xf32> to vector<16xf32>
    %swap3A_326 = vector.shape_cast %broadcast_in_dim3A_1 : vector<16xf32> to vector<1x16xf32>
    tpu.vector_store %arg5[%swap3A_322, %swap3A_323], %swap3A_326 {strides = array<i32>} : memref<80x16xf32, #tpu.memory_space<vmem>>, vector<1x16xf32>,
    %swap3A_327 = arith.constant 54 : i32
    %swap3A_328 = arith.index_cast %swap3A_327 : i32 to index
    %swap3A_329 = arith.constant 0 : index
    %swap3A_330 = tpu.vector_load %arg5[%swap3A_328, %swap3A_329] {strides = array<i32>} : memref<80x16xf32, #tpu.memory_space<vmem>>, vector<1x16xf32>,
    %swap3A_331 = vector.shape_cast %swap3A_330 : vector<1x16xf32> to vector<16xf32>
    %swap3A_332 = vector.shape_cast %broadcast_in_dim3A_1 : vector<16xf32> to vector<1x16xf32>
    tpu.vector_store %arg5[%swap3A_328, %swap3A_329], %swap3A_332 {strides = array<i32>} : memref<80x16xf32, #tpu.memory_space<vmem>>, vector<1x16xf32>,
    %swap3A_333 = arith.constant 55 : i32
    %swap3A_334 = arith.index_cast %swap3A_333 : i32 to index
    %swap3A_335 = arith.constant 0 : index
    %swap3A_336 = tpu.vector_load %arg5[%swap3A_334, %swap3A_335] {strides = array<i32>} : memref<80x16xf32, #tpu.memory_space<vmem>>, vector<1x16xf32>,
    %swap3A_337 = vector.shape_cast %swap3A_336 : vector<1x16xf32> to vector<16xf32>
    %swap3A_338 = vector.shape_cast %broadcast_in_dim3A_1 : vector<16xf32> to vector<1x16xf32>
    tpu.vector_store %arg5[%swap3A_334, %swap3A_335], %swap3A_338 {strides = array<i32>} : memref<80x16xf32, #tpu.memory_space<vmem>>, vector<1x16xf32>,
    %swap3A_339 = arith.constant 56 : i32
    %swap3A_340 = arith.index_cast %swap3A_339 : i32 to index
    %swap3A_341 = arith.constant 0 : index
    %swap3A_342 = tpu.vector_load %arg5[%swap3A_340, %swap3A_341] {strides = array<i32>} : memref<80x16xf32, #tpu.memory_space<vmem>>, vector<1x16xf32>,
    %swap3A_343 = vector.shape_cast %swap3A_342 : vector<1x16xf32> to vector<16xf32>
    %swap3A_344 = vector.shape_cast %broadcast_in_dim3A_1 : vector<16xf32> to vector<1x16xf32>
    tpu.vector_store %arg5[%swap3A_340, %swap3A_341], %swap3A_344 {strides = array<i32>} : memref<80x16xf32, #tpu.memory_space<vmem>>, vector<1x16xf32>,
    %swap3A_345 = arith.constant 57 : i32
    %swap3A_346 = arith.index_cast %swap3A_345 : i32 to index
    %swap3A_347 = arith.constant 0 : index
    %swap3A_348 = tpu.vector_load %arg5[%swap3A_346, %swap3A_347] {strides = array<i32>} : memref<80x16xf32, #tpu.memory_space<vmem>>, vector<1x16xf32>,
    %swap3A_349 = vector.shape_cast %swap3A_348 : vector<1x16xf32> to vector<16xf32>
    %swap3A_350 = vector.shape_cast %broadcast_in_dim3A_1 : vector<16xf32> to vector<1x16xf32>
    tpu.vector_store %arg5[%swap3A_346, %swap3A_347], %swap3A_350 {strides = array<i32>} : memref<80x16xf32, #tpu.memory_space<vmem>>, vector<1x16xf32>,
    %swap3A_351 = arith.constant 58 : i32
    %swap3A_352 = arith.index_cast %swap3A_351 : i32 to index
    %swap3A_353 = arith.constant 0 : index
    %swap3A_354 = tpu.vector_load %arg5[%swap3A_352, %swap3A_353] {strides = array<i32>} : memref<80x16xf32, #tpu.memory_space<vmem>>, vector<1x16xf32>,
    %swap3A_355 = vector.shape_cast %swap3A_354 : vector<1x16xf32> to vector<16xf32>
    %swap3A_356 = vector.shape_cast %broadcast_in_dim3A_1 : vector<16xf32> to vector<1x16xf32>
    tpu.vector_store %arg5[%swap3A_352, %swap3A_353], %swap3A_356 {strides = array<i32>} : memref<80x16xf32, #tpu.memory_space<vmem>>, vector<1x16xf32>,
    %swap3A_357 = arith.constant 59 : i32
    %swap3A_358 = arith.index_cast %swap3A_357 : i32 to index
    %swap3A_359 = arith.constant 0 : index
    %swap3A_360 = tpu.vector_load %arg5[%swap3A_358, %swap3A_359] {strides = array<i32>} : memref<80x16xf32, #tpu.memory_space<vmem>>, vector<1x16xf32>,
    %swap3A_361 = vector.shape_cast %swap3A_360 : vector<1x16xf32> to vector<16xf32>
    %swap3A_362 = vector.shape_cast %broadcast_in_dim3A_1 : vector<16xf32> to vector<1x16xf32>
    tpu.vector_store %arg5[%swap3A_358, %swap3A_359], %swap3A_362 {strides = array<i32>} : memref<80x16xf32, #tpu.memory_space<vmem>>, vector<1x16xf32>,
    %swap3A_363 = arith.constant 60 : i32
    %swap3A_364 = arith.index_cast %swap3A_363 : i32 to index
    %swap3A_365 = arith.constant 0 : index
    %swap3A_366 = tpu.vector_load %arg5[%swap3A_364, %swap3A_365] {strides = array<i32>} : memref<80x16xf32, #tpu.memory_space<vmem>>, vector<1x16xf32>,
    %swap3A_367 = vector.shape_cast %swap3A_366 : vector<1x16xf32> to vector<16xf32>
    %swap3A_368 = vector.shape_cast %broadcast_in_dim3A_1 : vector<16xf32> to vector<1x16xf32>
    tpu.vector_store %arg5[%swap3A_364, %swap3A_365], %swap3A_368 {strides = array<i32>} : memref<80x16xf32, #tpu.memory_space<vmem>>, vector<1x16xf32>,
    %swap3A_369 = arith.constant 61 : i32
    %swap3A_370 = arith.index_cast %swap3A_369 : i32 to index
    %swap3A_371 = arith.constant 0 : index
    %swap3A_372 = tpu.vector_load %arg5[%swap3A_370, %swap3A_371] {strides = array<i32>} : memref<80x16xf32, #tpu.memory_space<vmem>>, vector<1x16xf32>,
    %swap3A_373 = vector.shape_cast %swap3A_372 : vector<1x16xf32> to vector<16xf32>
    %swap3A_374 = vector.shape_cast %broadcast_in_dim3A_1 : vector<16xf32> to vector<1x16xf32>
    tpu.vector_store %arg5[%swap3A_370, %swap3A_371], %swap3A_374 {strides = array<i32>} : memref<80x16xf32, #tpu.memory_space<vmem>>, vector<1x16xf32>,
    %swap3A_375 = arith.constant 62 : i32
    %swap3A_376 = arith.index_cast %swap3A_375 : i32 to index
    %swap3A_377 = arith.constant 0 : index
    %swap3A_378 = tpu.vector_load %arg5[%swap3A_376, %swap3A_377] {strides = array<i32>} : memref<80x16xf32, #tpu.memory_space<vmem>>, vector<1x16xf32>,
    %swap3A_379 = vector.shape_cast %swap3A_378 : vector<1x16xf32> to vector<16xf32>
    %swap3A_380 = vector.shape_cast %broadcast_in_dim3A_1 : vector<16xf32> to vector<1x16xf32>
    tpu.vector_store %arg5[%swap3A_376, %swap3A_377], %swap3A_380 {strides = array<i32>} : memref<80x16xf32, #tpu.memory_space<vmem>>, vector<1x16xf32>,
    %swap3A_381 = arith.constant 63 : i32
    %swap3A_382 = arith.index_cast %swap3A_381 : i32 to index
    %swap3A_383 = arith.constant 0 : index
    %swap3A_384 = tpu.vector_load %arg5[%swap3A_382, %swap3A_383] {strides = array<i32>} : memref<80x16xf32, #tpu.memory_space<vmem>>, vector<1x16xf32>,
    %swap3A_385 = vector.shape_cast %swap3A_384 : vector<1x16xf32> to vector<16xf32>
    %swap3A_386 = vector.shape_cast %broadcast_in_dim3A_1 : vector<16xf32> to vector<1x16xf32>
    tpu.vector_store %arg5[%swap3A_382, %swap3A_383], %swap3A_386 {strides = array<i32>} : memref<80x16xf32, #tpu.memory_space<vmem>>, vector<1x16xf32>,
    %swap3A_387 = arith.constant 64 : i32
    %swap3A_388 = arith.index_cast %swap3A_387 : i32 to index
    %swap3A_389 = arith.constant 0 : index
    %swap3A_390 = tpu.vector_load %arg5[%swap3A_388, %swap3A_389] {strides = array<i32>} : memref<80x16xf32, #tpu.memory_space<vmem>>, vector<1x16xf32>,
    %swap3A_391 = vector.shape_cast %swap3A_390 : vector<1x16xf32> to vector<16xf32>
    %swap3A_392 = vector.shape_cast %broadcast_in_dim3A_1 : vector<16xf32> to vector<1x16xf32>
    tpu.vector_store %arg5[%swap3A_388, %swap3A_389], %swap3A_392 {strides = array<i32>} : memref<80x16xf32, #tpu.memory_space<vmem>>, vector<1x16xf32>,
    %swap3A_393 = arith.constant 65 : i32
    %swap3A_394 = arith.index_cast %swap3A_393 : i32 to index
    %swap3A_395 = arith.constant 0 : index
    %swap3A_396 = tpu.vector_load %arg5[%swap3A_394, %swap3A_395] {strides = array<i32>} : memref<80x16xf32, #tpu.memory_space<vmem>>, vector<1x16xf32>,
    %swap3A_397 = vector.shape_cast %swap3A_396 : vector<1x16xf32> to vector<16xf32>
    %swap3A_398 = vector.shape_cast %broadcast_in_dim3A_1 : vector<16xf32> to vector<1x16xf32>
    tpu.vector_store %arg5[%swap3A_394, %swap3A_395], %swap3A_398 {strides = array<i32>} : memref<80x16xf32, #tpu.memory_space<vmem>>, vector<1x16xf32>,
    %swap3A_399 = arith.constant 66 : i32
    %swap3A_400 = arith.index_cast %swap3A_399 : i32 to index
    %swap3A_401 = arith.constant 0 : index
    %swap3A_402 = tpu.vector_load %arg5[%swap3A_400, %swap3A_401] {strides = array<i32>} : memref<80x16xf32, #tpu.memory_space<vmem>>, vector<1x16xf32>,
    %swap3A_403 = vector.shape_cast %swap3A_402 : vector<1x16xf32> to vector<16xf32>
    %swap3A_404 = vector.shape_cast %broadcast_in_dim3A_1 : vector<16xf32> to vector<1x16xf32>
    tpu.vector_store %arg5[%swap3A_400, %swap3A_401], %swap3A_404 {strides = array<i32>} : memref<80x16xf32, #tpu.memory_space<vmem>>, vector<1x16xf32>,
    %swap3A_405 = arith.constant 67 : i32
    %swap3A_406 = arith.index_cast %swap3A_405 : i32 to index
    %swap3A_407 = arith.constant 0 : index
    %swap3A_408 = tpu.vector_load %arg5[%swap3A_406, %swap3A_407] {strides = array<i32>} : memref<80x16xf32, #tpu.memory_space<vmem>>, vector<1x16xf32>,
    %swap3A_409 = vector.shape_cast %swap3A_408 : vector<1x16xf32> to vector<16xf32>
    %swap3A_410 = vector.shape_cast %broadcast_in_dim3A_1 : vector<16xf32> to vector<1x16xf32>
    tpu.vector_store %arg5[%swap3A_406, %swap3A_407], %swap3A_410 {strides = array<i32>} : memref<80x16xf32, #tpu.memory_space<vmem>>, vector<1x16xf32>,
    %swap3A_411 = arith.constant 68 : i32
    %swap3A_412 = arith.index_cast %swap3A_411 : i32 to index
    %swap3A_413 = arith.constant 0 : index
    %swap3A_414 = tpu.vector_load %arg5[%swap3A_412, %swap3A_413] {strides = array<i32>} : memref<80x16xf32, #tpu.memory_space<vmem>>, vector<1x16xf32>,
    %swap3A_415 = vector.shape_cast %swap3A_414 : vector<1x16xf32> to vector<16xf32>
    %swap3A_416 = vector.shape_cast %broadcast_in_dim3A_1 : vector<16xf32> to vector<1x16xf32>
    tpu.vector_store %arg5[%swap3A_412, %swap3A_413], %swap3A_416 {strides = array<i32>} : memref<80x16xf32, #tpu.memory_space<vmem>>, vector<1x16xf32>,
    %swap3A_417 = arith.constant 69 : i32
    %swap3A_418 = arith.index_cast %swap3A_417 : i32 to index
    %swap3A_419 = arith.constant 0 : index
    %swap3A_420 = tpu.vector_load %arg5[%swap3A_418, %swap3A_419] {strides = array<i32>} : memref<80x16xf32, #tpu.memory_space<vmem>>, vector<1x16xf32>,
    %swap3A_421 = vector.shape_cast %swap3A_420 : vector<1x16xf32> to vector<16xf32>
    %swap3A_422 = vector.shape_cast %broadcast_in_dim3A_1 : vector<16xf32> to vector<1x16xf32>
    tpu.vector_store %arg5[%swap3A_418, %swap3A_419], %swap3A_422 {strides = array<i32>} : memref<80x16xf32, #tpu.memory_space<vmem>>, vector<1x16xf32>,
    %swap3A_423 = arith.constant 70 : i32
    %swap3A_424 = arith.index_cast %swap3A_423 : i32 to index
    %swap3A_425 = arith.constant 0 : index
    %swap3A_426 = tpu.vector_load %arg5[%swap3A_424, %swap3A_425] {strides = array<i32>} : memref<80x16xf32, #tpu.memory_space<vmem>>, vector<1x16xf32>,
    %swap3A_427 = vector.shape_cast %swap3A_426 : vector<1x16xf32> to vector<16xf32>
    %swap3A_428 = vector.shape_cast %broadcast_in_dim3A_1 : vector<16xf32> to vector<1x16xf32>
    tpu.vector_store %arg5[%swap3A_424, %swap3A_425], %swap3A_428 {strides = array<i32>} : memref<80x16xf32, #tpu.memory_space<vmem>>, vector<1x16xf32>,
    %swap3A_429 = arith.constant 71 : i32
    %swap3A_430 = arith.index_cast %swap3A_429 : i32 to index
    %swap3A_431 = arith.constant 0 : index
    %swap3A_432 = tpu.vector_load %arg5[%swap3A_430, %swap3A_431] {strides = array<i32>} : memref<80x16xf32, #tpu.memory_space<vmem>>, vector<1x16xf32>,
    %swap3A_433 = vector.shape_cast %swap3A_432 : vector<1x16xf32> to vector<16xf32>
    %swap3A_434 = vector.shape_cast %broadcast_in_dim3A_1 : vector<16xf32> to vector<1x16xf32>
    tpu.vector_store %arg5[%swap3A_430, %swap3A_431], %swap3A_434 {strides = array<i32>} : memref<80x16xf32, #tpu.memory_space<vmem>>, vector<1x16xf32>,
    %swap3A_435 = arith.constant 72 : i32
    %swap3A_436 = arith.index_cast %swap3A_435 : i32 to index
    %swap3A_437 = arith.constant 0 : index
    %swap3A_438 = tpu.vector_load %arg5[%swap3A_436, %swap3A_437] {strides = array<i32>} : memref<80x16xf32, #tpu.memory_space<vmem>>, vector<1x16xf32>,
    %swap3A_439 = vector.shape_cast %swap3A_438 : vector<1x16xf32> to vector<16xf32>
    %swap3A_440 = vector.shape_cast %broadcast_in_dim3A_1 : vector<16xf32> to vector<1x16xf32>
    tpu.vector_store %arg5[%swap3A_436, %swap3A_437], %swap3A_440 {strides = array<i32>} : memref<80x16xf32, #tpu.memory_space<vmem>>, vector<1x16xf32>,
    %swap3A_441 = arith.constant 73 : i32
    %swap3A_442 = arith.index_cast %swap3A_441 : i32 to index
    %swap3A_443 = arith.constant 0 : index
    %swap3A_444 = tpu.vector_load %arg5[%swap3A_442, %swap3A_443] {strides = array<i32>} : memref<80x16xf32, #tpu.memory_space<vmem>>, vector<1x16xf32>,
    %swap3A_445 = vector.shape_cast %swap3A_444 : vector<1x16xf32> to vector<16xf32>
    %swap3A_446 = vector.shape_cast %broadcast_in_dim3A_1 : vector<16xf32> to vector<1x16xf32>
    tpu.vector_store %arg5[%swap3A_442, %swap3A_443], %swap3A_446 {strides = array<i32>} : memref<80x16xf32, #tpu.memory_space<vmem>>, vector<1x16xf32>,
    %swap3A_447 = arith.constant 74 : i32
    %swap3A_448 = arith.index_cast %swap3A_447 : i32 to index
    %swap3A_449 = arith.constant 0 : index
    %swap3A_450 = tpu.vector_load %arg5[%swap3A_448, %swap3A_449] {strides = array<i32>} : memref<80x16xf32, #tpu.memory_space<vmem>>, vector<1x16xf32>,
    %swap3A_451 = vector.shape_cast %swap3A_450 : vector<1x16xf32> to vector<16xf32>
    %swap3A_452 = vector.shape_cast %broadcast_in_dim3A_1 : vector<16xf32> to vector<1x16xf32>
    tpu.vector_store %arg5[%swap3A_448, %swap3A_449], %swap3A_452 {strides = array<i32>} : memref<80x16xf32, #tpu.memory_space<vmem>>, vector<1x16xf32>,
    %swap3A_453 = arith.constant 75 : i32
    %swap3A_454 = arith.index_cast %swap3A_453 : i32 to index
    %swap3A_455 = arith.constant 0 : index
    %swap3A_456 = tpu.vector_load %arg5[%swap3A_454, %swap3A_455] {strides = array<i32>} : memref<80x16xf32, #tpu.memory_space<vmem>>, vector<1x16xf32>,
    %swap3A_457 = vector.shape_cast %swap3A_456 : vector<1x16xf32> to vector<16xf32>
    %swap3A_458 = vector.shape_cast %broadcast_in_dim3A_1 : vector<16xf32> to vector<1x16xf32>
    tpu.vector_store %arg5[%swap3A_454, %swap3A_455], %swap3A_458 {strides = array<i32>} : memref<80x16xf32, #tpu.memory_space<vmem>>, vector<1x16xf32>,
    %swap3A_459 = arith.constant 76 : i32
    %swap3A_460 = arith.index_cast %swap3A_459 : i32 to index
    %swap3A_461 = arith.constant 0 : index
    %swap3A_462 = tpu.vector_load %arg5[%swap3A_460, %swap3A_461] {strides = array<i32>} : memref<80x16xf32, #tpu.memory_space<vmem>>, vector<1x16xf32>,
    %swap3A_463 = vector.shape_cast %swap3A_462 : vector<1x16xf32> to vector<16xf32>
    %swap3A_464 = vector.shape_cast %broadcast_in_dim3A_1 : vector<16xf32> to vector<1x16xf32>
    tpu.vector_store %arg5[%swap3A_460, %swap3A_461], %swap3A_464 {strides = array<i32>} : memref<80x16xf32, #tpu.memory_space<vmem>>, vector<1x16xf32>,
    %swap3A_465 = arith.constant 77 : i32
    %swap3A_466 = arith.index_cast %swap3A_465 : i32 to index
    %swap3A_467 = arith.constant 0 : index
    %swap3A_468 = tpu.vector_load %arg5[%swap3A_466, %swap3A_467] {strides = array<i32>} : memref<80x16xf32, #tpu.memory_space<vmem>>, vector<1x16xf32>,
    %swap3A_469 = vector.shape_cast %swap3A_468 : vector<1x16xf32> to vector<16xf32>
    %swap3A_470 = vector.shape_cast %broadcast_in_dim3A_1 : vector<16xf32> to vector<1x16xf32>
    tpu.vector_store %arg5[%swap3A_466, %swap3A_467], %swap3A_470 {strides = array<i32>} : memref<80x16xf32, #tpu.memory_space<vmem>>, vector<1x16xf32>,
    %swap3A_471 = arith.constant 78 : i32
    %swap3A_472 = arith.index_cast %swap3A_471 : i32 to index
    %swap3A_473 = arith.constant 0 : index
    %swap3A_474 = tpu.vector_load %arg5[%swap3A_472, %swap3A_473] {strides = array<i32>} : memref<80x16xf32, #tpu.memory_space<vmem>>, vector<1x16xf32>,
    %swap3A_475 = vector.shape_cast %swap3A_474 : vector<1x16xf32> to vector<16xf32>
    %swap3A_476 = vector.shape_cast %broadcast_in_dim3A_1 : vector<16xf32> to vector<1x16xf32>
    tpu.vector_store %arg5[%swap3A_472, %swap3A_473], %swap3A_476 {strides = array<i32>} : memref<80x16xf32, #tpu.memory_space<vmem>>, vector<1x16xf32>,
    %swap3A_477 = arith.constant 79 : i32
    %swap3A_478 = arith.index_cast %swap3A_477 : i32 to index
    %swap3A_479 = arith.constant 0 : index
    %swap3A_480 = tpu.vector_load %arg5[%swap3A_478, %swap3A_479] {strides = array<i32>} : memref<80x16xf32, #tpu.memory_space<vmem>>, vector<1x16xf32>,
    %swap3A_481 = vector.shape_cast %swap3A_480 : vector<1x16xf32> to vector<16xf32>
    %swap3A_482 = vector.shape_cast %broadcast_in_dim3A_1 : vector<16xf32> to vector<1x16xf32>
    tpu.vector_store %arg5[%swap3A_478, %swap3A_479], %swap3A_482 {strides = array<i32>} : memref<80x16xf32, #tpu.memory_space<vmem>>, vector<1x16xf32>,
    %swap3A_483 = arith.constant 0 : i32
    %swap3A_484 = arith.index_cast %swap3A_483 : i32 to index
    %swap3A_485 = arith.constant 0 : index
    %swap3A_486 = tpu.vector_load %arg6[%swap3A_484, %swap3A_485] {strides = array<i32>} : memref<128x16xf32, #tpu.memory_space<vmem>>, vector<1x16xf32>,
    %swap3A_487 = vector.shape_cast %swap3A_486 : vector<1x16xf32> to vector<16xf32>
    %swap3A_488 = vector.shape_cast %broadcast_in_dim3A_3 : vector<16xf32> to vector<1x16xf32>
    tpu.vector_store %arg6[%swap3A_484, %swap3A_485], %swap3A_488 {strides = array<i32>} : memref<128x16xf32, #tpu.memory_space<vmem>>, vector<1x16xf32>,
    %swap3A_489 = arith.constant 1 : i32
    %swap3A_490 = arith.index_cast %swap3A_489 : i32 to index
    %swap3A_491 = arith.constant 0 : index
    %swap3A_492 = tpu.vector_load %arg6[%swap3A_490, %swap3A_491] {strides = array<i32>} : memref<128x16xf32, #tpu.memory_space<vmem>>, vector<1x16xf32>,
    %swap3A_493 = vector.shape_cast %swap3A_492 : vector<1x16xf32> to vector<16xf32>
    %swap3A_494 = vector.shape_cast %broadcast_in_dim3A_3 : vector<16xf32> to vector<1x16xf32>
    tpu.vector_store %arg6[%swap3A_490, %swap3A_491], %swap3A_494 {strides = array<i32>} : memref<128x16xf32, #tpu.memory_space<vmem>>, vector<1x16xf32>,
    %swap3A_495 = arith.constant 2 : i32
    %swap3A_496 = arith.index_cast %swap3A_495 : i32 to index
    %swap3A_497 = arith.constant 0 : index
    %swap3A_498 = tpu.vector_load %arg6[%swap3A_496, %swap3A_497] {strides = array<i32>} : memref<128x16xf32, #tpu.memory_space<vmem>>, vector<1x16xf32>,
    %swap3A_499 = vector.shape_cast %swap3A_498 : vector<1x16xf32> to vector<16xf32>
    %swap3A_500 = vector.shape_cast %broadcast_in_dim3A_3 : vector<16xf32> to vector<1x16xf32>
    tpu.vector_store %arg6[%swap3A_496, %swap3A_497], %swap3A_500 {strides = array<i32>} : memref<128x16xf32, #tpu.memory_space<vmem>>, vector<1x16xf32>,
    %swap3A_501 = arith.constant 3 : i32
    %swap3A_502 = arith.index_cast %swap3A_501 : i32 to index
    %swap3A_503 = arith.constant 0 : index
    %swap3A_504 = tpu.vector_load %arg6[%swap3A_502, %swap3A_503] {strides = array<i32>} : memref<128x16xf32, #tpu.memory_space<vmem>>, vector<1x16xf32>,
    %swap3A_505 = vector.shape_cast %swap3A_504 : vector<1x16xf32> to vector<16xf32>
    %swap3A_506 = vector.shape_cast %broadcast_in_dim3A_3 : vector<16xf32> to vector<1x16xf32>
    tpu.vector_store %arg6[%swap3A_502, %swap3A_503], %swap3A_506 {strides = array<i32>} : memref<128x16xf32, #tpu.memory_space<vmem>>, vector<1x16xf32>,
    %swap3A_507 = arith.constant 4 : i32
    %swap3A_508 = arith.index_cast %swap3A_507 : i32 to index
    %swap3A_509 = arith.constant 0 : index
    %swap3A_510 = tpu.vector_load %arg6[%swap3A_508, %swap3A_509] {strides = array<i32>} : memref<128x16xf32, #tpu.memory_space<vmem>>, vector<1x16xf32>,
    %swap3A_511 = vector.shape_cast %swap3A_510 : vector<1x16xf32> to vector<16xf32>
    %swap3A_512 = vector.shape_cast %broadcast_in_dim3A_3 : vector<16xf32> to vector<1x16xf32>
    tpu.vector_store %arg6[%swap3A_508, %swap3A_509], %swap3A_512 {strides = array<i32>} : memref<128x16xf32, #tpu.memory_space<vmem>>, vector<1x16xf32>,
    %swap3A_513 = arith.constant 5 : i32
    %swap3A_514 = arith.index_cast %swap3A_513 : i32 to index
    %swap3A_515 = arith.constant 0 : index
    %swap3A_516 = tpu.vector_load %arg6[%swap3A_514, %swap3A_515] {strides = array<i32>} : memref<128x16xf32, #tpu.memory_space<vmem>>, vector<1x16xf32>,
    %swap3A_517 = vector.shape_cast %swap3A_516 : vector<1x16xf32> to vector<16xf32>
    %swap3A_518 = vector.shape_cast %broadcast_in_dim3A_3 : vector<16xf32> to vector<1x16xf32>
    tpu.vector_store %arg6[%swap3A_514, %swap3A_515], %swap3A_518 {strides = array<i32>} : memref<128x16xf32, #tpu.memory_space<vmem>>, vector<1x16xf32>,
    %swap3A_519 = arith.constant 6 : i32
    %swap3A_520 = arith.index_cast %swap3A_519 : i32 to index
    %swap3A_521 = arith.constant 0 : index
    %swap3A_522 = tpu.vector_load %arg6[%swap3A_520, %swap3A_521] {strides = array<i32>} : memref<128x16xf32, #tpu.memory_space<vmem>>, vector<1x16xf32>,
    %swap3A_523 = vector.shape_cast %swap3A_522 : vector<1x16xf32> to vector<16xf32>
    %swap3A_524 = vector.shape_cast %broadcast_in_dim3A_3 : vector<16xf32> to vector<1x16xf32>
    tpu.vector_store %arg6[%swap3A_520, %swap3A_521], %swap3A_524 {strides = array<i32>} : memref<128x16xf32, #tpu.memory_space<vmem>>, vector<1x16xf32>,
    %swap3A_525 = arith.constant 7 : i32
    %swap3A_526 = arith.index_cast %swap3A_525 : i32 to index
    %swap3A_527 = arith.constant 0 : index
    %swap3A_528 = tpu.vector_load %arg6[%swap3A_526, %swap3A_527] {strides = array<i32>} : memref<128x16xf32, #tpu.memory_space<vmem>>, vector<1x16xf32>,
    %swap3A_529 = vector.shape_cast %swap3A_528 : vector<1x16xf32> to vector<16xf32>
    %swap3A_530 = vector.shape_cast %broadcast_in_dim3A_3 : vector<16xf32> to vector<1x16xf32>
    tpu.vector_store %arg6[%swap3A_526, %swap3A_527], %swap3A_530 {strides = array<i32>} : memref<128x16xf32, #tpu.memory_space<vmem>>, vector<1x16xf32>,
    %swap3A_531 = arith.constant 8 : i32
    %swap3A_532 = arith.index_cast %swap3A_531 : i32 to index
    %swap3A_533 = arith.constant 0 : index
    %swap3A_534 = tpu.vector_load %arg6[%swap3A_532, %swap3A_533] {strides = array<i32>} : memref<128x16xf32, #tpu.memory_space<vmem>>, vector<1x16xf32>,
    %swap3A_535 = vector.shape_cast %swap3A_534 : vector<1x16xf32> to vector<16xf32>
    %swap3A_536 = vector.shape_cast %broadcast_in_dim3A_3 : vector<16xf32> to vector<1x16xf32>
    tpu.vector_store %arg6[%swap3A_532, %swap3A_533], %swap3A_536 {strides = array<i32>} : memref<128x16xf32, #tpu.memory_space<vmem>>, vector<1x16xf32>,
    %swap3A_537 = arith.constant 9 : i32
    %swap3A_538 = arith.index_cast %swap3A_537 : i32 to index
    %swap3A_539 = arith.constant 0 : index
    %swap3A_540 = tpu.vector_load %arg6[%swap3A_538, %swap3A_539] {strides = array<i32>} : memref<128x16xf32, #tpu.memory_space<vmem>>, vector<1x16xf32>,
    %swap3A_541 = vector.shape_cast %swap3A_540 : vector<1x16xf32> to vector<16xf32>
    %swap3A_542 = vector.shape_cast %broadcast_in_dim3A_3 : vector<16xf32> to vector<1x16xf32>
    tpu.vector_store %arg6[%swap3A_538, %swap3A_539], %swap3A_542 {strides = array<i32>} : memref<128x16xf32, #tpu.memory_space<vmem>>, vector<1x16xf32>,
    %swap3A_543 = arith.constant 10 : i32
    %swap3A_544 = arith.index_cast %swap3A_543 : i32 to index
    %swap3A_545 = arith.constant 0 : index
    %swap3A_546 = tpu.vector_load %arg6[%swap3A_544, %swap3A_545] {strides = array<i32>} : memref<128x16xf32, #tpu.memory_space<vmem>>, vector<1x16xf32>,
    %swap3A_547 = vector.shape_cast %swap3A_546 : vector<1x16xf32> to vector<16xf32>
    %swap3A_548 = vector.shape_cast %broadcast_in_dim3A_3 : vector<16xf32> to vector<1x16xf32>
    tpu.vector_store %arg6[%swap3A_544, %swap3A_545], %swap3A_548 {strides = array<i32>} : memref<128x16xf32, #tpu.memory_space<vmem>>, vector<1x16xf32>,
    %swap3A_549 = arith.constant 11 : i32
    %swap3A_550 = arith.index_cast %swap3A_549 : i32 to index
    %swap3A_551 = arith.constant 0 : index
    %swap3A_552 = tpu.vector_load %arg6[%swap3A_550, %swap3A_551] {strides = array<i32>} : memref<128x16xf32, #tpu.memory_space<vmem>>, vector<1x16xf32>,
    %swap3A_553 = vector.shape_cast %swap3A_552 : vector<1x16xf32> to vector<16xf32>
    %swap3A_554 = vector.shape_cast %broadcast_in_dim3A_3 : vector<16xf32> to vector<1x16xf32>
    tpu.vector_store %arg6[%swap3A_550, %swap3A_551], %swap3A_554 {strides = array<i32>} : memref<128x16xf32, #tpu.memory_space<vmem>>, vector<1x16xf32>,
    %swap3A_555 = arith.constant 12 : i32
    %swap3A_556 = arith.index_cast %swap3A_555 : i32 to index
    %swap3A_557 = arith.constant 0 : index
    %swap3A_558 = tpu.vector_load %arg6[%swap3A_556, %swap3A_557] {strides = array<i32>} : memref<128x16xf32, #tpu.memory_space<vmem>>, vector<1x16xf32>,
    %swap3A_559 = vector.shape_cast %swap3A_558 : vector<1x16xf32> to vector<16xf32>
    %swap3A_560 = vector.shape_cast %broadcast_in_dim3A_3 : vector<16xf32> to vector<1x16xf32>
    tpu.vector_store %arg6[%swap3A_556, %swap3A_557], %swap3A_560 {strides = array<i32>} : memref<128x16xf32, #tpu.memory_space<vmem>>, vector<1x16xf32>,
    %swap3A_561 = arith.constant 13 : i32
    %swap3A_562 = arith.index_cast %swap3A_561 : i32 to index
    %swap3A_563 = arith.constant 0 : index
    %swap3A_564 = tpu.vector_load %arg6[%swap3A_562, %swap3A_563] {strides = array<i32>} : memref<128x16xf32, #tpu.memory_space<vmem>>, vector<1x16xf32>,
    %swap3A_565 = vector.shape_cast %swap3A_564 : vector<1x16xf32> to vector<16xf32>
    %swap3A_566 = vector.shape_cast %broadcast_in_dim3A_3 : vector<16xf32> to vector<1x16xf32>
    tpu.vector_store %arg6[%swap3A_562, %swap3A_563], %swap3A_566 {strides = array<i32>} : memref<128x16xf32, #tpu.memory_space<vmem>>, vector<1x16xf32>,
    %swap3A_567 = arith.constant 14 : i32
    %swap3A_568 = arith.index_cast %swap3A_567 : i32 to index
    %swap3A_569 = arith.constant 0 : index
    %swap3A_570 = tpu.vector_load %arg6[%swap3A_568, %swap3A_569] {strides = array<i32>} : memref<128x16xf32, #tpu.memory_space<vmem>>, vector<1x16xf32>,
    %swap3A_571 = vector.shape_cast %swap3A_570 : vector<1x16xf32> to vector<16xf32>
    %swap3A_572 = vector.shape_cast %broadcast_in_dim3A_3 : vector<16xf32> to vector<1x16xf32>
    tpu.vector_store %arg6[%swap3A_568, %swap3A_569], %swap3A_572 {strides = array<i32>} : memref<128x16xf32, #tpu.memory_space<vmem>>, vector<1x16xf32>,
    %swap3A_573 = arith.constant 15 : i32
    %swap3A_574 = arith.index_cast %swap3A_573 : i32 to index
    %swap3A_575 = arith.constant 0 : index
    %swap3A_576 = tpu.vector_load %arg6[%swap3A_574, %swap3A_575] {strides = array<i32>} : memref<128x16xf32, #tpu.memory_space<vmem>>, vector<1x16xf32>,
    %swap3A_577 = vector.shape_cast %swap3A_576 : vector<1x16xf32> to vector<16xf32>
    %swap3A_578 = vector.shape_cast %broadcast_in_dim3A_3 : vector<16xf32> to vector<1x16xf32>
    tpu.vector_store %arg6[%swap3A_574, %swap3A_575], %swap3A_578 {strides = array<i32>} : memref<128x16xf32, #tpu.memory_space<vmem>>, vector<1x16xf32>,
    %swap3A_579 = arith.constant 16 : i32
    %swap3A_580 = arith.index_cast %swap3A_579 : i32 to index
    %swap3A_581 = arith.constant 0 : index
    %swap3A_582 = tpu.vector_load %arg6[%swap3A_580, %swap3A_581] {strides = array<i32>} : memref<128x16xf32, #tpu.memory_space<vmem>>, vector<1x16xf32>,
    %swap3A_583 = vector.shape_cast %swap3A_582 : vector<1x16xf32> to vector<16xf32>
    %swap3A_584 = vector.shape_cast %broadcast_in_dim3A_3 : vector<16xf32> to vector<1x16xf32>
    tpu.vector_store %arg6[%swap3A_580, %swap3A_581], %swap3A_584 {strides = array<i32>} : memref<128x16xf32, #tpu.memory_space<vmem>>, vector<1x16xf32>,
    %swap3A_585 = arith.constant 17 : i32
    %swap3A_586 = arith.index_cast %swap3A_585 : i32 to index
    %swap3A_587 = arith.constant 0 : index
    %swap3A_588 = tpu.vector_load %arg6[%swap3A_586, %swap3A_587] {strides = array<i32>} : memref<128x16xf32, #tpu.memory_space<vmem>>, vector<1x16xf32>,
    %swap3A_589 = vector.shape_cast %swap3A_588 : vector<1x16xf32> to vector<16xf32>
    %swap3A_590 = vector.shape_cast %broadcast_in_dim3A_3 : vector<16xf32> to vector<1x16xf32>
    tpu.vector_store %arg6[%swap3A_586, %swap3A_587], %swap3A_590 {strides = array<i32>} : memref<128x16xf32, #tpu.memory_space<vmem>>, vector<1x16xf32>,
    %swap3A_591 = arith.constant 18 : i32
    %swap3A_592 = arith.index_cast %swap3A_591 : i32 to index
    %swap3A_593 = arith.constant 0 : index
    %swap3A_594 = tpu.vector_load %arg6[%swap3A_592, %swap3A_593] {strides = array<i32>} : memref<128x16xf32, #tpu.memory_space<vmem>>, vector<1x16xf32>,
    %swap3A_595 = vector.shape_cast %swap3A_594 : vector<1x16xf32> to vector<16xf32>
    %swap3A_596 = vector.shape_cast %broadcast_in_dim3A_3 : vector<16xf32> to vector<1x16xf32>
    tpu.vector_store %arg6[%swap3A_592, %swap3A_593], %swap3A_596 {strides = array<i32>} : memref<128x16xf32, #tpu.memory_space<vmem>>, vector<1x16xf32>,
    %swap3A_597 = arith.constant 19 : i32
    %swap3A_598 = arith.index_cast %swap3A_597 : i32 to index
    %swap3A_599 = arith.constant 0 : index
    %swap3A_600 = tpu.vector_load %arg6[%swap3A_598, %swap3A_599] {strides = array<i32>} : memref<128x16xf32, #tpu.memory_space<vmem>>, vector<1x16xf32>,
    %swap3A_601 = vector.shape_cast %swap3A_600 : vector<1x16xf32> to vector<16xf32>
    %swap3A_602 = vector.shape_cast %broadcast_in_dim3A_3 : vector<16xf32> to vector<1x16xf32>
    tpu.vector_store %arg6[%swap3A_598, %swap3A_599], %swap3A_602 {strides = array<i32>} : memref<128x16xf32, #tpu.memory_space<vmem>>, vector<1x16xf32>,
    %swap3A_603 = arith.constant 20 : i32
    %swap3A_604 = arith.index_cast %swap3A_603 : i32 to index
    %swap3A_605 = arith.constant 0 : index
    %swap3A_606 = tpu.vector_load %arg6[%swap3A_604, %swap3A_605] {strides = array<i32>} : memref<128x16xf32, #tpu.memory_space<vmem>>, vector<1x16xf32>,
    %swap3A_607 = vector.shape_cast %swap3A_606 : vector<1x16xf32> to vector<16xf32>
    %swap3A_608 = vector.shape_cast %broadcast_in_dim3A_3 : vector<16xf32> to vector<1x16xf32>
    tpu.vector_store %arg6[%swap3A_604, %swap3A_605], %swap3A_608 {strides = array<i32>} : memref<128x16xf32, #tpu.memory_space<vmem>>, vector<1x16xf32>,
    %swap3A_609 = arith.constant 21 : i32
    %swap3A_610 = arith.index_cast %swap3A_609 : i32 to index
    %swap3A_611 = arith.constant 0 : index
    %swap3A_612 = tpu.vector_load %arg6[%swap3A_610, %swap3A_611] {strides = array<i32>} : memref<128x16xf32, #tpu.memory_space<vmem>>, vector<1x16xf32>,
    %swap3A_613 = vector.shape_cast %swap3A_612 : vector<1x16xf32> to vector<16xf32>
    %swap3A_614 = vector.shape_cast %broadcast_in_dim3A_3 : vector<16xf32> to vector<1x16xf32>
    tpu.vector_store %arg6[%swap3A_610, %swap3A_611], %swap3A_614 {strides = array<i32>} : memref<128x16xf32, #tpu.memory_space<vmem>>, vector<1x16xf32>,
    %swap3A_615 = arith.constant 22 : i32
    %swap3A_616 = arith.index_cast %swap3A_615 : i32 to index
    %swap3A_617 = arith.constant 0 : index
    %swap3A_618 = tpu.vector_load %arg6[%swap3A_616, %swap3A_617] {strides = array<i32>} : memref<128x16xf32, #tpu.memory_space<vmem>>, vector<1x16xf32>,
    %swap3A_619 = vector.shape_cast %swap3A_618 : vector<1x16xf32> to vector<16xf32>
    %swap3A_620 = vector.shape_cast %broadcast_in_dim3A_3 : vector<16xf32> to vector<1x16xf32>
    tpu.vector_store %arg6[%swap3A_616, %swap3A_617], %swap3A_620 {strides = array<i32>} : memref<128x16xf32, #tpu.memory_space<vmem>>, vector<1x16xf32>,
    %swap3A_621 = arith.constant 23 : i32
    %swap3A_622 = arith.index_cast %swap3A_621 : i32 to index
    %swap3A_623 = arith.constant 0 : index
    %swap3A_624 = tpu.vector_load %arg6[%swap3A_622, %swap3A_623] {strides = array<i32>} : memref<128x16xf32, #tpu.memory_space<vmem>>, vector<1x16xf32>,
    %swap3A_625 = vector.shape_cast %swap3A_624 : vector<1x16xf32> to vector<16xf32>
    %swap3A_626 = vector.shape_cast %broadcast_in_dim3A_3 : vector<16xf32> to vector<1x16xf32>
    tpu.vector_store %arg6[%swap3A_622, %swap3A_623], %swap3A_626 {strides = array<i32>} : memref<128x16xf32, #tpu.memory_space<vmem>>, vector<1x16xf32>,
    %swap3A_627 = arith.constant 24 : i32
    %swap3A_628 = arith.index_cast %swap3A_627 : i32 to index
    %swap3A_629 = arith.constant 0 : index
    %swap3A_630 = tpu.vector_load %arg6[%swap3A_628, %swap3A_629] {strides = array<i32>} : memref<128x16xf32, #tpu.memory_space<vmem>>, vector<1x16xf32>,
    %swap3A_631 = vector.shape_cast %swap3A_630 : vector<1x16xf32> to vector<16xf32>
    %swap3A_632 = vector.shape_cast %broadcast_in_dim3A_3 : vector<16xf32> to vector<1x16xf32>
    tpu.vector_store %arg6[%swap3A_628, %swap3A_629], %swap3A_632 {strides = array<i32>} : memref<128x16xf32, #tpu.memory_space<vmem>>, vector<1x16xf32>,
    %swap3A_633 = arith.constant 25 : i32
    %swap3A_634 = arith.index_cast %swap3A_633 : i32 to index
    %swap3A_635 = arith.constant 0 : index
    %swap3A_636 = tpu.vector_load %arg6[%swap3A_634, %swap3A_635] {strides = array<i32>} : memref<128x16xf32, #tpu.memory_space<vmem>>, vector<1x16xf32>,
    %swap3A_637 = vector.shape_cast %swap3A_636 : vector<1x16xf32> to vector<16xf32>
    %swap3A_638 = vector.shape_cast %broadcast_in_dim3A_3 : vector<16xf32> to vector<1x16xf32>
    tpu.vector_store %arg6[%swap3A_634, %swap3A_635], %swap3A_638 {strides = array<i32>} : memref<128x16xf32, #tpu.memory_space<vmem>>, vector<1x16xf32>,
    %swap3A_639 = arith.constant 26 : i32
    %swap3A_640 = arith.index_cast %swap3A_639 : i32 to index
    %swap3A_641 = arith.constant 0 : index
    %swap3A_642 = tpu.vector_load %arg6[%swap3A_640, %swap3A_641] {strides = array<i32>} : memref<128x16xf32, #tpu.memory_space<vmem>>, vector<1x16xf32>,
    %swap3A_643 = vector.shape_cast %swap3A_642 : vector<1x16xf32> to vector<16xf32>
    %swap3A_644 = vector.shape_cast %broadcast_in_dim3A_3 : vector<16xf32> to vector<1x16xf32>
    tpu.vector_store %arg6[%swap3A_640, %swap3A_641], %swap3A_644 {strides = array<i32>} : memref<128x16xf32, #tpu.memory_space<vmem>>, vector<1x16xf32>,
    %swap3A_645 = arith.constant 27 : i32
    %swap3A_646 = arith.index_cast %swap3A_645 : i32 to index
    %swap3A_647 = arith.constant 0 : index
    %swap3A_648 = tpu.vector_load %arg6[%swap3A_646, %swap3A_647] {strides = array<i32>} : memref<128x16xf32, #tpu.memory_space<vmem>>, vector<1x16xf32>,
    %swap3A_649 = vector.shape_cast %swap3A_648 : vector<1x16xf32> to vector<16xf32>
    %swap3A_650 = vector.shape_cast %broadcast_in_dim3A_3 : vector<16xf32> to vector<1x16xf32>
    tpu.vector_store %arg6[%swap3A_646, %swap3A_647], %swap3A_650 {strides = array<i32>} : memref<128x16xf32, #tpu.memory_space<vmem>>, vector<1x16xf32>,
    %swap3A_651 = arith.constant 28 : i32
    %swap3A_652 = arith.index_cast %swap3A_651 : i32 to index
    %swap3A_653 = arith.constant 0 : index
    %swap3A_654 = tpu.vector_load %arg6[%swap3A_652, %swap3A_653] {strides = array<i32>} : memref<128x16xf32, #tpu.memory_space<vmem>>, vector<1x16xf32>,
    %swap3A_655 = vector.shape_cast %swap3A_654 : vector<1x16xf32> to vector<16xf32>
    %swap3A_656 = vector.shape_cast %broadcast_in_dim3A_3 : vector<16xf32> to vector<1x16xf32>
    tpu.vector_store %arg6[%swap3A_652, %swap3A_653], %swap3A_656 {strides = array<i32>} : memref<128x16xf32, #tpu.memory_space<vmem>>, vector<1x16xf32>,
    %swap3A_657 = arith.constant 29 : i32
    %swap3A_658 = arith.index_cast %swap3A_657 : i32 to index
    %swap3A_659 = arith.constant 0 : index
    %swap3A_660 = tpu.vector_load %arg6[%swap3A_658, %swap3A_659] {strides = array<i32>} : memref<128x16xf32, #tpu.memory_space<vmem>>, vector<1x16xf32>,
    %swap3A_661 = vector.shape_cast %swap3A_660 : vector<1x16xf32> to vector<16xf32>
    %swap3A_662 = vector.shape_cast %broadcast_in_dim3A_3 : vector<16xf32> to vector<1x16xf32>
    tpu.vector_store %arg6[%swap3A_658, %swap3A_659], %swap3A_662 {strides = array<i32>} : memref<128x16xf32, #tpu.memory_space<vmem>>, vector<1x16xf32>,
    %swap3A_663 = arith.constant 30 : i32
    %swap3A_664 = arith.index_cast %swap3A_663 : i32 to index
    %swap3A_665 = arith.constant 0 : index
    %swap3A_666 = tpu.vector_load %arg6[%swap3A_664, %swap3A_665] {strides = array<i32>} : memref<128x16xf32, #tpu.memory_space<vmem>>, vector<1x16xf32>,
    %swap3A_667 = vector.shape_cast %swap3A_666 : vector<1x16xf32> to vector<16xf32>
    %swap3A_668 = vector.shape_cast %broadcast_in_dim3A_3 : vector<16xf32> to vector<1x16xf32>
    tpu.vector_store %arg6[%swap3A_664, %swap3A_665], %swap3A_668 {strides = array<i32>} : memref<128x16xf32, #tpu.memory_space<vmem>>, vector<1x16xf32>,
    %swap3A_669 = arith.constant 31 : i32
    %swap3A_670 = arith.index_cast %swap3A_669 : i32 to index
    %swap3A_671 = arith.constant 0 : index
    %swap3A_672 = tpu.vector_load %arg6[%swap3A_670, %swap3A_671] {strides = array<i32>} : memref<128x16xf32, #tpu.memory_space<vmem>>, vector<1x16xf32>,
    %swap3A_673 = vector.shape_cast %swap3A_672 : vector<1x16xf32> to vector<16xf32>
    %swap3A_674 = vector.shape_cast %broadcast_in_dim3A_3 : vector<16xf32> to vector<1x16xf32>
    tpu.vector_store %arg6[%swap3A_670, %swap3A_671], %swap3A_674 {strides = array<i32>} : memref<128x16xf32, #tpu.memory_space<vmem>>, vector<1x16xf32>,
    %swap3A_675 = arith.constant 32 : i32
    %swap3A_676 = arith.index_cast %swap3A_675 : i32 to index
    %swap3A_677 = arith.constant 0 : index
    %swap3A_678 = tpu.vector_load %arg6[%swap3A_676, %swap3A_677] {strides = array<i32>} : memref<128x16xf32, #tpu.memory_space<vmem>>, vector<1x16xf32>,
    %swap3A_679 = vector.shape_cast %swap3A_678 : vector<1x16xf32> to vector<16xf32>
    %swap3A_680 = vector.shape_cast %broadcast_in_dim3A_3 : vector<16xf32> to vector<1x16xf32>
    tpu.vector_store %arg6[%swap3A_676, %swap3A_677], %swap3A_680 {strides = array<i32>} : memref<128x16xf32, #tpu.memory_space<vmem>>, vector<1x16xf32>,
    %swap3A_681 = arith.constant 33 : i32
    %swap3A_682 = arith.index_cast %swap3A_681 : i32 to index
    %swap3A_683 = arith.constant 0 : index
    %swap3A_684 = tpu.vector_load %arg6[%swap3A_682, %swap3A_683] {strides = array<i32>} : memref<128x16xf32, #tpu.memory_space<vmem>>, vector<1x16xf32>,
    %swap3A_685 = vector.shape_cast %swap3A_684 : vector<1x16xf32> to vector<16xf32>
    %swap3A_686 = vector.shape_cast %broadcast_in_dim3A_3 : vector<16xf32> to vector<1x16xf32>
    tpu.vector_store %arg6[%swap3A_682, %swap3A_683], %swap3A_686 {strides = array<i32>} : memref<128x16xf32, #tpu.memory_space<vmem>>, vector<1x16xf32>,
    %swap3A_687 = arith.constant 34 : i32
    %swap3A_688 = arith.index_cast %swap3A_687 : i32 to index
    %swap3A_689 = arith.constant 0 : index
    %swap3A_690 = tpu.vector_load %arg6[%swap3A_688, %swap3A_689] {strides = array<i32>} : memref<128x16xf32, #tpu.memory_space<vmem>>, vector<1x16xf32>,
    %swap3A_691 = vector.shape_cast %swap3A_690 : vector<1x16xf32> to vector<16xf32>
    %swap3A_692 = vector.shape_cast %broadcast_in_dim3A_3 : vector<16xf32> to vector<1x16xf32>
    tpu.vector_store %arg6[%swap3A_688, %swap3A_689], %swap3A_692 {strides = array<i32>} : memref<128x16xf32, #tpu.memory_space<vmem>>, vector<1x16xf32>,
    %swap3A_693 = arith.constant 35 : i32
    %swap3A_694 = arith.index_cast %swap3A_693 : i32 to index
    %swap3A_695 = arith.constant 0 : index
    %swap3A_696 = tpu.vector_load %arg6[%swap3A_694, %swap3A_695] {strides = array<i32>} : memref<128x16xf32, #tpu.memory_space<vmem>>, vector<1x16xf32>,
    %swap3A_697 = vector.shape_cast %swap3A_696 : vector<1x16xf32> to vector<16xf32>
    %swap3A_698 = vector.shape_cast %broadcast_in_dim3A_3 : vector<16xf32> to vector<1x16xf32>
    tpu.vector_store %arg6[%swap3A_694, %swap3A_695], %swap3A_698 {strides = array<i32>} : memref<128x16xf32, #tpu.memory_space<vmem>>, vector<1x16xf32>,
    %swap3A_699 = arith.constant 36 : i32
    %swap3A_700 = arith.index_cast %swap3A_699 : i32 to index
    %swap3A_701 = arith.constant 0 : index
    %swap3A_702 = tpu.vector_load %arg6[%swap3A_700, %swap3A_701] {strides = array<i32>} : memref<128x16xf32, #tpu.memory_space<vmem>>, vector<1x16xf32>,
    %swap3A_703 = vector.shape_cast %swap3A_702 : vector<1x16xf32> to vector<16xf32>
    %swap3A_704 = vector.shape_cast %broadcast_in_dim3A_3 : vector<16xf32> to vector<1x16xf32>
    tpu.vector_store %arg6[%swap3A_700, %swap3A_701], %swap3A_704 {strides = array<i32>} : memref<128x16xf32, #tpu.memory_space<vmem>>, vector<1x16xf32>,
    %swap3A_705 = arith.constant 37 : i32
    %swap3A_706 = arith.index_cast %swap3A_705 : i32 to index
    %swap3A_707 = arith.constant 0 : index
    %swap3A_708 = tpu.vector_load %arg6[%swap3A_706, %swap3A_707] {strides = array<i32>} : memref<128x16xf32, #tpu.memory_space<vmem>>, vector<1x16xf32>,
    %swap3A_709 = vector.shape_cast %swap3A_708 : vector<1x16xf32> to vector<16xf32>
    %swap3A_710 = vector.shape_cast %broadcast_in_dim3A_3 : vector<16xf32> to vector<1x16xf32>
    tpu.vector_store %arg6[%swap3A_706, %swap3A_707], %swap3A_710 {strides = array<i32>} : memref<128x16xf32, #tpu.memory_space<vmem>>, vector<1x16xf32>,
    %swap3A_711 = arith.constant 38 : i32
    %swap3A_712 = arith.index_cast %swap3A_711 : i32 to index
    %swap3A_713 = arith.constant 0 : index
    %swap3A_714 = tpu.vector_load %arg6[%swap3A_712, %swap3A_713] {strides = array<i32>} : memref<128x16xf32, #tpu.memory_space<vmem>>, vector<1x16xf32>,
    %swap3A_715 = vector.shape_cast %swap3A_714 : vector<1x16xf32> to vector<16xf32>
    %swap3A_716 = vector.shape_cast %broadcast_in_dim3A_3 : vector<16xf32> to vector<1x16xf32>
    tpu.vector_store %arg6[%swap3A_712, %swap3A_713], %swap3A_716 {strides = array<i32>} : memref<128x16xf32, #tpu.memory_space<vmem>>, vector<1x16xf32>,
    %swap3A_717 = arith.constant 39 : i32
    %swap3A_718 = arith.index_cast %swap3A_717 : i32 to index
    %swap3A_719 = arith.constant 0 : index
    %swap3A_720 = tpu.vector_load %arg6[%swap3A_718, %swap3A_719] {strides = array<i32>} : memref<128x16xf32, #tpu.memory_space<vmem>>, vector<1x16xf32>,
    %swap3A_721 = vector.shape_cast %swap3A_720 : vector<1x16xf32> to vector<16xf32>
    %swap3A_722 = vector.shape_cast %broadcast_in_dim3A_3 : vector<16xf32> to vector<1x16xf32>
    tpu.vector_store %arg6[%swap3A_718, %swap3A_719], %swap3A_722 {strides = array<i32>} : memref<128x16xf32, #tpu.memory_space<vmem>>, vector<1x16xf32>,
    %swap3A_723 = arith.constant 40 : i32
    %swap3A_724 = arith.index_cast %swap3A_723 : i32 to index
    %swap3A_725 = arith.constant 0 : index
    %swap3A_726 = tpu.vector_load %arg6[%swap3A_724, %swap3A_725] {strides = array<i32>} : memref<128x16xf32, #tpu.memory_space<vmem>>, vector<1x16xf32>,
    %swap3A_727 = vector.shape_cast %swap3A_726 : vector<1x16xf32> to vector<16xf32>
    %swap3A_728 = vector.shape_cast %broadcast_in_dim3A_3 : vector<16xf32> to vector<1x16xf32>
    tpu.vector_store %arg6[%swap3A_724, %swap3A_725], %swap3A_728 {strides = array<i32>} : memref<128x16xf32, #tpu.memory_space<vmem>>, vector<1x16xf32>,
    %swap3A_729 = arith.constant 41 : i32
    %swap3A_730 = arith.index_cast %swap3A_729 : i32 to index
    %swap3A_731 = arith.constant 0 : index
    %swap3A_732 = tpu.vector_load %arg6[%swap3A_730, %swap3A_731] {strides = array<i32>} : memref<128x16xf32, #tpu.memory_space<vmem>>, vector<1x16xf32>,
    %swap3A_733 = vector.shape_cast %swap3A_732 : vector<1x16xf32> to vector<16xf32>
    %swap3A_734 = vector.shape_cast %broadcast_in_dim3A_3 : vector<16xf32> to vector<1x16xf32>
    tpu.vector_store %arg6[%swap3A_730, %swap3A_731], %swap3A_734 {strides = array<i32>} : memref<128x16xf32, #tpu.memory_space<vmem>>, vector<1x16xf32>,
    %swap3A_735 = arith.constant 42 : i32
    %swap3A_736 = arith.index_cast %swap3A_735 : i32 to index
    %swap3A_737 = arith.constant 0 : index
    %swap3A_738 = tpu.vector_load %arg6[%swap3A_736, %swap3A_737] {strides = array<i32>} : memref<128x16xf32, #tpu.memory_space<vmem>>, vector<1x16xf32>,
    %swap3A_739 = vector.shape_cast %swap3A_738 : vector<1x16xf32> to vector<16xf32>
    %swap3A_740 = vector.shape_cast %broadcast_in_dim3A_3 : vector<16xf32> to vector<1x16xf32>
    tpu.vector_store %arg6[%swap3A_736, %swap3A_737], %swap3A_740 {strides = array<i32>} : memref<128x16xf32, #tpu.memory_space<vmem>>, vector<1x16xf32>,
    %swap3A_741 = arith.constant 43 : i32
    %swap3A_742 = arith.index_cast %swap3A_741 : i32 to index
    %swap3A_743 = arith.constant 0 : index
    %swap3A_744 = tpu.vector_load %arg6[%swap3A_742, %swap3A_743] {strides = array<i32>} : memref<128x16xf32, #tpu.memory_space<vmem>>, vector<1x16xf32>,
    %swap3A_745 = vector.shape_cast %swap3A_744 : vector<1x16xf32> to vector<16xf32>
    %swap3A_746 = vector.shape_cast %broadcast_in_dim3A_3 : vector<16xf32> to vector<1x16xf32>
    tpu.vector_store %arg6[%swap3A_742, %swap3A_743], %swap3A_746 {strides = array<i32>} : memref<128x16xf32, #tpu.memory_space<vmem>>, vector<1x16xf32>,
    %swap3A_747 = arith.constant 44 : i32
    %swap3A_748 = arith.index_cast %swap3A_747 : i32 to index
    %swap3A_749 = arith.constant 0 : index
    %swap3A_750 = tpu.vector_load %arg6[%swap3A_748, %swap3A_749] {strides = array<i32>} : memref<128x16xf32, #tpu.memory_space<vmem>>, vector<1x16xf32>,
    %swap3A_751 = vector.shape_cast %swap3A_750 : vector<1x16xf32> to vector<16xf32>
    %swap3A_752 = vector.shape_cast %broadcast_in_dim3A_3 : vector<16xf32> to vector<1x16xf32>
    tpu.vector_store %arg6[%swap3A_748, %swap3A_749], %swap3A_752 {strides = array<i32>} : memref<128x16xf32, #tpu.memory_space<vmem>>, vector<1x16xf32>,
    %swap3A_753 = arith.constant 45 : i32
    %swap3A_754 = arith.index_cast %swap3A_753 : i32 to index
    %swap3A_755 = arith.constant 0 : index
    %swap3A_756 = tpu.vector_load %arg6[%swap3A_754, %swap3A_755] {strides = array<i32>} : memref<128x16xf32, #tpu.memory_space<vmem>>, vector<1x16xf32>,
    %swap3A_757 = vector.shape_cast %swap3A_756 : vector<1x16xf32> to vector<16xf32>
    %swap3A_758 = vector.shape_cast %broadcast_in_dim3A_3 : vector<16xf32> to vector<1x16xf32>
    tpu.vector_store %arg6[%swap3A_754, %swap3A_755], %swap3A_758 {strides = array<i32>} : memref<128x16xf32, #tpu.memory_space<vmem>>, vector<1x16xf32>,
    %swap3A_759 = arith.constant 46 : i32
    %swap3A_760 = arith.index_cast %swap3A_759 : i32 to index
    %swap3A_761 = arith.constant 0 : index
    %swap3A_762 = tpu.vector_load %arg6[%swap3A_760, %swap3A_761] {strides = array<i32>} : memref<128x16xf32, #tpu.memory_space<vmem>>, vector<1x16xf32>,
    %swap3A_763 = vector.shape_cast %swap3A_762 : vector<1x16xf32> to vector<16xf32>
    %swap3A_764 = vector.shape_cast %broadcast_in_dim3A_3 : vector<16xf32> to vector<1x16xf32>
    tpu.vector_store %arg6[%swap3A_760, %swap3A_761], %swap3A_764 {strides = array<i32>} : memref<128x16xf32, #tpu.memory_space<vmem>>, vector<1x16xf32>,
    %swap3A_765 = arith.constant 47 : i32
    %swap3A_766 = arith.index_cast %swap3A_765 : i32 to index
    %swap3A_767 = arith.constant 0 : index
    %swap3A_768 = tpu.vector_load %arg6[%swap3A_766, %swap3A_767] {strides = array<i32>} : memref<128x16xf32, #tpu.memory_space<vmem>>, vector<1x16xf32>,
    %swap3A_769 = vector.shape_cast %swap3A_768 : vector<1x16xf32> to vector<16xf32>
    %swap3A_770 = vector.shape_cast %broadcast_in_dim3A_3 : vector<16xf32> to vector<1x16xf32>
    tpu.vector_store %arg6[%swap3A_766, %swap3A_767], %swap3A_770 {strides = array<i32>} : memref<128x16xf32, #tpu.memory_space<vmem>>, vector<1x16xf32>,
    %swap3A_771 = arith.constant 48 : i32
    %swap3A_772 = arith.index_cast %swap3A_771 : i32 to index
    %swap3A_773 = arith.constant 0 : index
    %swap3A_774 = tpu.vector_load %arg6[%swap3A_772, %swap3A_773] {strides = array<i32>} : memref<128x16xf32, #tpu.memory_space<vmem>>, vector<1x16xf32>,
    %swap3A_775 = vector.shape_cast %swap3A_774 : vector<1x16xf32> to vector<16xf32>
    %swap3A_776 = vector.shape_cast %broadcast_in_dim3A_3 : vector<16xf32> to vector<1x16xf32>
    tpu.vector_store %arg6[%swap3A_772, %swap3A_773], %swap3A_776 {strides = array<i32>} : memref<128x16xf32, #tpu.memory_space<vmem>>, vector<1x16xf32>,
    %swap3A_777 = arith.constant 49 : i32
    %swap3A_778 = arith.index_cast %swap3A_777 : i32 to index
    %swap3A_779 = arith.constant 0 : index
    %swap3A_780 = tpu.vector_load %arg6[%swap3A_778, %swap3A_779] {strides = array<i32>} : memref<128x16xf32, #tpu.memory_space<vmem>>, vector<1x16xf32>,
    %swap3A_781 = vector.shape_cast %swap3A_780 : vector<1x16xf32> to vector<16xf32>
    %swap3A_782 = vector.shape_cast %broadcast_in_dim3A_3 : vector<16xf32> to vector<1x16xf32>
    tpu.vector_store %arg6[%swap3A_778, %swap3A_779], %swap3A_782 {strides = array<i32>} : memref<128x16xf32, #tpu.memory_space<vmem>>, vector<1x16xf32>,
    %swap3A_783 = arith.constant 50 : i32
    %swap3A_784 = arith.index_cast %swap3A_783 : i32 to index
    %swap3A_785 = arith.constant 0 : index
    %swap3A_786 = tpu.vector_load %arg6[%swap3A_784, %swap3A_785] {strides = array<i32>} : memref<128x16xf32, #tpu.memory_space<vmem>>, vector<1x16xf32>,
    %swap3A_787 = vector.shape_cast %swap3A_786 : vector<1x16xf32> to vector<16xf32>
    %swap3A_788 = vector.shape_cast %broadcast_in_dim3A_3 : vector<16xf32> to vector<1x16xf32>
    tpu.vector_store %arg6[%swap3A_784, %swap3A_785], %swap3A_788 {strides = array<i32>} : memref<128x16xf32, #tpu.memory_space<vmem>>, vector<1x16xf32>,
    %swap3A_789 = arith.constant 51 : i32
    %swap3A_790 = arith.index_cast %swap3A_789 : i32 to index
    %swap3A_791 = arith.constant 0 : index
    %swap3A_792 = tpu.vector_load %arg6[%swap3A_790, %swap3A_791] {strides = array<i32>} : memref<128x16xf32, #tpu.memory_space<vmem>>, vector<1x16xf32>,
    %swap3A_793 = vector.shape_cast %swap3A_792 : vector<1x16xf32> to vector<16xf32>
    %swap3A_794 = vector.shape_cast %broadcast_in_dim3A_3 : vector<16xf32> to vector<1x16xf32>
    tpu.vector_store %arg6[%swap3A_790, %swap3A_791], %swap3A_794 {strides = array<i32>} : memref<128x16xf32, #tpu.memory_space<vmem>>, vector<1x16xf32>,
    %swap3A_795 = arith.constant 52 : i32
    %swap3A_796 = arith.index_cast %swap3A_795 : i32 to index
    %swap3A_797 = arith.constant 0 : index
    %swap3A_798 = tpu.vector_load %arg6[%swap3A_796, %swap3A_797] {strides = array<i32>} : memref<128x16xf32, #tpu.memory_space<vmem>>, vector<1x16xf32>,
    %swap3A_799 = vector.shape_cast %swap3A_798 : vector<1x16xf32> to vector<16xf32>
    %swap3A_800 = vector.shape_cast %broadcast_in_dim3A_3 : vector<16xf32> to vector<1x16xf32>
    tpu.vector_store %arg6[%swap3A_796, %swap3A_797], %swap3A_800 {strides = array<i32>} : memref<128x16xf32, #tpu.memory_space<vmem>>, vector<1x16xf32>,
    %swap3A_801 = arith.constant 53 : i32
    %swap3A_802 = arith.index_cast %swap3A_801 : i32 to index
    %swap3A_803 = arith.constant 0 : index
    %swap3A_804 = tpu.vector_load %arg6[%swap3A_802, %swap3A_803] {strides = array<i32>} : memref<128x16xf32, #tpu.memory_space<vmem>>, vector<1x16xf32>,
    %swap3A_805 = vector.shape_cast %swap3A_804 : vector<1x16xf32> to vector<16xf32>
    %swap3A_806 = vector.shape_cast %broadcast_in_dim3A_3 : vector<16xf32> to vector<1x16xf32>
    tpu.vector_store %arg6[%swap3A_802, %swap3A_803], %swap3A_806 {strides = array<i32>} : memref<128x16xf32, #tpu.memory_space<vmem>>, vector<1x16xf32>,
    %swap3A_807 = arith.constant 54 : i32
    %swap3A_808 = arith.index_cast %swap3A_807 : i32 to index
    %swap3A_809 = arith.constant 0 : index
    %swap3A_810 = tpu.vector_load %arg6[%swap3A_808, %swap3A_809] {strides = array<i32>} : memref<128x16xf32, #tpu.memory_space<vmem>>, vector<1x16xf32>,
    %swap3A_811 = vector.shape_cast %swap3A_810 : vector<1x16xf32> to vector<16xf32>
    %swap3A_812 = vector.shape_cast %broadcast_in_dim3A_3 : vector<16xf32> to vector<1x16xf32>
    tpu.vector_store %arg6[%swap3A_808, %swap3A_809], %swap3A_812 {strides = array<i32>} : memref<128x16xf32, #tpu.memory_space<vmem>>, vector<1x16xf32>,
    %swap3A_813 = arith.constant 55 : i32
    %swap3A_814 = arith.index_cast %swap3A_813 : i32 to index
    %swap3A_815 = arith.constant 0 : index
    %swap3A_816 = tpu.vector_load %arg6[%swap3A_814, %swap3A_815] {strides = array<i32>} : memref<128x16xf32, #tpu.memory_space<vmem>>, vector<1x16xf32>,
    %swap3A_817 = vector.shape_cast %swap3A_816 : vector<1x16xf32> to vector<16xf32>
    %swap3A_818 = vector.shape_cast %broadcast_in_dim3A_3 : vector<16xf32> to vector<1x16xf32>
    tpu.vector_store %arg6[%swap3A_814, %swap3A_815], %swap3A_818 {strides = array<i32>} : memref<128x16xf32, #tpu.memory_space<vmem>>, vector<1x16xf32>,
    %swap3A_819 = arith.constant 56 : i32
    %swap3A_820 = arith.index_cast %swap3A_819 : i32 to index
    %swap3A_821 = arith.constant 0 : index
    %swap3A_822 = tpu.vector_load %arg6[%swap3A_820, %swap3A_821] {strides = array<i32>} : memref<128x16xf32, #tpu.memory_space<vmem>>, vector<1x16xf32>,
    %swap3A_823 = vector.shape_cast %swap3A_822 : vector<1x16xf32> to vector<16xf32>
    %swap3A_824 = vector.shape_cast %broadcast_in_dim3A_3 : vector<16xf32> to vector<1x16xf32>
    tpu.vector_store %arg6[%swap3A_820, %swap3A_821], %swap3A_824 {strides = array<i32>} : memref<128x16xf32, #tpu.memory_space<vmem>>, vector<1x16xf32>,
    %swap3A_825 = arith.constant 57 : i32
    %swap3A_826 = arith.index_cast %swap3A_825 : i32 to index
    %swap3A_827 = arith.constant 0 : index
    %swap3A_828 = tpu.vector_load %arg6[%swap3A_826, %swap3A_827] {strides = array<i32>} : memref<128x16xf32, #tpu.memory_space<vmem>>, vector<1x16xf32>,
    %swap3A_829 = vector.shape_cast %swap3A_828 : vector<1x16xf32> to vector<16xf32>
    %swap3A_830 = vector.shape_cast %broadcast_in_dim3A_3 : vector<16xf32> to vector<1x16xf32>
    tpu.vector_store %arg6[%swap3A_826, %swap3A_827], %swap3A_830 {strides = array<i32>} : memref<128x16xf32, #tpu.memory_space<vmem>>, vector<1x16xf32>,
    %swap3A_831 = arith.constant 58 : i32
    %swap3A_832 = arith.index_cast %swap3A_831 : i32 to index
    %swap3A_833 = arith.constant 0 : index
    %swap3A_834 = tpu.vector_load %arg6[%swap3A_832, %swap3A_833] {strides = array<i32>} : memref<128x16xf32, #tpu.memory_space<vmem>>, vector<1x16xf32>,
    %swap3A_835 = vector.shape_cast %swap3A_834 : vector<1x16xf32> to vector<16xf32>
    %swap3A_836 = vector.shape_cast %broadcast_in_dim3A_3 : vector<16xf32> to vector<1x16xf32>
    tpu.vector_store %arg6[%swap3A_832, %swap3A_833], %swap3A_836 {strides = array<i32>} : memref<128x16xf32, #tpu.memory_space<vmem>>, vector<1x16xf32>,
    %swap3A_837 = arith.constant 59 : i32
    %swap3A_838 = arith.index_cast %swap3A_837 : i32 to index
    %swap3A_839 = arith.constant 0 : index
    %swap3A_840 = tpu.vector_load %arg6[%swap3A_838, %swap3A_839] {strides = array<i32>} : memref<128x16xf32, #tpu.memory_space<vmem>>, vector<1x16xf32>,
    %swap3A_841 = vector.shape_cast %swap3A_840 : vector<1x16xf32> to vector<16xf32>
    %swap3A_842 = vector.shape_cast %broadcast_in_dim3A_3 : vector<16xf32> to vector<1x16xf32>
    tpu.vector_store %arg6[%swap3A_838, %swap3A_839], %swap3A_842 {strides = array<i32>} : memref<128x16xf32, #tpu.memory_space<vmem>>, vector<1x16xf32>,
    %swap3A_843 = arith.constant 60 : i32
    %swap3A_844 = arith.index_cast %swap3A_843 : i32 to index
    %swap3A_845 = arith.constant 0 : index
    %swap3A_846 = tpu.vector_load %arg6[%swap3A_844, %swap3A_845] {strides = array<i32>} : memref<128x16xf32, #tpu.memory_space<vmem>>, vector<1x16xf32>,
    %swap3A_847 = vector.shape_cast %swap3A_846 : vector<1x16xf32> to vector<16xf32>
    %swap3A_848 = vector.shape_cast %broadcast_in_dim3A_3 : vector<16xf32> to vector<1x16xf32>
    tpu.vector_store %arg6[%swap3A_844, %swap3A_845], %swap3A_848 {strides = array<i32>} : memref<128x16xf32, #tpu.memory_space<vmem>>, vector<1x16xf32>,
    %swap3A_849 = arith.constant 61 : i32
    %swap3A_850 = arith.index_cast %swap3A_849 : i32 to index
    %swap3A_851 = arith.constant 0 : index
    %swap3A_852 = tpu.vector_load %arg6[%swap3A_850, %swap3A_851] {strides = array<i32>} : memref<128x16xf32, #tpu.memory_space<vmem>>, vector<1x16xf32>,
    %swap3A_853 = vector.shape_cast %swap3A_852 : vector<1x16xf32> to vector<16xf32>
    %swap3A_854 = vector.shape_cast %broadcast_in_dim3A_3 : vector<16xf32> to vector<1x16xf32>
    tpu.vector_store %arg6[%swap3A_850, %swap3A_851], %swap3A_854 {strides = array<i32>} : memref<128x16xf32, #tpu.memory_space<vmem>>, vector<1x16xf32>,
    %swap3A_855 = arith.constant 62 : i32
    %swap3A_856 = arith.index_cast %swap3A_855 : i32 to index
    %swap3A_857 = arith.constant 0 : index
    %swap3A_858 = tpu.vector_load %arg6[%swap3A_856, %swap3A_857] {strides = array<i32>} : memref<128x16xf32, #tpu.memory_space<vmem>>, vector<1x16xf32>,
    %swap3A_859 = vector.shape_cast %swap3A_858 : vector<1x16xf32> to vector<16xf32>
    %swap3A_860 = vector.shape_cast %broadcast_in_dim3A_3 : vector<16xf32> to vector<1x16xf32>
    tpu.vector_store %arg6[%swap3A_856, %swap3A_857], %swap3A_860 {strides = array<i32>} : memref<128x16xf32, #tpu.memory_space<vmem>>, vector<1x16xf32>,
    %swap3A_861 = arith.constant 63 : i32
    %swap3A_862 = arith.index_cast %swap3A_861 : i32 to index
    %swap3A_863 = arith.constant 0 : index
    %swap3A_864 = tpu.vector_load %arg6[%swap3A_862, %swap3A_863] {strides = array<i32>} : memref<128x16xf32, #tpu.memory_space<vmem>>, vector<1x16xf32>,
    %swap3A_865 = vector.shape_cast %swap3A_864 : vector<1x16xf32> to vector<16xf32>
    %swap3A_866 = vector.shape_cast %broadcast_in_dim3A_3 : vector<16xf32> to vector<1x16xf32>
    tpu.vector_store %arg6[%swap3A_862, %swap3A_863], %swap3A_866 {strides = array<i32>} : memref<128x16xf32, #tpu.memory_space<vmem>>, vector<1x16xf32>,
    %swap3A_867 = arith.constant 64 : i32
    %swap3A_868 = arith.index_cast %swap3A_867 : i32 to index
    %swap3A_869 = arith.constant 0 : index
    %swap3A_870 = tpu.vector_load %arg6[%swap3A_868, %swap3A_869] {strides = array<i32>} : memref<128x16xf32, #tpu.memory_space<vmem>>, vector<1x16xf32>,
    %swap3A_871 = vector.shape_cast %swap3A_870 : vector<1x16xf32> to vector<16xf32>
    %swap3A_872 = vector.shape_cast %broadcast_in_dim3A_3 : vector<16xf32> to vector<1x16xf32>
    tpu.vector_store %arg6[%swap3A_868, %swap3A_869], %swap3A_872 {strides = array<i32>} : memref<128x16xf32, #tpu.memory_space<vmem>>, vector<1x16xf32>,
    %swap3A_873 = arith.constant 65 : i32
    %swap3A_874 = arith.index_cast %swap3A_873 : i32 to index
    %swap3A_875 = arith.constant 0 : index
    %swap3A_876 = tpu.vector_load %arg6[%swap3A_874, %swap3A_875] {strides = array<i32>} : memref<128x16xf32, #tpu.memory_space<vmem>>, vector<1x16xf32>,
    %swap3A_877 = vector.shape_cast %swap3A_876 : vector<1x16xf32> to vector<16xf32>
    %swap3A_878 = vector.shape_cast %broadcast_in_dim3A_3 : vector<16xf32> to vector<1x16xf32>
    tpu.vector_store %arg6[%swap3A_874, %swap3A_875], %swap3A_878 {strides = array<i32>} : memref<128x16xf32, #tpu.memory_space<vmem>>, vector<1x16xf32>,
    %swap3A_879 = arith.constant 66 : i32
    %swap3A_880 = arith.index_cast %swap3A_879 : i32 to index
    %swap3A_881 = arith.constant 0 : index
    %swap3A_882 = tpu.vector_load %arg6[%swap3A_880, %swap3A_881] {strides = array<i32>} : memref<128x16xf32, #tpu.memory_space<vmem>>, vector<1x16xf32>,
    %swap3A_883 = vector.shape_cast %swap3A_882 : vector<1x16xf32> to vector<16xf32>
    %swap3A_884 = vector.shape_cast %broadcast_in_dim3A_3 : vector<16xf32> to vector<1x16xf32>
    tpu.vector_store %arg6[%swap3A_880, %swap3A_881], %swap3A_884 {strides = array<i32>} : memref<128x16xf32, #tpu.memory_space<vmem>>, vector<1x16xf32>,
    %swap3A_885 = arith.constant 67 : i32
    %swap3A_886 = arith.index_cast %swap3A_885 : i32 to index
    %swap3A_887 = arith.constant 0 : index
    %swap3A_888 = tpu.vector_load %arg6[%swap3A_886, %swap3A_887] {strides = array<i32>} : memref<128x16xf32, #tpu.memory_space<vmem>>, vector<1x16xf32>,
    %swap3A_889 = vector.shape_cast %swap3A_888 : vector<1x16xf32> to vector<16xf32>
    %swap3A_890 = vector.shape_cast %broadcast_in_dim3A_3 : vector<16xf32> to vector<1x16xf32>
    tpu.vector_store %arg6[%swap3A_886, %swap3A_887], %swap3A_890 {strides = array<i32>} : memref<128x16xf32, #tpu.memory_space<vmem>>, vector<1x16xf32>,
    %swap3A_891 = arith.constant 68 : i32
    %swap3A_892 = arith.index_cast %swap3A_891 : i32 to index
    %swap3A_893 = arith.constant 0 : index
    %swap3A_894 = tpu.vector_load %arg6[%swap3A_892, %swap3A_893] {strides = array<i32>} : memref<128x16xf32, #tpu.memory_space<vmem>>, vector<1x16xf32>,
    %swap3A_895 = vector.shape_cast %swap3A_894 : vector<1x16xf32> to vector<16xf32>
    %swap3A_896 = vector.shape_cast %broadcast_in_dim3A_3 : vector<16xf32> to vector<1x16xf32>
    tpu.vector_store %arg6[%swap3A_892, %swap3A_893], %swap3A_896 {strides = array<i32>} : memref<128x16xf32, #tpu.memory_space<vmem>>, vector<1x16xf32>,
    %swap3A_897 = arith.constant 69 : i32
    %swap3A_898 = arith.index_cast %swap3A_897 : i32 to index
    %swap3A_899 = arith.constant 0 : index
    %swap3A_900 = tpu.vector_load %arg6[%swap3A_898, %swap3A_899] {strides = array<i32>} : memref<128x16xf32, #tpu.memory_space<vmem>>, vector<1x16xf32>,
    %swap3A_901 = vector.shape_cast %swap3A_900 : vector<1x16xf32> to vector<16xf32>
    %swap3A_902 = vector.shape_cast %broadcast_in_dim3A_3 : vector<16xf32> to vector<1x16xf32>
    tpu.vector_store %arg6[%swap3A_898, %swap3A_899], %swap3A_902 {strides = array<i32>} : memref<128x16xf32, #tpu.memory_space<vmem>>, vector<1x16xf32>,
    %swap3A_903 = arith.constant 70 : i32
    %swap3A_904 = arith.index_cast %swap3A_903 : i32 to index
    %swap3A_905 = arith.constant 0 : index
    %swap3A_906 = tpu.vector_load %arg6[%swap3A_904, %swap3A_905] {strides = array<i32>} : memref<128x16xf32, #tpu.memory_space<vmem>>, vector<1x16xf32>,
    %swap3A_907 = vector.shape_cast %swap3A_906 : vector<1x16xf32> to vector<16xf32>
    %swap3A_908 = vector.shape_cast %broadcast_in_dim3A_3 : vector<16xf32> to vector<1x16xf32>
    tpu.vector_store %arg6[%swap3A_904, %swap3A_905], %swap3A_908 {strides = array<i32>} : memref<128x16xf32, #tpu.memory_space<vmem>>, vector<1x16xf32>,
    %swap3A_909 = arith.constant 71 : i32
    %swap3A_910 = arith.index_cast %swap3A_909 : i32 to index
    %swap3A_911 = arith.constant 0 : index
    %swap3A_912 = tpu.vector_load %arg6[%swap3A_910, %swap3A_911] {strides = array<i32>} : memref<128x16xf32, #tpu.memory_space<vmem>>, vector<1x16xf32>,
    %swap3A_913 = vector.shape_cast %swap3A_912 : vector<1x16xf32> to vector<16xf32>
    %swap3A_914 = vector.shape_cast %broadcast_in_dim3A_3 : vector<16xf32> to vector<1x16xf32>
    tpu.vector_store %arg6[%swap3A_910, %swap3A_911], %swap3A_914 {strides = array<i32>} : memref<128x16xf32, #tpu.memory_space<vmem>>, vector<1x16xf32>,
    %swap3A_915 = arith.constant 72 : i32
    %swap3A_916 = arith.index_cast %swap3A_915 : i32 to index
    %swap3A_917 = arith.constant 0 : index
    %swap3A_918 = tpu.vector_load %arg6[%swap3A_916, %swap3A_917] {strides = array<i32>} : memref<128x16xf32, #tpu.memory_space<vmem>>, vector<1x16xf32>,
    %swap3A_919 = vector.shape_cast %swap3A_918 : vector<1x16xf32> to vector<16xf32>
    %swap3A_920 = vector.shape_cast %broadcast_in_dim3A_3 : vector<16xf32> to vector<1x16xf32>
    tpu.vector_store %arg6[%swap3A_916, %swap3A_917], %swap3A_920 {strides = array<i32>} : memref<128x16xf32, #tpu.memory_space<vmem>>, vector<1x16xf32>,
    %swap3A_921 = arith.constant 73 : i32
    %swap3A_922 = arith.index_cast %swap3A_921 : i32 to index
    %swap3A_923 = arith.constant 0 : index
    %swap3A_924 = tpu.vector_load %arg6[%swap3A_922, %swap3A_923] {strides = array<i32>} : memref<128x16xf32, #tpu.memory_space<vmem>>, vector<1x16xf32>,
    %swap3A_925 = vector.shape_cast %swap3A_924 : vector<1x16xf32> to vector<16xf32>
    %swap3A_926 = vector.shape_cast %broadcast_in_dim3A_3 : vector<16xf32> to vector<1x16xf32>
    tpu.vector_store %arg6[%swap3A_922, %swap3A_923], %swap3A_926 {strides = array<i32>} : memref<128x16xf32, #tpu.memory_space<vmem>>, vector<1x16xf32>,
    %swap3A_927 = arith.constant 74 : i32
    %swap3A_928 = arith.index_cast %swap3A_927 : i32 to index
    %swap3A_929 = arith.constant 0 : index
    %swap3A_930 = tpu.vector_load %arg6[%swap3A_928, %swap3A_929] {strides = array<i32>} : memref<128x16xf32, #tpu.memory_space<vmem>>, vector<1x16xf32>,
    %swap3A_931 = vector.shape_cast %swap3A_930 : vector<1x16xf32> to vector<16xf32>
    %swap3A_932 = vector.shape_cast %broadcast_in_dim3A_3 : vector<16xf32> to vector<1x16xf32>
    tpu.vector_store %arg6[%swap3A_928, %swap3A_929], %swap3A_932 {strides = array<i32>} : memref<128x16xf32, #tpu.memory_space<vmem>>, vector<1x16xf32>,
    %swap3A_933 = arith.constant 75 : i32
    %swap3A_934 = arith.index_cast %swap3A_933 : i32 to index
    %swap3A_935 = arith.constant 0 : index
    %swap3A_936 = tpu.vector_load %arg6[%swap3A_934, %swap3A_935] {strides = array<i32>} : memref<128x16xf32, #tpu.memory_space<vmem>>, vector<1x16xf32>,
    %swap3A_937 = vector.shape_cast %swap3A_936 : vector<1x16xf32> to vector<16xf32>
    %swap3A_938 = vector.shape_cast %broadcast_in_dim3A_3 : vector<16xf32> to vector<1x16xf32>
    tpu.vector_store %arg6[%swap3A_934, %swap3A_935], %swap3A_938 {strides = array<i32>} : memref<128x16xf32, #tpu.memory_space<vmem>>, vector<1x16xf32>,
    %swap3A_939 = arith.constant 76 : i32
    %swap3A_940 = arith.index_cast %swap3A_939 : i32 to index
    %swap3A_941 = arith.constant 0 : index
    %swap3A_942 = tpu.vector_load %arg6[%swap3A_940, %swap3A_941] {strides = array<i32>} : memref<128x16xf32, #tpu.memory_space<vmem>>, vector<1x16xf32>,
    %swap3A_943 = vector.shape_cast %swap3A_942 : vector<1x16xf32> to vector<16xf32>
    %swap3A_944 = vector.shape_cast %broadcast_in_dim3A_3 : vector<16xf32> to vector<1x16xf32>
    tpu.vector_store %arg6[%swap3A_940, %swap3A_941], %swap3A_944 {strides = array<i32>} : memref<128x16xf32, #tpu.memory_space<vmem>>, vector<1x16xf32>,
    %swap3A_945 = arith.constant 77 : i32
    %swap3A_946 = arith.index_cast %swap3A_945 : i32 to index
    %swap3A_947 = arith.constant 0 : index
    %swap3A_948 = tpu.vector_load %arg6[%swap3A_946, %swap3A_947] {strides = array<i32>} : memref<128x16xf32, #tpu.memory_space<vmem>>, vector<1x16xf32>,
    %swap3A_949 = vector.shape_cast %swap3A_948 : vector<1x16xf32> to vector<16xf32>
    %swap3A_950 = vector.shape_cast %broadcast_in_dim3A_3 : vector<16xf32> to vector<1x16xf32>
    tpu.vector_store %arg6[%swap3A_946, %swap3A_947], %swap3A_950 {strides = array<i32>} : memref<128x16xf32, #tpu.memory_space<vmem>>, vector<1x16xf32>,
    %swap3A_951 = arith.constant 78 : i32
    %swap3A_952 = arith.index_cast %swap3A_951 : i32 to index
    %swap3A_953 = arith.constant 0 : index
    %swap3A_954 = tpu.vector_load %arg6[%swap3A_952, %swap3A_953] {strides = array<i32>} : memref<128x16xf32, #tpu.memory_space<vmem>>, vector<1x16xf32>,
    %swap3A_955 = vector.shape_cast %swap3A_954 : vector<1x16xf32> to vector<16xf32>
    %swap3A_956 = vector.shape_cast %broadcast_in_dim3A_3 : vector<16xf32> to vector<1x16xf32>
    tpu.vector_store %arg6[%swap3A_952, %swap3A_953], %swap3A_956 {strides = array<i32>} : memref<128x16xf32, #tpu.memory_space<vmem>>, vector<1x16xf32>,
    %swap3A_957 = arith.constant 79 : i32
    %swap3A_958 = arith.index_cast %swap3A_957 : i32 to index
    %swap3A_959 = arith.constant 0 : index
    %swap3A_960 = tpu.vector_load %arg6[%swap3A_958, %swap3A_959] {strides = array<i32>} : memref<128x16xf32, #tpu.memory_space<vmem>>, vector<1x16xf32>,
    %swap3A_961 = vector.shape_cast %swap3A_960 : vector<1x16xf32> to vector<16xf32>
    %swap3A_962 = vector.shape_cast %broadcast_in_dim3A_3 : vector<16xf32> to vector<1x16xf32>
    tpu.vector_store %arg6[%swap3A_958, %swap3A_959], %swap3A_962 {strides = array<i32>} : memref<128x16xf32, #tpu.memory_space<vmem>>, vector<1x16xf32>,
    %swap3A_963 = arith.constant 80 : i32
    %swap3A_964 = arith.index_cast %swap3A_963 : i32 to index
    %swap3A_965 = arith.constant 0 : index
    %swap3A_966 = tpu.vector_load %arg6[%swap3A_964, %swap3A_965] {strides = array<i32>} : memref<128x16xf32, #tpu.memory_space<vmem>>, vector<1x16xf32>,
    %swap3A_967 = vector.shape_cast %swap3A_966 : vector<1x16xf32> to vector<16xf32>
    %swap3A_968 = vector.shape_cast %broadcast_in_dim3A_3 : vector<16xf32> to vector<1x16xf32>
    tpu.vector_store %arg6[%swap3A_964, %swap3A_965], %swap3A_968 {strides = array<i32>} : memref<128x16xf32, #tpu.memory_space<vmem>>, vector<1x16xf32>,
    %swap3A_969 = arith.constant 81 : i32
    %swap3A_970 = arith.index_cast %swap3A_969 : i32 to index
    %swap3A_971 = arith.constant 0 : index
    %swap3A_972 = tpu.vector_load %arg6[%swap3A_970, %swap3A_971] {strides = array<i32>} : memref<128x16xf32, #tpu.memory_space<vmem>>, vector<1x16xf32>,
    %swap3A_973 = vector.shape_cast %swap3A_972 : vector<1x16xf32> to vector<16xf32>
    %swap3A_974 = vector.shape_cast %broadcast_in_dim3A_3 : vector<16xf32> to vector<1x16xf32>
    tpu.vector_store %arg6[%swap3A_970, %swap3A_971], %swap3A_974 {strides = array<i32>} : memref<128x16xf32, #tpu.memory_space<vmem>>, vector<1x16xf32>,
    %swap3A_975 = arith.constant 82 : i32
    %swap3A_976 = arith.index_cast %swap3A_975 : i32 to index
    %swap3A_977 = arith.constant 0 : index
    %swap3A_978 = tpu.vector_load %arg6[%swap3A_976, %swap3A_977] {strides = array<i32>} : memref<128x16xf32, #tpu.memory_space<vmem>>, vector<1x16xf32>,
    %swap3A_979 = vector.shape_cast %swap3A_978 : vector<1x16xf32> to vector<16xf32>
    %swap3A_980 = vector.shape_cast %broadcast_in_dim3A_3 : vector<16xf32> to vector<1x16xf32>
    tpu.vector_store %arg6[%swap3A_976, %swap3A_977], %swap3A_980 {strides = array<i32>} : memref<128x16xf32, #tpu.memory_space<vmem>>, vector<1x16xf32>,
    %swap3A_981 = arith.constant 83 : i32
    %swap3A_982 = arith.index_cast %swap3A_981 : i32 to index
    %swap3A_983 = arith.constant 0 : index
    %swap3A_984 = tpu.vector_load %arg6[%swap3A_982, %swap3A_983] {strides = array<i32>} : memref<128x16xf32, #tpu.memory_space<vmem>>, vector<1x16xf32>,
    %swap3A_985 = vector.shape_cast %swap3A_984 : vector<1x16xf32> to vector<16xf32>
    %swap3A_986 = vector.shape_cast %broadcast_in_dim3A_3 : vector<16xf32> to vector<1x16xf32>
    tpu.vector_store %arg6[%swap3A_982, %swap3A_983], %swap3A_986 {strides = array<i32>} : memref<128x16xf32, #tpu.memory_space<vmem>>, vector<1x16xf32>,
    %swap3A_987 = arith.constant 84 : i32
    %swap3A_988 = arith.index_cast %swap3A_987 : i32 to index
    %swap3A_989 = arith.constant 0 : index
    %swap3A_990 = tpu.vector_load %arg6[%swap3A_988, %swap3A_989] {strides = array<i32>} : memref<128x16xf32, #tpu.memory_space<vmem>>, vector<1x16xf32>,
    %swap3A_991 = vector.shape_cast %swap3A_990 : vector<1x16xf32> to vector<16xf32>
    %swap3A_992 = vector.shape_cast %broadcast_in_dim3A_3 : vector<16xf32> to vector<1x16xf32>
    tpu.vector_store %arg6[%swap3A_988, %swap3A_989], %swap3A_992 {strides = array<i32>} : memref<128x16xf32, #tpu.memory_space<vmem>>, vector<1x16xf32>,
    %swap3A_993 = arith.constant 85 : i32
    %swap3A_994 = arith.index_cast %swap3A_993 : i32 to index
    %swap3A_995 = arith.constant 0 : index
    %swap3A_996 = tpu.vector_load %arg6[%swap3A_994, %swap3A_995] {strides = array<i32>} : memref<128x16xf32, #tpu.memory_space<vmem>>, vector<1x16xf32>,
    %swap3A_997 = vector.shape_cast %swap3A_996 : vector<1x16xf32> to vector<16xf32>
    %swap3A_998 = vector.shape_cast %broadcast_in_dim3A_3 : vector<16xf32> to vector<1x16xf32>
    tpu.vector_store %arg6[%swap3A_994, %swap3A_995], %swap3A_998 {strides = array<i32>} : memref<128x16xf32, #tpu.memory_space<vmem>>, vector<1x16xf32>,
    %swap3A_999 = arith.constant 86 : i32
    %swap3A_1000 = arith.index_cast %swap3A_999 : i32 to index
    %swap3A_1001 = arith.constant 0 : index
    %swap3A_1002 = tpu.vector_load %arg6[%swap3A_1000, %swap3A_1001] {strides = array<i32>} : memref<128x16xf32, #tpu.memory_space<vmem>>, vector<1x16xf32>,
    %swap3A_1003 = vector.shape_cast %swap3A_1002 : vector<1x16xf32> to vector<16xf32>
    %swap3A_1004 = vector.shape_cast %broadcast_in_dim3A_3 : vector<16xf32> to vector<1x16xf32>
    tpu.vector_store %arg6[%swap3A_1000, %swap3A_1001], %swap3A_1004 {strides = array<i32>} : memref<128x16xf32, #tpu.memory_space<vmem>>, vector<1x16xf32>,
    %swap3A_1005 = arith.constant 87 : i32
    %swap3A_1006 = arith.index_cast %swap3A_1005 : i32 to index
    %swap3A_1007 = arith.constant 0 : index
    %swap3A_1008 = tpu.vector_load %arg6[%swap3A_1006, %swap3A_1007] {strides = array<i32>} : memref<128x16xf32, #tpu.memory_space<vmem>>, vector<1x16xf32>,
    %swap3A_1009 = vector.shape_cast %swap3A_1008 : vector<1x16xf32> to vector<16xf32>
    %swap3A_1010 = vector.shape_cast %broadcast_in_dim3A_3 : vector<16xf32> to vector<1x16xf32>
    tpu.vector_store %arg6[%swap3A_1006, %swap3A_1007], %swap3A_1010 {strides = array<i32>} : memref<128x16xf32, #tpu.memory_space<vmem>>, vector<1x16xf32>,
    %swap3A_1011 = arith.constant 88 : i32
    %swap3A_1012 = arith.index_cast %swap3A_1011 : i32 to index
    %swap3A_1013 = arith.constant 0 : index
    %swap3A_1014 = tpu.vector_load %arg6[%swap3A_1012, %swap3A_1013] {strides = array<i32>} : memref<128x16xf32, #tpu.memory_space<vmem>>, vector<1x16xf32>,
    %swap3A_1015 = vector.shape_cast %swap3A_1014 : vector<1x16xf32> to vector<16xf32>
    %swap3A_1016 = vector.shape_cast %broadcast_in_dim3A_3 : vector<16xf32> to vector<1x16xf32>
    tpu.vector_store %arg6[%swap3A_1012, %swap3A_1013], %swap3A_1016 {strides = array<i32>} : memref<128x16xf32, #tpu.memory_space<vmem>>, vector<1x16xf32>,
    %swap3A_1017 = arith.constant 89 : i32
    %swap3A_1018 = arith.index_cast %swap3A_1017 : i32 to index
    %swap3A_1019 = arith.constant 0 : index
    %swap3A_1020 = tpu.vector_load %arg6[%swap3A_1018, %swap3A_1019] {strides = array<i32>} : memref<128x16xf32, #tpu.memory_space<vmem>>, vector<1x16xf32>,
    %swap3A_1021 = vector.shape_cast %swap3A_1020 : vector<1x16xf32> to vector<16xf32>
    %swap3A_1022 = vector.shape_cast %broadcast_in_dim3A_3 : vector<16xf32> to vector<1x16xf32>
    tpu.vector_store %arg6[%swap3A_1018, %swap3A_1019], %swap3A_1022 {strides = array<i32>} : memref<128x16xf32, #tpu.memory_space<vmem>>, vector<1x16xf32>,
    %swap3A_1023 = arith.constant 90 : i32
    %swap3A_1024 = arith.index_cast %swap3A_1023 : i32 to index
    %swap3A_1025 = arith.constant 0 : index
    %swap3A_1026 = tpu.vector_load %arg6[%swap3A_1024, %swap3A_1025] {strides = array<i32>} : memref<128x16xf32, #tpu.memory_space<vmem>>, vector<1x16xf32>,
    %swap3A_1027 = vector.shape_cast %swap3A_1026 : vector<1x16xf32> to vector<16xf32>
    %swap3A_1028 = vector.shape_cast %broadcast_in_dim3A_3 : vector<16xf32> to vector<1x16xf32>
    tpu.vector_store %arg6[%swap3A_1024, %swap3A_1025], %swap3A_1028 {strides = array<i32>} : memref<128x16xf32, #tpu.memory_space<vmem>>, vector<1x16xf32>,
    %swap3A_1029 = arith.constant 91 : i32
    %swap3A_1030 = arith.index_cast %swap3A_1029 : i32 to index
    %swap3A_1031 = arith.constant 0 : index
    %swap3A_1032 = tpu.vector_load %arg6[%swap3A_1030, %swap3A_1031] {strides = array<i32>} : memref<128x16xf32, #tpu.memory_space<vmem>>, vector<1x16xf32>,
    %swap3A_1033 = vector.shape_cast %swap3A_1032 : vector<1x16xf32> to vector<16xf32>
    %swap3A_1034 = vector.shape_cast %broadcast_in_dim3A_3 : vector<16xf32> to vector<1x16xf32>
    tpu.vector_store %arg6[%swap3A_1030, %swap3A_1031], %swap3A_1034 {strides = array<i32>} : memref<128x16xf32, #tpu.memory_space<vmem>>, vector<1x16xf32>,
    %swap3A_1035 = arith.constant 92 : i32
    %swap3A_1036 = arith.index_cast %swap3A_1035 : i32 to index
    %swap3A_1037 = arith.constant 0 : index
    %swap3A_1038 = tpu.vector_load %arg6[%swap3A_1036, %swap3A_1037] {strides = array<i32>} : memref<128x16xf32, #tpu.memory_space<vmem>>, vector<1x16xf32>,
    %swap3A_1039 = vector.shape_cast %swap3A_1038 : vector<1x16xf32> to vector<16xf32>
    %swap3A_1040 = vector.shape_cast %broadcast_in_dim3A_3 : vector<16xf32> to vector<1x16xf32>
    tpu.vector_store %arg6[%swap3A_1036, %swap3A_1037], %swap3A_1040 {strides = array<i32>} : memref<128x16xf32, #tpu.memory_space<vmem>>, vector<1x16xf32>,
    %swap3A_1041 = arith.constant 93 : i32
    %swap3A_1042 = arith.index_cast %swap3A_1041 : i32 to index
    %swap3A_1043 = arith.constant 0 : index
    %swap3A_1044 = tpu.vector_load %arg6[%swap3A_1042, %swap3A_1043] {strides = array<i32>} : memref<128x16xf32, #tpu.memory_space<vmem>>, vector<1x16xf32>,
    %swap3A_1045 = vector.shape_cast %swap3A_1044 : vector<1x16xf32> to vector<16xf32>
    %swap3A_1046 = vector.shape_cast %broadcast_in_dim3A_3 : vector<16xf32> to vector<1x16xf32>
    tpu.vector_store %arg6[%swap3A_1042, %swap3A_1043], %swap3A_1046 {strides = array<i32>} : memref<128x16xf32, #tpu.memory_space<vmem>>, vector<1x16xf32>,
    %swap3A_1047 = arith.constant 94 : i32
    %swap3A_1048 = arith.index_cast %swap3A_1047 : i32 to index
    %swap3A_1049 = arith.constant 0 : index
    %swap3A_1050 = tpu.vector_load %arg6[%swap3A_1048, %swap3A_1049] {strides = array<i32>} : memref<128x16xf32, #tpu.memory_space<vmem>>, vector<1x16xf32>,
    %swap3A_1051 = vector.shape_cast %swap3A_1050 : vector<1x16xf32> to vector<16xf32>
    %swap3A_1052 = vector.shape_cast %broadcast_in_dim3A_3 : vector<16xf32> to vector<1x16xf32>
    tpu.vector_store %arg6[%swap3A_1048, %swap3A_1049], %swap3A_1052 {strides = array<i32>} : memref<128x16xf32, #tpu.memory_space<vmem>>, vector<1x16xf32>,
    %swap3A_1053 = arith.constant 95 : i32
    %swap3A_1054 = arith.index_cast %swap3A_1053 : i32 to index
    %swap3A_1055 = arith.constant 0 : index
    %swap3A_1056 = tpu.vector_load %arg6[%swap3A_1054, %swap3A_1055] {strides = array<i32>} : memref<128x16xf32, #tpu.memory_space<vmem>>, vector<1x16xf32>,
    %swap3A_1057 = vector.shape_cast %swap3A_1056 : vector<1x16xf32> to vector<16xf32>
    %swap3A_1058 = vector.shape_cast %broadcast_in_dim3A_3 : vector<16xf32> to vector<1x16xf32>
    tpu.vector_store %arg6[%swap3A_1054, %swap3A_1055], %swap3A_1058 {strides = array<i32>} : memref<128x16xf32, #tpu.memory_space<vmem>>, vector<1x16xf32>,
    %swap3A_1059 = arith.constant 96 : i32
    %swap3A_1060 = arith.index_cast %swap3A_1059 : i32 to index
    %swap3A_1061 = arith.constant 0 : index
    %swap3A_1062 = tpu.vector_load %arg6[%swap3A_1060, %swap3A_1061] {strides = array<i32>} : memref<128x16xf32, #tpu.memory_space<vmem>>, vector<1x16xf32>,
    %swap3A_1063 = vector.shape_cast %swap3A_1062 : vector<1x16xf32> to vector<16xf32>
    %swap3A_1064 = vector.shape_cast %broadcast_in_dim3A_3 : vector<16xf32> to vector<1x16xf32>
    tpu.vector_store %arg6[%swap3A_1060, %swap3A_1061], %swap3A_1064 {strides = array<i32>} : memref<128x16xf32, #tpu.memory_space<vmem>>, vector<1x16xf32>,
    %swap3A_1065 = arith.constant 97 : i32
    %swap3A_1066 = arith.index_cast %swap3A_1065 : i32 to index
    %swap3A_1067 = arith.constant 0 : index
    %swap3A_1068 = tpu.vector_load %arg6[%swap3A_1066, %swap3A_1067] {strides = array<i32>} : memref<128x16xf32, #tpu.memory_space<vmem>>, vector<1x16xf32>,
    %swap3A_1069 = vector.shape_cast %swap3A_1068 : vector<1x16xf32> to vector<16xf32>
    %swap3A_1070 = vector.shape_cast %broadcast_in_dim3A_3 : vector<16xf32> to vector<1x16xf32>
    tpu.vector_store %arg6[%swap3A_1066, %swap3A_1067], %swap3A_1070 {strides = array<i32>} : memref<128x16xf32, #tpu.memory_space<vmem>>, vector<1x16xf32>,
    %swap3A_1071 = arith.constant 98 : i32
    %swap3A_1072 = arith.index_cast %swap3A_1071 : i32 to index
    %swap3A_1073 = arith.constant 0 : index
    %swap3A_1074 = tpu.vector_load %arg6[%swap3A_1072, %swap3A_1073] {strides = array<i32>} : memref<128x16xf32, #tpu.memory_space<vmem>>, vector<1x16xf32>,
    %swap3A_1075 = vector.shape_cast %swap3A_1074 : vector<1x16xf32> to vector<16xf32>
    %swap3A_1076 = vector.shape_cast %broadcast_in_dim3A_3 : vector<16xf32> to vector<1x16xf32>
    tpu.vector_store %arg6[%swap3A_1072, %swap3A_1073], %swap3A_1076 {strides = array<i32>} : memref<128x16xf32, #tpu.memory_space<vmem>>, vector<1x16xf32>,
    %swap3A_1077 = arith.constant 99 : i32
    %swap3A_1078 = arith.index_cast %swap3A_1077 : i32 to index
    %swap3A_1079 = arith.constant 0 : index
    %swap3A_1080 = tpu.vector_load %arg6[%swap3A_1078, %swap3A_1079] {strides = array<i32>} : memref<128x16xf32, #tpu.memory_space<vmem>>, vector<1x16xf32>,
    %swap3A_1081 = vector.shape_cast %swap3A_1080 : vector<1x16xf32> to vector<16xf32>
    %swap3A_1082 = vector.shape_cast %broadcast_in_dim3A_3 : vector<16xf32> to vector<1x16xf32>
    tpu.vector_store %arg6[%swap3A_1078, %swap3A_1079], %swap3A_1082 {strides = array<i32>} : memref<128x16xf32, #tpu.memory_space<vmem>>, vector<1x16xf32>,
    %swap3A_1083 = arith.constant 100 : i32
    %swap3A_1084 = arith.index_cast %swap3A_1083 : i32 to index
    %swap3A_1085 = arith.constant 0 : index
    %swap3A_1086 = tpu.vector_load %arg6[%swap3A_1084, %swap3A_1085] {strides = array<i32>} : memref<128x16xf32, #tpu.memory_space<vmem>>, vector<1x16xf32>,
    %swap3A_1087 = vector.shape_cast %swap3A_1086 : vector<1x16xf32> to vector<16xf32>
    %swap3A_1088 = vector.shape_cast %broadcast_in_dim3A_3 : vector<16xf32> to vector<1x16xf32>
    tpu.vector_store %arg6[%swap3A_1084, %swap3A_1085], %swap3A_1088 {strides = array<i32>} : memref<128x16xf32, #tpu.memory_space<vmem>>, vector<1x16xf32>,
    %swap3A_1089 = arith.constant 101 : i32
    %swap3A_1090 = arith.index_cast %swap3A_1089 : i32 to index
    %swap3A_1091 = arith.constant 0 : index
    %swap3A_1092 = tpu.vector_load %arg6[%swap3A_1090, %swap3A_1091] {strides = array<i32>} : memref<128x16xf32, #tpu.memory_space<vmem>>, vector<1x16xf32>,
    %swap3A_1093 = vector.shape_cast %swap3A_1092 : vector<1x16xf32> to vector<16xf32>
    %swap3A_1094 = vector.shape_cast %broadcast_in_dim3A_3 : vector<16xf32> to vector<1x16xf32>
    tpu.vector_store %arg6[%swap3A_1090, %swap3A_1091], %swap3A_1094 {strides = array<i32>} : memref<128x16xf32, #tpu.memory_space<vmem>>, vector<1x16xf32>,
    %swap3A_1095 = arith.constant 102 : i32
    %swap3A_1096 = arith.index_cast %swap3A_1095 : i32 to index
    %swap3A_1097 = arith.constant 0 : index
    %swap3A_1098 = tpu.vector_load %arg6[%swap3A_1096, %swap3A_1097] {strides = array<i32>} : memref<128x16xf32, #tpu.memory_space<vmem>>, vector<1x16xf32>,
    %swap3A_1099 = vector.shape_cast %swap3A_1098 : vector<1x16xf32> to vector<16xf32>
    %swap3A_1100 = vector.shape_cast %broadcast_in_dim3A_3 : vector<16xf32> to vector<1x16xf32>
    tpu.vector_store %arg6[%swap3A_1096, %swap3A_1097], %swap3A_1100 {strides = array<i32>} : memref<128x16xf32, #tpu.memory_space<vmem>>, vector<1x16xf32>,
    %swap3A_1101 = arith.constant 103 : i32
    %swap3A_1102 = arith.index_cast %swap3A_1101 : i32 to index
    %swap3A_1103 = arith.constant 0 : index
    %swap3A_1104 = tpu.vector_load %arg6[%swap3A_1102, %swap3A_1103] {strides = array<i32>} : memref<128x16xf32, #tpu.memory_space<vmem>>, vector<1x16xf32>,
    %swap3A_1105 = vector.shape_cast %swap3A_1104 : vector<1x16xf32> to vector<16xf32>
    %swap3A_1106 = vector.shape_cast %broadcast_in_dim3A_3 : vector<16xf32> to vector<1x16xf32>
    tpu.vector_store %arg6[%swap3A_1102, %swap3A_1103], %swap3A_1106 {strides = array<i32>} : memref<128x16xf32, #tpu.memory_space<vmem>>, vector<1x16xf32>,
    %swap3A_1107 = arith.constant 104 : i32
    %swap3A_1108 = arith.index_cast %swap3A_1107 : i32 to index
    %swap3A_1109 = arith.constant 0 : index
    %swap3A_1110 = tpu.vector_load %arg6[%swap3A_1108, %swap3A_1109] {strides = array<i32>} : memref<128x16xf32, #tpu.memory_space<vmem>>, vector<1x16xf32>,
    %swap3A_1111 = vector.shape_cast %swap3A_1110 : vector<1x16xf32> to vector<16xf32>
    %swap3A_1112 = vector.shape_cast %broadcast_in_dim3A_3 : vector<16xf32> to vector<1x16xf32>
    tpu.vector_store %arg6[%swap3A_1108, %swap3A_1109], %swap3A_1112 {strides = array<i32>} : memref<128x16xf32, #tpu.memory_space<vmem>>, vector<1x16xf32>,
    %swap3A_1113 = arith.constant 105 : i32
    %swap3A_1114 = arith.index_cast %swap3A_1113 : i32 to index
    %swap3A_1115 = arith.constant 0 : index
    %swap3A_1116 = tpu.vector_load %arg6[%swap3A_1114, %swap3A_1115] {strides = array<i32>} : memref<128x16xf32, #tpu.memory_space<vmem>>, vector<1x16xf32>,
    %swap3A_1117 = vector.shape_cast %swap3A_1116 : vector<1x16xf32> to vector<16xf32>
    %swap3A_1118 = vector.shape_cast %broadcast_in_dim3A_3 : vector<16xf32> to vector<1x16xf32>
    tpu.vector_store %arg6[%swap3A_1114, %swap3A_1115], %swap3A_1118 {strides = array<i32>} : memref<128x16xf32, #tpu.memory_space<vmem>>, vector<1x16xf32>,
    %swap3A_1119 = arith.constant 106 : i32
    %swap3A_1120 = arith.index_cast %swap3A_1119 : i32 to index
    %swap3A_1121 = arith.constant 0 : index
    %swap3A_1122 = tpu.vector_load %arg6[%swap3A_1120, %swap3A_1121] {strides = array<i32>} : memref<128x16xf32, #tpu.memory_space<vmem>>, vector<1x16xf32>,
    %swap3A_1123 = vector.shape_cast %swap3A_1122 : vector<1x16xf32> to vector<16xf32>
    %swap3A_1124 = vector.shape_cast %broadcast_in_dim3A_3 : vector<16xf32> to vector<1x16xf32>
    tpu.vector_store %arg6[%swap3A_1120, %swap3A_1121], %swap3A_1124 {strides = array<i32>} : memref<128x16xf32, #tpu.memory_space<vmem>>, vector<1x16xf32>,
    %swap3A_1125 = arith.constant 107 : i32
    %swap3A_1126 = arith.index_cast %swap3A_1125 : i32 to index
    %swap3A_1127 = arith.constant 0 : index
    %swap3A_1128 = tpu.vector_load %arg6[%swap3A_1126, %swap3A_1127] {strides = array<i32>} : memref<128x16xf32, #tpu.memory_space<vmem>>, vector<1x16xf32>,
    %swap3A_1129 = vector.shape_cast %swap3A_1128 : vector<1x16xf32> to vector<16xf32>
    %swap3A_1130 = vector.shape_cast %broadcast_in_dim3A_3 : vector<16xf32> to vector<1x16xf32>
    tpu.vector_store %arg6[%swap3A_1126, %swap3A_1127], %swap3A_1130 {strides = array<i32>} : memref<128x16xf32, #tpu.memory_space<vmem>>, vector<1x16xf32>,
    %swap3A_1131 = arith.constant 108 : i32
    %swap3A_1132 = arith.index_cast %swap3A_1131 : i32 to index
    %swap3A_1133 = arith.constant 0 : index
    %swap3A_1134 = tpu.vector_load %arg6[%swap3A_1132, %swap3A_1133] {strides = array<i32>} : memref<128x16xf32, #tpu.memory_space<vmem>>, vector<1x16xf32>,
    %swap3A_1135 = vector.shape_cast %swap3A_1134 : vector<1x16xf32> to vector<16xf32>
    %swap3A_1136 = vector.shape_cast %broadcast_in_dim3A_3 : vector<16xf32> to vector<1x16xf32>
    tpu.vector_store %arg6[%swap3A_1132, %swap3A_1133], %swap3A_1136 {strides = array<i32>} : memref<128x16xf32, #tpu.memory_space<vmem>>, vector<1x16xf32>,
    %swap3A_1137 = arith.constant 109 : i32
    %swap3A_1138 = arith.index_cast %swap3A_1137 : i32 to index
    %swap3A_1139 = arith.constant 0 : index
    %swap3A_1140 = tpu.vector_load %arg6[%swap3A_1138, %swap3A_1139] {strides = array<i32>} : memref<128x16xf32, #tpu.memory_space<vmem>>, vector<1x16xf32>,
    %swap3A_1141 = vector.shape_cast %swap3A_1140 : vector<1x16xf32> to vector<16xf32>
    %swap3A_1142 = vector.shape_cast %broadcast_in_dim3A_3 : vector<16xf32> to vector<1x16xf32>
    tpu.vector_store %arg6[%swap3A_1138, %swap3A_1139], %swap3A_1142 {strides = array<i32>} : memref<128x16xf32, #tpu.memory_space<vmem>>, vector<1x16xf32>,
    %swap3A_1143 = arith.constant 110 : i32
    %swap3A_1144 = arith.index_cast %swap3A_1143 : i32 to index
    %swap3A_1145 = arith.constant 0 : index
    %swap3A_1146 = tpu.vector_load %arg6[%swap3A_1144, %swap3A_1145] {strides = array<i32>} : memref<128x16xf32, #tpu.memory_space<vmem>>, vector<1x16xf32>,
    %swap3A_1147 = vector.shape_cast %swap3A_1146 : vector<1x16xf32> to vector<16xf32>
    %swap3A_1148 = vector.shape_cast %broadcast_in_dim3A_3 : vector<16xf32> to vector<1x16xf32>
    tpu.vector_store %arg6[%swap3A_1144, %swap3A_1145], %swap3A_1148 {strides = array<i32>} : memref<128x16xf32, #tpu.memory_space<vmem>>, vector<1x16xf32>,
    %swap3A_1149 = arith.constant 111 : i32
    %swap3A_1150 = arith.index_cast %swap3A_1149 : i32 to index
    %swap3A_1151 = arith.constant 0 : index
    %swap3A_1152 = tpu.vector_load %arg6[%swap3A_1150, %swap3A_1151] {strides = array<i32>} : memref<128x16xf32, #tpu.memory_space<vmem>>, vector<1x16xf32>,
    %swap3A_1153 = vector.shape_cast %swap3A_1152 : vector<1x16xf32> to vector<16xf32>
    %swap3A_1154 = vector.shape_cast %broadcast_in_dim3A_3 : vector<16xf32> to vector<1x16xf32>
    tpu.vector_store %arg6[%swap3A_1150, %swap3A_1151], %swap3A_1154 {strides = array<i32>} : memref<128x16xf32, #tpu.memory_space<vmem>>, vector<1x16xf32>,
    %swap3A_1155 = arith.constant 112 : i32
    %swap3A_1156 = arith.index_cast %swap3A_1155 : i32 to index
    %swap3A_1157 = arith.constant 0 : index
    %swap3A_1158 = tpu.vector_load %arg6[%swap3A_1156, %swap3A_1157] {strides = array<i32>} : memref<128x16xf32, #tpu.memory_space<vmem>>, vector<1x16xf32>,
    %swap3A_1159 = vector.shape_cast %swap3A_1158 : vector<1x16xf32> to vector<16xf32>
    %swap3A_1160 = vector.shape_cast %broadcast_in_dim3A_3 : vector<16xf32> to vector<1x16xf32>
    tpu.vector_store %arg6[%swap3A_1156, %swap3A_1157], %swap3A_1160 {strides = array<i32>} : memref<128x16xf32, #tpu.memory_space<vmem>>, vector<1x16xf32>,
    %swap3A_1161 = arith.constant 113 : i32
    %swap3A_1162 = arith.index_cast %swap3A_1161 : i32 to index
    %swap3A_1163 = arith.constant 0 : index
    %swap3A_1164 = tpu.vector_load %arg6[%swap3A_1162, %swap3A_1163] {strides = array<i32>} : memref<128x16xf32, #tpu.memory_space<vmem>>, vector<1x16xf32>,
    %swap3A_1165 = vector.shape_cast %swap3A_1164 : vector<1x16xf32> to vector<16xf32>
    %swap3A_1166 = vector.shape_cast %broadcast_in_dim3A_3 : vector<16xf32> to vector<1x16xf32>
    tpu.vector_store %arg6[%swap3A_1162, %swap3A_1163], %swap3A_1166 {strides = array<i32>} : memref<128x16xf32, #tpu.memory_space<vmem>>, vector<1x16xf32>,
    %swap3A_1167 = arith.constant 114 : i32
    %swap3A_1168 = arith.index_cast %swap3A_1167 : i32 to index
    %swap3A_1169 = arith.constant 0 : index
    %swap3A_1170 = tpu.vector_load %arg6[%swap3A_1168, %swap3A_1169] {strides = array<i32>} : memref<128x16xf32, #tpu.memory_space<vmem>>, vector<1x16xf32>,
    %swap3A_1171 = vector.shape_cast %swap3A_1170 : vector<1x16xf32> to vector<16xf32>
    %swap3A_1172 = vector.shape_cast %broadcast_in_dim3A_3 : vector<16xf32> to vector<1x16xf32>
    tpu.vector_store %arg6[%swap3A_1168, %swap3A_1169], %swap3A_1172 {strides = array<i32>} : memref<128x16xf32, #tpu.memory_space<vmem>>, vector<1x16xf32>,
    %swap3A_1173 = arith.constant 115 : i32
    %swap3A_1174 = arith.index_cast %swap3A_1173 : i32 to index
    %swap3A_1175 = arith.constant 0 : index
    %swap3A_1176 = tpu.vector_load %arg6[%swap3A_1174, %swap3A_1175] {strides = array<i32>} : memref<128x16xf32, #tpu.memory_space<vmem>>, vector<1x16xf32>,
    %swap3A_1177 = vector.shape_cast %swap3A_1176 : vector<1x16xf32> to vector<16xf32>
    %swap3A_1178 = vector.shape_cast %broadcast_in_dim3A_3 : vector<16xf32> to vector<1x16xf32>
    tpu.vector_store %arg6[%swap3A_1174, %swap3A_1175], %swap3A_1178 {strides = array<i32>} : memref<128x16xf32, #tpu.memory_space<vmem>>, vector<1x16xf32>,
    %swap3A_1179 = arith.constant 116 : i32
    %swap3A_1180 = arith.index_cast %swap3A_1179 : i32 to index
    %swap3A_1181 = arith.constant 0 : index
    %swap3A_1182 = tpu.vector_load %arg6[%swap3A_1180, %swap3A_1181] {strides = array<i32>} : memref<128x16xf32, #tpu.memory_space<vmem>>, vector<1x16xf32>,
    %swap3A_1183 = vector.shape_cast %swap3A_1182 : vector<1x16xf32> to vector<16xf32>
    %swap3A_1184 = vector.shape_cast %broadcast_in_dim3A_3 : vector<16xf32> to vector<1x16xf32>
    tpu.vector_store %arg6[%swap3A_1180, %swap3A_1181], %swap3A_1184 {strides = array<i32>} : memref<128x16xf32, #tpu.memory_space<vmem>>, vector<1x16xf32>,
    %swap3A_1185 = arith.constant 117 : i32
    %swap3A_1186 = arith.index_cast %swap3A_1185 : i32 to index
    %swap3A_1187 = arith.constant 0 : index
    %swap3A_1188 = tpu.vector_load %arg6[%swap3A_1186, %swap3A_1187] {strides = array<i32>} : memref<128x16xf32, #tpu.memory_space<vmem>>, vector<1x16xf32>,
    %swap3A_1189 = vector.shape_cast %swap3A_1188 : vector<1x16xf32> to vector<16xf32>
    %swap3A_1190 = vector.shape_cast %broadcast_in_dim3A_3 : vector<16xf32> to vector<1x16xf32>
    tpu.vector_store %arg6[%swap3A_1186, %swap3A_1187], %swap3A_1190 {strides = array<i32>} : memref<128x16xf32, #tpu.memory_space<vmem>>, vector<1x16xf32>,
    %swap3A_1191 = arith.constant 118 : i32
    %swap3A_1192 = arith.index_cast %swap3A_1191 : i32 to index
    %swap3A_1193 = arith.constant 0 : index
    %swap3A_1194 = tpu.vector_load %arg6[%swap3A_1192, %swap3A_1193] {strides = array<i32>} : memref<128x16xf32, #tpu.memory_space<vmem>>, vector<1x16xf32>,
    %swap3A_1195 = vector.shape_cast %swap3A_1194 : vector<1x16xf32> to vector<16xf32>
    %swap3A_1196 = vector.shape_cast %broadcast_in_dim3A_3 : vector<16xf32> to vector<1x16xf32>
    tpu.vector_store %arg6[%swap3A_1192, %swap3A_1193], %swap3A_1196 {strides = array<i32>} : memref<128x16xf32, #tpu.memory_space<vmem>>, vector<1x16xf32>,
    %swap3A_1197 = arith.constant 119 : i32
    %swap3A_1198 = arith.index_cast %swap3A_1197 : i32 to index
    %swap3A_1199 = arith.constant 0 : index
    %swap3A_1200 = tpu.vector_load %arg6[%swap3A_1198, %swap3A_1199] {strides = array<i32>} : memref<128x16xf32, #tpu.memory_space<vmem>>, vector<1x16xf32>,
    %swap3A_1201 = vector.shape_cast %swap3A_1200 : vector<1x16xf32> to vector<16xf32>
    %swap3A_1202 = vector.shape_cast %broadcast_in_dim3A_3 : vector<16xf32> to vector<1x16xf32>
    tpu.vector_store %arg6[%swap3A_1198, %swap3A_1199], %swap3A_1202 {strides = array<i32>} : memref<128x16xf32, #tpu.memory_space<vmem>>, vector<1x16xf32>,
    %swap3A_1203 = arith.constant 120 : i32
    %swap3A_1204 = arith.index_cast %swap3A_1203 : i32 to index
    %swap3A_1205 = arith.constant 0 : index
    %swap3A_1206 = tpu.vector_load %arg6[%swap3A_1204, %swap3A_1205] {strides = array<i32>} : memref<128x16xf32, #tpu.memory_space<vmem>>, vector<1x16xf32>,
    %swap3A_1207 = vector.shape_cast %swap3A_1206 : vector<1x16xf32> to vector<16xf32>
    %swap3A_1208 = vector.shape_cast %broadcast_in_dim3A_3 : vector<16xf32> to vector<1x16xf32>
    tpu.vector_store %arg6[%swap3A_1204, %swap3A_1205], %swap3A_1208 {strides = array<i32>} : memref<128x16xf32, #tpu.memory_space<vmem>>, vector<1x16xf32>,
    %swap3A_1209 = arith.constant 121 : i32
    %swap3A_1210 = arith.index_cast %swap3A_1209 : i32 to index
    %swap3A_1211 = arith.constant 0 : index
    %swap3A_1212 = tpu.vector_load %arg6[%swap3A_1210, %swap3A_1211] {strides = array<i32>} : memref<128x16xf32, #tpu.memory_space<vmem>>, vector<1x16xf32>,
    %swap3A_1213 = vector.shape_cast %swap3A_1212 : vector<1x16xf32> to vector<16xf32>
    %swap3A_1214 = vector.shape_cast %broadcast_in_dim3A_3 : vector<16xf32> to vector<1x16xf32>
    tpu.vector_store %arg6[%swap3A_1210, %swap3A_1211], %swap3A_1214 {strides = array<i32>} : memref<128x16xf32, #tpu.memory_space<vmem>>, vector<1x16xf32>,
    %swap3A_1215 = arith.constant 122 : i32
    %swap3A_1216 = arith.index_cast %swap3A_1215 : i32 to index
    %swap3A_1217 = arith.constant 0 : index
    %swap3A_1218 = tpu.vector_load %arg6[%swap3A_1216, %swap3A_1217] {strides = array<i32>} : memref<128x16xf32, #tpu.memory_space<vmem>>, vector<1x16xf32>,
    %swap3A_1219 = vector.shape_cast %swap3A_1218 : vector<1x16xf32> to vector<16xf32>
    %swap3A_1220 = vector.shape_cast %broadcast_in_dim3A_3 : vector<16xf32> to vector<1x16xf32>
    tpu.vector_store %arg6[%swap3A_1216, %swap3A_1217], %swap3A_1220 {strides = array<i32>} : memref<128x16xf32, #tpu.memory_space<vmem>>, vector<1x16xf32>,
    %swap3A_1221 = arith.constant 123 : i32
    %swap3A_1222 = arith.index_cast %swap3A_1221 : i32 to index
    %swap3A_1223 = arith.constant 0 : index
    %swap3A_1224 = tpu.vector_load %arg6[%swap3A_1222, %swap3A_1223] {strides = array<i32>} : memref<128x16xf32, #tpu.memory_space<vmem>>, vector<1x16xf32>,
    %swap3A_1225 = vector.shape_cast %swap3A_1224 : vector<1x16xf32> to vector<16xf32>
    %swap3A_1226 = vector.shape_cast %broadcast_in_dim3A_3 : vector<16xf32> to vector<1x16xf32>
    tpu.vector_store %arg6[%swap3A_1222, %swap3A_1223], %swap3A_1226 {strides = array<i32>} : memref<128x16xf32, #tpu.memory_space<vmem>>, vector<1x16xf32>,
    %swap3A_1227 = arith.constant 124 : i32
    %swap3A_1228 = arith.index_cast %swap3A_1227 : i32 to index
    %swap3A_1229 = arith.constant 0 : index
    %swap3A_1230 = tpu.vector_load %arg6[%swap3A_1228, %swap3A_1229] {strides = array<i32>} : memref<128x16xf32, #tpu.memory_space<vmem>>, vector<1x16xf32>,
    %swap3A_1231 = vector.shape_cast %swap3A_1230 : vector<1x16xf32> to vector<16xf32>
    %swap3A_1232 = vector.shape_cast %broadcast_in_dim3A_3 : vector<16xf32> to vector<1x16xf32>
    tpu.vector_store %arg6[%swap3A_1228, %swap3A_1229], %swap3A_1232 {strides = array<i32>} : memref<128x16xf32, #tpu.memory_space<vmem>>, vector<1x16xf32>,
    %swap3A_1233 = arith.constant 125 : i32
    %swap3A_1234 = arith.index_cast %swap3A_1233 : i32 to index
    %swap3A_1235 = arith.constant 0 : index
    %swap3A_1236 = tpu.vector_load %arg6[%swap3A_1234, %swap3A_1235] {strides = array<i32>} : memref<128x16xf32, #tpu.memory_space<vmem>>, vector<1x16xf32>,
    %swap3A_1237 = vector.shape_cast %swap3A_1236 : vector<1x16xf32> to vector<16xf32>
    %swap3A_1238 = vector.shape_cast %broadcast_in_dim3A_3 : vector<16xf32> to vector<1x16xf32>
    tpu.vector_store %arg6[%swap3A_1234, %swap3A_1235], %swap3A_1238 {strides = array<i32>} : memref<128x16xf32, #tpu.memory_space<vmem>>, vector<1x16xf32>,
    %swap3A_1239 = arith.constant 126 : i32
    %swap3A_1240 = arith.index_cast %swap3A_1239 : i32 to index
    %swap3A_1241 = arith.constant 0 : index
    %swap3A_1242 = tpu.vector_load %arg6[%swap3A_1240, %swap3A_1241] {strides = array<i32>} : memref<128x16xf32, #tpu.memory_space<vmem>>, vector<1x16xf32>,
    %swap3A_1243 = vector.shape_cast %swap3A_1242 : vector<1x16xf32> to vector<16xf32>
    %swap3A_1244 = vector.shape_cast %broadcast_in_dim3A_3 : vector<16xf32> to vector<1x16xf32>
    tpu.vector_store %arg6[%swap3A_1240, %swap3A_1241], %swap3A_1244 {strides = array<i32>} : memref<128x16xf32, #tpu.memory_space<vmem>>, vector<1x16xf32>,
    %swap3A_1245 = arith.constant 127 : i32
    %swap3A_1246 = arith.index_cast %swap3A_1245 : i32 to index
    %swap3A_1247 = arith.constant 0 : index
    %swap3A_1248 = tpu.vector_load %arg6[%swap3A_1246, %swap3A_1247] {strides = array<i32>} : memref<128x16xf32, #tpu.memory_space<vmem>>, vector<1x16xf32>,
    %swap3A_1249 = vector.shape_cast %swap3A_1248 : vector<1x16xf32> to vector<16xf32>
    %swap3A_1250 = vector.shape_cast %broadcast_in_dim3A_3 : vector<16xf32> to vector<1x16xf32>
    tpu.vector_store %arg6[%swap3A_1246, %swap3A_1247], %swap3A_1250 {strides = array<i32>} : memref<128x16xf32, #tpu.memory_space<vmem>>, vector<1x16xf32>,
    %mul3A_1251 = arith.constant 640 : i32
    %mul3A_1252 = arith.muli %arg1, %mul3A_1251 : i32
    %scan3A = arith.constant 0 : i32
    %scan3A_1253 = arith.constant 0 : i32
    %scan3A_1254 = arith.constant 5 : i32
    %scan3A_1255 = arith.addi %scan3A_1253, %scan3A_1254 : i32
    %scan3A_1256 = arith.constant 1 : i32
    scf.for %scan3A_1273 = %scan3A_1253 to %scan3A_1255 step %scan3A_1256  : i32 {
      %mul3A_1274 = arith.constant 128 : i32
      %mul3A_1275 = arith.muli %scan3A_1273, %mul3A_1274 : i32
      %add3A_1276 = arith.addi %mul3A_1252, %mul3A_1275 : i32
      "tpu.region"() ({
        %run_scoped3A = tpu.sem_alloc : memref<!tpu.dma_semaphore, #tpu.memory_space<semaphore_mem>>
        %dma_start3A = arith.constant 0 : i32
        %dma_start3A_1277 = tpu.memref_slice %arg7[%add3A_1276, %dma_start3A] : memref<10240x16xf32, #tpu.memory_space<vmem_shared>> -> memref<128x16xf32, #tpu.memory_space<vmem_shared>>
        %dma_start3A_1278 = arith.constant 0 : i32
        %dma_start3A_1279 = tpu.memref_slice %arg7[%add3A_1276, %dma_start3A_1278] : memref<10240x16xf32, #tpu.memory_space<vmem_shared>> -> memref<128x16xf32, #tpu.memory_space<vmem_shared>>
        tpu.enqueue_dma source(%arg6 : memref<128x16xf32, #tpu.memory_space<vmem>>) target(%dma_start3A_1279 : memref<128x16xf32, #tpu.memory_space<vmem_shared>>) target_semaphore(%run_scoped3A : memref<!tpu.dma_semaphore, #tpu.memory_space<semaphore_mem>>)
        %dma_wait3A = arith.constant 0 : i32
        %dma_wait3A_1280 = tpu.memref_slice %arg7[%add3A_1276, %dma_wait3A] : memref<10240x16xf32, #tpu.memory_space<vmem_shared>> -> memref<128x16xf32, #tpu.memory_space<vmem_shared>>
        %dma_wait3A_1281 = arith.constant 0 : i32
        %dma_wait3A_1282 = tpu.memref_slice %arg7[%add3A_1276, %dma_wait3A_1281] : memref<10240x16xf32, #tpu.memory_space<vmem_shared>> -> memref<128x16xf32, #tpu.memory_space<vmem_shared>>
        tpu.wait_dma2 semaphore(%run_scoped3A : memref<!tpu.dma_semaphore, #tpu.memory_space<semaphore_mem>>) src(%arg6 : memref<128x16xf32, #tpu.memory_space<vmem>>) dst(%dma_wait3A_1282 : memref<128x16xf32, #tpu.memory_space<vmem_shared>>)
        tpu.yield
      }) : () -> ()
    }
    %scan3A_1257 = arith.constant 5 : i32
    %barrier3A = arith.constant 0 : index
    tpu.barrier barrier_id(%barrier3A)
    %mul3A_1258 = arith.constant 10000 : i32
    %mul3A_1259 = arith.muli %add3A, %mul3A_1258 : i32
    %scan3A_1260 = arith.constant 0 : i32
    %scan3A_1261 = arith.constant 0 : i32
    %scan3A_1262 = arith.constant 125 : i32
    %scan3A_1263 = arith.addi %scan3A_1261, %scan3A_1262 : i32
    %scan3A_1264 = arith.constant 1 : i32
    scf.for %scan3A_1273 = %scan3A_1261 to %scan3A_1263 step %scan3A_1264  : i32 {
      %mul3A_1274 = arith.constant 80 : i32
      %mul3A_1275 = arith.muli %scan3A_1273, %mul3A_1274 : i32
      %add3A_1276 = arith.addi %mul3A_1259, %mul3A_1275 : i32
      "tpu.region"() ({
        %run_scoped3A = tpu.sem_alloc : memref<!tpu.dma_semaphore, #tpu.memory_space<semaphore_mem>>
        %dma_start3A = tpu.memref_slice %arg2[%add3A_1276] : memref<320000xi32, #tpu.memory_space<hbm>> -> memref<80xi32, #tpu.memory_space<hbm>>
        %dma_start3A_1277 = tpu.memref_slice %arg2[%add3A_1276] : memref<320000xi32, #tpu.memory_space<hbm>> -> memref<80xi32, #tpu.memory_space<hbm>>
        tpu.enqueue_dma source(%dma_start3A_1277 : memref<80xi32, #tpu.memory_space<hbm>>) target(%arg4 : memref<80xi32, #tpu.memory_space<vmem>>) target_semaphore(%run_scoped3A : memref<!tpu.dma_semaphore, #tpu.memory_space<semaphore_mem>>)
        %dma_wait3A = tpu.memref_slice %arg2[%add3A_1276] : memref<320000xi32, #tpu.memory_space<hbm>> -> memref<80xi32, #tpu.memory_space<hbm>>
        %dma_wait3A_1278 = tpu.memref_slice %arg2[%add3A_1276] : memref<320000xi32, #tpu.memory_space<hbm>> -> memref<80xi32, #tpu.memory_space<hbm>>
        tpu.wait_dma2 semaphore(%run_scoped3A : memref<!tpu.dma_semaphore, #tpu.memory_space<semaphore_mem>>) src(%dma_wait3A_1278 : memref<80xi32, #tpu.memory_space<hbm>>) dst(%arg4 : memref<80xi32, #tpu.memory_space<vmem>>)
        tpu.yield
      }) : () -> ()
      "tpu.region"() ({
        %run_scoped3A = tpu.sem_alloc : memref<!tpu.dma_semaphore, #tpu.memory_space<semaphore_mem>>
        %dma_start3A = arith.constant 0 : i32
        %dma_start3A_1277 = arith.constant 0 : i32
        %dma_start3A_1278 = tpu.memref_slice %arg7[%dma_start3A, %dma_start3A_1277] : memref<10240x16xf32, #tpu.memory_space<vmem_shared>> -> memref<10240x16xf32, #tpu.memory_space<vmem_shared>>
        tpu.enqueue_indirect_dma source(%arg5 : memref<80x16xf32, #tpu.memory_space<vmem>>) target(%dma_start3A_1278 : memref<10240x16xf32, #tpu.memory_space<vmem_shared>>) offsets(%arg4 : memref<80xi32, #tpu.memory_space<vmem>>) semaphore(%run_scoped3A : memref<!tpu.dma_semaphore, #tpu.memory_space<semaphore_mem>>) {add = true}
        %dma_wait3A = arith.constant 0 : i32
        %dma_wait3A_1279 = arith.constant 0 : i32
        %dma_wait3A_1280 = tpu.memref_slice %arg7[%dma_wait3A, %dma_wait3A_1279] : memref<10240x16xf32, #tpu.memory_space<vmem_shared>> -> memref<10240x16xf32, #tpu.memory_space<vmem_shared>>
        tpu.wait_indirect_dma semaphore(%run_scoped3A : memref<!tpu.dma_semaphore, #tpu.memory_space<semaphore_mem>>) src(%arg5 : memref<80x16xf32, #tpu.memory_space<vmem>>) dst(%dma_wait3A_1280 : memref<10240x16xf32, #tpu.memory_space<vmem_shared>>)
        tpu.yield
      }) : () -> ()
    }
    %scan3A_1265 = arith.constant 125 : i32
    %barrier3A_1266 = arith.constant 0 : index
    tpu.barrier barrier_id(%barrier3A_1266)
    %scan3A_1267 = arith.constant 0 : i32
    %scan3A_1268 = arith.constant 0 : i32
    %scan3A_1269 = arith.constant 5 : i32
    %scan3A_1270 = arith.addi %scan3A_1268, %scan3A_1269 : i32
    %scan3A_1271 = arith.constant 1 : i32
    scf.for %scan3A_1273 = %scan3A_1268 to %scan3A_1270 step %scan3A_1271  : i32 {
      %mul3A_1274 = arith.constant 128 : i32
      %mul3A_1275 = arith.muli %scan3A_1273, %mul3A_1274 : i32
      %add3A_1276 = arith.addi %mul3A_1252, %mul3A_1275 : i32
      %mul3A_1277 = arith.constant 10240 : i32
      %mul3A_1278 = arith.muli %arg0, %mul3A_1277 : i32
      %add3A_1279 = arith.addi %mul3A_1278, %add3A_1276 : i32
      "tpu.region"() ({
        %run_scoped3A = tpu.sem_alloc : memref<!tpu.dma_semaphore, #tpu.memory_space<semaphore_mem>>
        %dma_start3A = arith.constant 0 : i32
        %dma_start3A_1280 = tpu.memref_slice %arg3[%add3A_1279, %dma_start3A] : memref<20480x16xf32, #tpu.memory_space<hbm>> -> memref<128x16xf32, #tpu.memory_space<hbm>>
        %dma_start3A_1281 = arith.constant 0 : i32
        %dma_start3A_1282 = tpu.memref_slice %arg7[%add3A_1276, %dma_start3A_1281] : memref<10240x16xf32, #tpu.memory_space<vmem_shared>> -> memref<128x16xf32, #tpu.memory_space<vmem_shared>>
        tpu.enqueue_dma source(%dma_start3A_1282 : memref<128x16xf32, #tpu.memory_space<vmem_shared>>) target(%dma_start3A_1280 : memref<128x16xf32, #tpu.memory_space<hbm>>) target_semaphore(%run_scoped3A : memref<!tpu.dma_semaphore, #tpu.memory_space<semaphore_mem>>)
        %dma_wait3A = arith.constant 0 : i32
        %dma_wait3A_1283 = tpu.memref_slice %arg3[%add3A_1279, %dma_wait3A] : memref<20480x16xf32, #tpu.memory_space<hbm>> -> memref<128x16xf32, #tpu.memory_space<hbm>>
        %dma_wait3A_1284 = arith.constant 0 : i32
        %dma_wait3A_1285 = tpu.memref_slice %arg7[%add3A_1276, %dma_wait3A_1284] : memref<10240x16xf32, #tpu.memory_space<vmem_shared>> -> memref<128x16xf32, #tpu.memory_space<vmem_shared>>
        tpu.wait_dma2 semaphore(%run_scoped3A : memref<!tpu.dma_semaphore, #tpu.memory_space<semaphore_mem>>) src(%dma_wait3A_1285 : memref<128x16xf32, #tpu.memory_space<vmem_shared>>) dst(%dma_wait3A_1283 : memref<128x16xf32, #tpu.memory_space<hbm>>)
        tpu.yield
      }) : () -> ()
    }
    %scan3A_1272 = arith.constant 5 : i32
    return
  }
}

module attributes {stable_mosaic.version = 14 : i64} {
  func.func @_prep_body(%arg0: i32, %arg1: i32, %arg2: memref<1x1000x128xf32, #tpu.memory_space<vmem>>, %arg3: memref<128x128xf32, #tpu.memory_space<vmem>>, %arg4: memref<2x1000x16xf32, #tpu.memory_space<vmem>>, %arg5: memref<1x1000x128xf32, #tpu.memory_space<vmem>>, %arg6: memref<1000x1xf32, #tpu.memory_space<vmem>>) attributes {dimension_semantics = [#tpu.dimension_semantics<arbitrary>, #tpu.dimension_semantics<arbitrary>], iteration_bounds = array<i64: 2, 10>, scalar_prefetch = 0 : i64, scratch_operands = 0 : i64, tpu.core_type = #tpu.core_type<tc>, window_params = [{transform_indices = @transform_0, window_bounds = array<i64: 1, 1000, 128>}, {pipeline_mode = #tpu.pipeline_mode<synchronous>, transform_indices = @transform_1, window_bounds = array<i64: 128, 128>}, {transform_indices = @transform_2, window_bounds = array<i64: 2, 1000, 16>}, {transform_indices = @transform_3, window_bounds = array<i64: 1, 1000, 128>}, {transform_indices = @transform_4, window_bounds = array<i64: 1000, 1>}]} {
    %get3A = arith.constant 0 : index
    %get3A_0 = arith.constant 0 : index
    %get3A_1 = arith.constant 0 : index
    %get3A_2 = vector.load %arg4[%get3A, %get3A_0, %get3A_1] : memref<2x1000x16xf32, #tpu.memory_space<vmem>>, vector<1x1000x16xf32>
    %get3A_3 = vector.shape_cast %get3A_2 : vector<1x1000x16xf32> to vector<1000x16xf32>
    %get3A_4 = arith.constant 1 : index
    %get3A_5 = arith.constant 0 : index
    %get3A_6 = arith.constant 0 : index
    %get3A_7 = vector.load %arg4[%get3A_4, %get3A_5, %get3A_6] : memref<2x1000x16xf32, #tpu.memory_space<vmem>>, vector<1x1000x16xf32>
    %get3A_8 = vector.shape_cast %get3A_7 : vector<1x1000x16xf32> to vector<1000x16xf32>
    %add3A = arith.addf %get3A_3, %get3A_8 : vector<1000x16xf32>
    %add3A_9 = arith.constant 1.000000e+00 : f32
    %add3A_10 = vector.broadcast %add3A_9 : f32 to vector<1000x16xf32>
    %add3A_11 = arith.addf %add3A, %add3A_10 : vector<1000x16xf32>
    %rsqrt3A = math.rsqrt %add3A_11 : vector<1000x16xf32>
    %slice3A = vector.extract_strided_slice %rsqrt3A {offsets = [0, 0], sizes = [1000, 1], strides = [1, 1]} : vector<1000x16xf32> to vector<1000x1xf32>
    %get3A_12 = arith.constant 0 : index
    %get3A_13 = arith.constant 0 : index
    %get3A_14 = arith.constant 0 : index
    %get3A_15 = vector.load %arg2[%get3A_12, %get3A_13, %get3A_14] : memref<1x1000x128xf32, #tpu.memory_space<vmem>>, vector<1x1000x128xf32>
    %get3A_16 = vector.shape_cast %get3A_15 : vector<1x1000x128xf32> to vector<1000x128xf32>
    %get3A_17 = arith.constant 0 : index
    %get3A_18 = arith.constant 0 : index
    %get3A_19 = vector.load %arg3[%get3A_17, %get3A_18] : memref<128x128xf32, #tpu.memory_space<vmem>>, vector<128x128xf32>
    %dot_general3A = arith.constant dense<0.000000e+00> : vector<1000x128xf32>
    %dot_general3A_20 = tpu.matmul %get3A_16, %get3A_19, %dot_general3A {dimension_numbers = #tpu.dot_dimension_numbers<[1], [1], [0], [0], [0, 0, 1, 0], [], []>, transpose_lhs_hint = false} : vector<1000x128xf32>, vector<128x128xf32>, vector<1000x128xf32> -> vector<1000x128xf32>
    %mul3A = vector.broadcast %slice3A : vector<1000x1xf32> to vector<1000x128xf32>
    %mul3A_21 = arith.mulf %dot_general3A_20, %mul3A : vector<1000x128xf32>
    %swap3A = arith.constant 0 : index
    %swap3A_22 = arith.constant 0 : index
    %swap3A_23 = arith.constant 0 : index
    %swap3A_24 = vector.load %arg5[%swap3A, %swap3A_22, %swap3A_23] : memref<1x1000x128xf32, #tpu.memory_space<vmem>>, vector<1x1000x128xf32>
    %swap3A_25 = vector.shape_cast %swap3A_24 : vector<1x1000x128xf32> to vector<1000x128xf32>
    %swap3A_26 = vector.shape_cast %mul3A_21 : vector<1000x128xf32> to vector<1x1000x128xf32>
    tpu.vector_store %arg5[%swap3A, %swap3A_22, %swap3A_23], %swap3A_26 {strides = array<i32>} : memref<1x1000x128xf32, #tpu.memory_space<vmem>>, vector<1x1000x128xf32>,
    %swap3A_27 = arith.constant 0 : index
    %swap3A_28 = arith.constant 0 : index
    %swap3A_29 = vector.load %arg6[%swap3A_27, %swap3A_28] : memref<1000x1xf32, #tpu.memory_space<vmem>>, vector<1000x1xf32>
    tpu.vector_store %arg6[%swap3A_27, %swap3A_28], %slice3A {strides = array<i32>} : memref<1000x1xf32, #tpu.memory_space<vmem>>, vector<1000x1xf32>,
    return
  }
  func.func @transform_0(%arg0: i32, %arg1: i32) -> (i32, i32, i32) {
    %c0_i32 = arith.constant 0 : i32
    %c0_i32_0 = arith.constant 0 : i32
    return %arg0, %arg1, %c0_i32 : i32, i32, i32
  }
  func.func @transform_1(%arg0: i32, %arg1: i32) -> (i32, i32) {
    %c0_i32 = arith.constant 0 : i32
    %c0_i32_0 = arith.constant 0 : i32
    %c0_i32_1 = arith.constant 0 : i32
    return %c0_i32, %c0_i32_0 : i32, i32
  }
  func.func @transform_2(%arg0: i32, %arg1: i32) -> (i32, i32, i32) {
    %c0_i32 = arith.constant 0 : i32
    %c0_i32_0 = arith.constant 0 : i32
    %c0_i32_1 = arith.constant 0 : i32
    return %c0_i32, %arg1, %c0_i32_0 : i32, i32, i32
  }
  func.func @transform_3(%arg0: i32, %arg1: i32) -> (i32, i32, i32) {
    %c0_i32 = arith.constant 0 : i32
    %c0_i32_0 = arith.constant 0 : i32
    return %arg0, %arg1, %c0_i32 : i32, i32, i32
  }
  func.func @transform_4(%arg0: i32, %arg1: i32) -> (i32, i32) {
    %c0_i32 = arith.constant 0 : i32
    %c0_i32_0 = arith.constant 0 : i32
    return %arg1, %c0_i32 : i32, i32
  }
}

module attributes {stable_mosaic.version = 14 : i64} {
  func.func @_idx_body(%arg0: i32, %arg1: memref<2500x128xi32, #tpu.memory_space<vmem>>, %arg2: memref<2x2500x128xi32, #tpu.memory_space<vmem>>) attributes {dimension_semantics = [#tpu.dimension_semantics<arbitrary>], iteration_bounds = array<i64: 1>, scalar_prefetch = 0 : i64, scratch_operands = 0 : i64, tpu.core_type = #tpu.core_type<tc>, window_params = [{pipeline_mode = #tpu.pipeline_mode<synchronous>, transform_indices = @transform_0, window_bounds = array<i64: 2500, 128>}, {pipeline_mode = #tpu.pipeline_mode<synchronous>, transform_indices = @transform_1, window_bounds = array<i64: 2, 2500, 128>}]} {
    %get3A = arith.constant 0 : index
    %get3A_0 = arith.constant 0 : index
    %get3A_1 = vector.load %arg1[%get3A, %get3A_0] : memref<2500x128xi32, #tpu.memory_space<vmem>>, vector<2500x128xi32>
    %swap3A = arith.constant 0 : index
    %swap3A_2 = arith.constant 0 : index
    %swap3A_3 = arith.constant 0 : index
    %swap3A_4 = vector.load %arg2[%swap3A, %swap3A_2, %swap3A_3] : memref<2x2500x128xi32, #tpu.memory_space<vmem>>, vector<1x2500x128xi32>
    %swap3A_5 = vector.shape_cast %swap3A_4 : vector<1x2500x128xi32> to vector<2500x128xi32>
    %swap3A_6 = vector.shape_cast %get3A_1 : vector<2500x128xi32> to vector<1x2500x128xi32>
    tpu.vector_store %arg2[%swap3A, %swap3A_2, %swap3A_3], %swap3A_6 {strides = array<i32>} : memref<2x2500x128xi32, #tpu.memory_space<vmem>>, vector<1x2500x128xi32>,
    %get3A_7 = arith.constant 0 : index
    %get3A_8 = arith.constant 0 : index
    %get3A_9 = vector.load %arg1[%get3A_7, %get3A_8] : memref<2500x128xi32, #tpu.memory_space<vmem>>, vector<2500x128xi32>
    %add3A = arith.constant 10240 : i32
    %add3A_10 = vector.broadcast %add3A : i32 to vector<2500x128xi32>
    %add3A_11 = arith.addi %get3A_9, %add3A_10 : vector<2500x128xi32>
    %swap3A_12 = arith.constant 1 : index
    %swap3A_13 = arith.constant 0 : index
    %swap3A_14 = arith.constant 0 : index
    %swap3A_15 = vector.load %arg2[%swap3A_12, %swap3A_13, %swap3A_14] : memref<2x2500x128xi32, #tpu.memory_space<vmem>>, vector<1x2500x128xi32>
    %swap3A_16 = vector.shape_cast %swap3A_15 : vector<1x2500x128xi32> to vector<2500x128xi32>
    %swap3A_17 = vector.shape_cast %add3A_11 : vector<2500x128xi32> to vector<1x2500x128xi32>
    tpu.vector_store %arg2[%swap3A_12, %swap3A_13, %swap3A_14], %swap3A_17 {strides = array<i32>} : memref<2x2500x128xi32, #tpu.memory_space<vmem>>, vector<1x2500x128xi32>,
    return
  }
  func.func @transform_0(%arg0: i32) -> (i32, i32) {
    %c0_i32 = arith.constant 0 : i32
    %c0_i32_0 = arith.constant 0 : i32
    %c0_i32_1 = arith.constant 0 : i32
    return %c0_i32, %c0_i32_0 : i32, i32
  }
  func.func @transform_1(%arg0: i32) -> (i32, i32, i32) {
    %c0_i32 = arith.constant 0 : i32
    %c0_i32_0 = arith.constant 0 : i32
    %c0_i32_1 = arith.constant 0 : i32
    %c0_i32_2 = arith.constant 0 : i32
    return %c0_i32, %c0_i32_0, %c0_i32_1 : i32, i32, i32
  }
}

module attributes {stable_mosaic.version = 14 : i64} {
  func.func @_fin_body(%arg0: i32, %arg1: i32, %arg2: memref<1x1000x128xf32, #tpu.memory_space<vmem>>, %arg3: memref<1000x1xf32, #tpu.memory_space<vmem>>, %arg4: memref<1x128xf32, #tpu.memory_space<vmem>>, %arg5: memref<1x1000x128xf32, #tpu.memory_space<vmem>>) attributes {dimension_semantics = [#tpu.dimension_semantics<arbitrary>, #tpu.dimension_semantics<arbitrary>], iteration_bounds = array<i64: 2, 10>, scalar_prefetch = 0 : i64, scratch_operands = 0 : i64, tpu.core_type = #tpu.core_type<tc>, window_params = [{transform_indices = @transform_0, window_bounds = array<i64: 1, 1000, 128>}, {transform_indices = @transform_1, window_bounds = array<i64: 1000, 1>}, {pipeline_mode = #tpu.pipeline_mode<synchronous>, transform_indices = @transform_2, window_bounds = array<i64: 1, 128>}, {transform_indices = @transform_3, window_bounds = array<i64: 1, 1000, 128>}]} {
    %get3A = arith.constant 0 : index
    %get3A_0 = arith.constant 0 : index
    %get3A_1 = arith.constant 0 : index
    %get3A_2 = vector.load %arg2[%get3A, %get3A_0, %get3A_1] : memref<1x1000x128xf32, #tpu.memory_space<vmem>>, vector<1x1000x128xf32>
    %get3A_3 = vector.shape_cast %get3A_2 : vector<1x1000x128xf32> to vector<1000x128xf32>
    %get3A_4 = arith.constant 0 : index
    %get3A_5 = arith.constant 0 : index
    %get3A_6 = vector.load %arg3[%get3A_4, %get3A_5] : memref<1000x1xf32, #tpu.memory_space<vmem>>, vector<1000x1xf32>
    %mul3A = vector.broadcast %get3A_6 : vector<1000x1xf32> to vector<1000x128xf32>
    %mul3A_7 = arith.mulf %get3A_3, %mul3A : vector<1000x128xf32>
    %get3A_8 = arith.constant 0 : index
    %get3A_9 = arith.constant 0 : index
    %get3A_10 = vector.load %arg4[%get3A_8, %get3A_9] : memref<1x128xf32, #tpu.memory_space<vmem>>, vector<1x128xf32>
    %add3A = vector.broadcast %get3A_10 : vector<1x128xf32> to vector<1000x128xf32>
    %add3A_11 = arith.addf %mul3A_7, %add3A : vector<1000x128xf32>
    %swap3A = arith.constant 0 : index
    %swap3A_12 = arith.constant 0 : index
    %swap3A_13 = arith.constant 0 : index
    %swap3A_14 = vector.load %arg5[%swap3A, %swap3A_12, %swap3A_13] : memref<1x1000x128xf32, #tpu.memory_space<vmem>>, vector<1x1000x128xf32>
    %swap3A_15 = vector.shape_cast %swap3A_14 : vector<1x1000x128xf32> to vector<1000x128xf32>
    %swap3A_16 = vector.shape_cast %add3A_11 : vector<1000x128xf32> to vector<1x1000x128xf32>
    tpu.vector_store %arg5[%swap3A, %swap3A_12, %swap3A_13], %swap3A_16 {strides = array<i32>} : memref<1x1000x128xf32, #tpu.memory_space<vmem>>, vector<1x1000x128xf32>,
    return
  }
  func.func @transform_0(%arg0: i32, %arg1: i32) -> (i32, i32, i32) {
    %c0_i32 = arith.constant 0 : i32
    %c0_i32_0 = arith.constant 0 : i32
    return %arg0, %arg1, %c0_i32 : i32, i32, i32
  }
  func.func @transform_1(%arg0: i32, %arg1: i32) -> (i32, i32) {
    %c0_i32 = arith.constant 0 : i32
    %c0_i32_0 = arith.constant 0 : i32
    return %arg1, %c0_i32 : i32, i32
  }
  func.func @transform_2(%arg0: i32, %arg1: i32) -> (i32, i32) {
    %c0_i32 = arith.constant 0 : i32
    %c0_i32_0 = arith.constant 0 : i32
    %c0_i32_1 = arith.constant 0 : i32
    return %c0_i32, %c0_i32_0 : i32, i32
  }
  func.func @transform_3(%arg0: i32, %arg1: i32) -> (i32, i32, i32) {
    %c0_i32 = arith.constant 0 : i32
    %c0_i32_0 = arith.constant 0 : i32
    return %arg0, %arg1, %c0_i32 : i32, i32, i32
  }
}

</mosaic_0001>

<sc_bundles>
// kernel: kernel.10.cloned.1.call-start
scs
__scs_entry_jumppad:
0x0: {  	(pc) =	sbr.rel $0x88, $3  }
0x1: {  	(tag) =	ssettag $0x0;
	lr =	simm.s32 $0x1  }
0x2: {  	[smem:$0x3F9C] =	sst lr;
	_ =	strace $0xD0000000  }
0x3: {  	_ = 	snop  }
0x4: {  	_ = 	snop  }
0x5: {  	_ = 	snop  }
0x6: {  	_ = 	snop  }
0x7: {  	_ = 	snop  }
__scs_overlays_trampoline_lowered:
0x8: {  	[smem:$0x3FAB] =	sst s0  }
0x9: {  	[smem:$0x3FAC] =	sst s1  }
0xa: {  	[smem:$0x3FAD] =	sst s2  }
0xb: {  	[smem:$0x3FAE] =	sst s3  }
0xc: {  	[smem:$0x3FAF] =	sst s4  }
0xd: {  	[smem:$0x3FB0] =	sst s5  }
0xe: {  	[smem:$0x3FB1] =	sst s6  }
0xf: {  	[smem:$0x3FB2] =	sst s7  }
0x10: {  	[smem:$0x3FB3] =	sst s8  }
0x11: {  	[smem:$0x3FB4] =	sst s9;
	s0 =	simm.s32 @!p0 $0x0  }
0x12: {  	s1 =	sld [smem:$0x3F9A];
	s0 =	simm.s32 @p0 $0x1  }
0x13: {  	[smem:$0x3FB5] =	sst s0;
	s0 =	simm.s32 @!p1 $0x0  }
0x14: {  	s2 =	sld [smem:$0x3F99];
	s0 =	simm.s32 @p1 $0x1  }
0x15: {  	[smem:$0x3FB6] =	sst s0;
	s0 =	simm.s32 @!p2 $0x0  }
0x16: {  	s3 =	sld [smem:$0x3FDB];
	s0 =	simm.s32 @p2 $0x1  }
0x17: {  	s4 =	simm.s32 $0x1BF5;
	[smem:$0x3FB8] =	sst s0  }
0x18: {  	s0 =	sld [smem:$0x3F9B];
	_ =	swait.ge [sflag:s4], $0x0  }
0x19: {  	s7 =	sld [smem:$0x3F9C]  }
0x1a: {  	s8 =	sadd.s32 $0xFFFFE003, lr  }
0x1b: {  	s9 =	sadd.s32 $0xFFFFFEF7, lr;
	s5 =	simm.s32 $0xFFFFFFFF;
	p2 =	slt.u32 s8, $0xFFFFF086  }
0x1c: {  	p1 =	slt.u32 s9, $0xF7A;
	s5 =	simm.s32 @!p2 $0x0  }
0x1d: {  	s5 =	simm.s32 @p1 $0x1;
	p0 =	seq.s32 s7, s2  }
0x1e: {  	s7 =	smul.u32 @!p0 $0xF7A, s2;
	p2 =	seq.s32 @!p0 s5, $0x0  }
0x1f: {  	s9 =	smul.u32 $0xF7A, s1;
	s8 =	simm.s32 @!p0 $0x1BF5;
	p2 =	por !p2, p0  }
0x20: {  	[sflag:s8] =	ssyncset.s32 @!p0 $0xFFFFF086;
	s6 =	sadd.s32 @!p0 s3, s7;
	s7 =	simm.s32 @!p0 $0x108  }
0x21: {  	s3 =	sadd.s32 s3, s9;
	s6 =	sadd.s32 @!p0 $0x88, s6;
	s7 =	simm.s32 @p2 $0x1082  }
0x22: {  	[simem:s7], [sflag:s8] =	dma.local @!p0 [hbm:s6], $0xF7A  }
0x23: {  	s9 =	sor.u32 $0xD0000000, s2;
	s6 =	simm.s32 $0x108;
	_ =	swait.ge @!p0 [sflag:s8], $0x0  }
0x24: {  	s3 =	sadd.s32 $0x88, s3;
	s6 =	simm.s32 @!p1 $0x1082;
	[sflag:s4] =	ssyncset.s32 $0xFFFFF086  }
0x25: {  	[simem:s6], [sflag:s4] =	dma.local [hbm:s3], $0xF7A  }
0x26: {  	[smem:$0x3F9C] =	sst s1;
	(tag) =	ssettag s2;
	_ =	strace s9  }
0x27: {  	s1 =	sld [smem:$0x3FAC]  }
0x28: {  	s2 =	sld [smem:$0x3FAD]  }
0x29: {  	s4 =	sld [smem:$0x3FAF]  }
0x2a: {  	p0 =	seq.s32 s5, $0x0;
	s5 =	sld [smem:$0x3FB0]  }
0x2b: {  	s6 =	sld [smem:$0x3FB1]  }
0x2c: {  	s7 =	sld [smem:$0x3FB2]  }
0x2d: {  	s3 =	simm.s32 $0x108;
	s8 =	sld [smem:$0x3FB3]  }
0x2e: {  	s3 =	simm.s32 @!p0 $0x1082;
	s9 =	sld [smem:$0x3FB4]  }
0x2f: {  	lr =	sadd.s32 s0, s3;
	s0 =	sld [smem:$0x3FAB]  }
0x30: {  	s3 =	sld [smem:$0x3FAE]  }
0x31: {  	[smem:$0x3FB7] =	sst s10  }
0x32: {  	s10 =	sld [smem:$0x3FB5];
	_ =	sdelay $0x3  }
0x33: {  	p0 =	seq.s32 s10, $0x1;
	s10 =	sld [smem:$0x3FB7];
	_ =	sdelay $0x3  }
0x34: {  	[smem:$0x3FB7] =	sst s10  }
0x35: {  	s10 =	sld [smem:$0x3FB6];
	_ =	sdelay $0x3  }
0x36: {  	p1 =	seq.s32 s10, $0x1;
	s10 =	sld [smem:$0x3FB7];
	_ =	sdelay $0x3  }
0x37: {  	[smem:$0x3FB7] =	sst s10  }
0x38: {  	s10 =	sld [smem:$0x3FB8]  }
0x39: {  	_ = 	snop;
	(pc) =	sbr.ind lr, $3  }
0x3a: {  	_ = 	snop  }
0x3b: {  	_ = 	snop  }
0x3c: {  	p2 =	seq.s32 s10, $0x1;
	s10 =	sld [smem:$0x3FB7]  }
0x3d: {  	_ =	shalt  }
0x3e: {  	_ =	shalt  }
0x3f: {  	_ =	shalt  }
0x40: {  	_ =	shalt  }
0x41: {  	_ =	shalt  }
0x42: {  	_ =	shalt  }
0x43: {  	_ =	shalt  }
0x44: {  	_ =	shalt  }
0x45: {  	_ =	shalt  }
0x46: {  	_ =	shalt  }
0x47: {  	_ =	shalt  }
0x48: {  	_ =	shalt  }
0x49: {  	_ =	shalt  }
0x4a: {  	_ =	shalt  }
0x4b: {  	_ =	shalt  }
0x4c: {  	_ =	shalt  }
0x4d: {  	_ =	shalt  }
0x4e: {  	_ =	shalt  }
0x4f: {  	_ =	shalt  }
0x50: {  	_ =	shalt  }
0x51: {  	_ =	shalt  }
0x52: {  	_ =	shalt  }
0x53: {  	_ =	shalt  }
0x54: {  	_ =	shalt  }
0x55: {  	_ =	shalt  }
0x56: {  	_ =	shalt  }
0x57: {  	_ =	shalt  }
0x58: {  	_ =	shalt  }
0x59: {  	_ =	shalt  }
0x5a: {  	_ =	shalt  }
0x5b: {  	_ =	shalt  }
0x5c: {  	_ =	shalt  }
0x5d: {  	_ =	shalt  }
0x5e: {  	_ =	shalt  }
0x5f: {  	_ =	shalt  }
0x60: {  	_ =	shalt  }
0x61: {  	_ =	shalt  }
0x62: {  	_ =	shalt  }
0x63: {  	_ =	shalt  }
0x64: {  	_ =	shalt  }
0x65: {  	_ =	shalt  }
0x66: {  	_ =	shalt  }
0x67: {  	_ =	shalt  }
0x68: {  	_ =	shalt  }
0x69: {  	_ =	shalt  }
0x6a: {  	_ =	shalt  }
0x6b: {  	_ =	shalt  }
0x6c: {  	_ =	shalt  }
0x6d: {  	_ =	shalt  }
0x6e: {  	_ =	shalt  }
0x6f: {  	_ =	shalt  }
0x70: {  	_ =	shalt  }
0x71: {  	_ =	shalt  }
0x72: {  	_ =	shalt  }
0x73: {  	_ =	shalt  }
0x74: {  	_ =	shalt  }
0x75: {  	_ =	shalt  }
0x76: {  	_ =	shalt  }
0x77: {  	_ =	shalt  }
0x78: {  	_ =	shalt  }
0x79: {  	_ =	shalt  }
0x7a: {  	_ =	shalt  }
0x7b: {  	_ =	shalt  }
0x7c: {  	_ =	shalt  }
0x7d: {  	_ =	shalt  }
0x7e: {  	_ =	shalt  }
0x7f: {  	_ =	shalt  }
0x80: {  	_ =	shalt  }
0x81: {  	_ =	shalt  }
0x82: {  	_ =	shalt  }
0x83: {  	_ =	shalt  }
0x84: {  	_ =	shalt  }
0x85: {  	_ =	shalt  }
0x86: {  	_ =	shalt  }
0x87: {  	_ =	shalt  }
.Lfunc_end0:
.L_simem_size_0:
called_computation.1_lowered:
.L_overlay_start_0:
0x88: {  	s2 =	sld [smem:$0x3FD9]  }
0x89: {  	s3 =	sld [smem:$0x3FFE];
	_ =	sdelay $0x1  }
0x8a: {  	s1 =	srdreg.scid  }
0x8b: {  	s0 =	sand.u32 $0x1, s1  }
0x8c: {  	s17 =	sshll.u32 s0, $0xA;
	s2 =	sadd.s32 s3, s2  }
0x8d: {  	s2 =	sadd.s32 s2, s17  }
0x8e: {  	[smem:$0x3FC3] =	sst s2  }
0x8f: {  	_ = 	snop  }
0x90: {  	s2 =	sld [smem:$0x3FC8]  }
0x91: {  	s18 =	sld [smem:$0x3FD0];
	(tm) =	ssettm $0x1  }
0x92: {  	s4 =	sld [smem:$0x3FFB];
	_ =	sdelay $0x3  }
0x93: {  	_ =	strace s4  }
0x94: {  	s4 =	sld [smem:$0x3FFC];
	_ =	sdelay $0x3  }
0x95: {  	_ =	strace s4  }
0x96: {  	s4 =	sld [smem:$0x3FFD];
	_ =	sdelay $0x3  }
0x97: {  	_ =	strace s4  }
0x98: {  	_ =	strace $0x8FFFFFFF  }
0x99: {  	s19 =	sld [smem:$0x3FDB];
	_ =	sdelay $0x1  }
0x9a: {  	s5 =	simm.s32 $_scs_section_size  }
0x9b: {  	s6 =	simm.s32 $_size__tile_overlayer_lowered;
	s7 =	simm.s32 $_tile_overlayer_lowered  }
0x9c: {  	s22 =	simm.s32 $0x1BFF;
	s21 =	sshll.u32 s7, $0x1;
	s4 =	sadd.s32 s5, s19  }
0x9d: {  	s8 =	simm.s32 $0x0;
	s20 =	sshll.u32 s6, $0x1;
	s6 =	sadd.s32 s21, s4  }
0x9e: {  	[timem:s8], [sflag:s22] =	dma.local [hbm:s6], s20  }
0x9f: {  	_ =	swait.ge [sflag:s22], s20  }
0xa0: {  	s5 =	ssub.s32 $0x0, s20;
	[sflag:s22] =	ssyncset.done $0x0  }
0xa1: {  	[sflag:s22] =	ssyncadd.s32 s5;
	_ =	sdelay $0x1  }
0xa2: {  	s23 =	simm.s32 $0x1B8B  }
0xa3: {  	_ =	swait.ge [sflag:s23], $0x1  }
0xa4: {  	[sflag:s23] =	ssyncset.done $0x0  }
0xa5: {  	s25 =	simm.s32 $0x1B8E;
	s24 =	sld [smem:$0x3FFE];
	[sflag:s23] =	ssyncadd.s32 $0xFFFFFFFF  }
0xa6: {  	s26 =	simm.s32 $execute0_lowered;
	[smem:$0x3FD2] =	sst s25  }
0xa7: {  	s6 =	sshll.u32 s26, $0x1;
	_ =	strace $0x80000049;
	[dreg:$0x1] =	wrdreg $0xFFFFFFFF  }
0xa8: {  	s28 =	simm.s32 $_size_execute0_lowered;
	s4 =	sadd.s32 s4, s6;
	[dreg:$0x0] =	wrdreg $0x0  }
0xa9: {  	s6 =	sshll.u32 s28, $0x1;
	[dreg:$0x2] =	wrdreg s4  }
0xaa: {  	[dreg:$0x3] =	wrdreg s6  }
0xab: {  	[dreg:$0x4] =	wrdreg $0xC0  }
0xac: {  	_ =	task [dreg:s8], $0x5FFFF  }
0xad: {  	[dreg:$0x1] =	wrdreg $0xFFFFFFFF  }
0xae: {  	[dreg:$0x0] =	wrdreg $0x60  }
0xaf: {  	[dreg:$0x2] =	wrdreg s24  }
0xb0: {  	[dreg:$0x3] =	wrdreg s2  }
0xb1: {  	[dreg:$0x4] =	wrdreg s18  }
0xb2: {  	[dreg:$0x5] =	wrdreg $0x7B000  }
0xb3: {  	[dreg:$0x6] =	wrdreg $0x9  }
0xb4: {  	_ =	task.clear_ibuf [dreg:s8], $0x7FFFF;
	_ =	strace $0x90000049  }
0xb5: {  	s29 =	simm.s32 $0x9;
	_ =	strace $0x8000004B  }
0xb6: {  	_ =	swait.ge [sflag:s29], $0x1  }
0xb7: {  	[sflag:s29] =	ssyncadd.s32 $0xFFFFFFFF  }
0xb8: {  	_ =	strace $0x9000004B  }
0xb9: {  	_ =	sfence  }
0xba: {  	s30 =	sld [smem:$0x0];
	_ =	sdelay $0x2  }
0xbb: {  	s31 =	sshll.u32 s1, $0xD;
	s1 =	sshrl.u32 s1, $0x2  }
0xbc: {  	s3 =	sand.u32 $0x4000, s31;
	s1 =	sadd.s32 s1, s30  }
0xbd: {  	s0 =	sor.u32 s3, s0;
	s1 =	sshll.u32 s1, $0x11  }
0xbe: {  	s0 =	sor.u32 s1, s0  }
0xbf: {  	s0 =	sadd.s32 $0x8F2B, s0  }
0xc0: {  	[sflag:s0] =	ssyncadd.remote.s32 $0x1  }
0xc1: {  	_ =	sfence.sel $0xFFFF  }
0xc2: {  	[dreg:$0x0] =	wrdreg $0xFFFFFFFF;
	(pc) =	sbr.abs _section_cstart, $3  }
0xc3: {  	[dreg:$0x1] =	wrdreg $0xFFFFFFFF  }
0xc4: {  	_ =	task.clear_ibuf [dreg:s8], $0x2FFFF;
	_ =	strace $0x9FFFFFFF  }
0xc5: {  	(tm) =	ssettm $0x7FFFFFFF  }
tec
execute0_lowered:
.L_overlay_start_1:
0x0: {  	(tag) =	ssettag $0x1  }
0x1: {  	s0 =	rddreg [dreg:$0x0]  }
0x2: {  	s5 =	rddreg [dreg:$0x1]  }
0x3: {  	s1 =	rddreg [dreg:$0x2]  }
0x4: {  	s2 =	rddreg [dreg:$0x3];
	s3 =	simm.s32 $0x0;
	s15 =	stileid.u32  }
0x5: {  	s4 =	srdreg.scid;
	s28 =	simm.s32 $0x8;
	s7 =	smul.u32 $0x4E20, s15  }
0x6: {  	s29 =	simm.s32 $0x3;
	s30 =	simm.s32 $0x9;
	s9 =	smul.u32 $0x280, s15  }
0x7: {  	[smem:$0x7FF] =	sst s3;
	s6 =	sand.u32 $0x1, s4;
	s14 =	smul.u32 $0x50000, s15  }
0x8: {  	s4 =	sadd.s32 $0x51C00, s0;
	s0 =	sadd.s32 $0x1C00, s0;
	s8 =	smul.u32 $0x4E200, s6  }
0x9: {  	_ =	strace $0x8000004A;
	s11 =	ssub.s32 $0x2, s6;
	s6 =	smul.u32 $0x2800, s6  }
0xa: {  	s10 =	sadd.s32 $0x4DD0, s7;
	s13 =	sshrl.u32 s11, $0x1;
	s21 =	sshrl.u32 s14, $0x2  }
0xb: {  	s24 =	sor.u32 $0x50, s9;
	s26 =	sadd.s32 $0xA0, s9;
	s14 =	sadd.s32 $0xF0, s9  }
0xc: {  	s12 =	sadd.s32 s8, s10;
	s11 =	ssub.s32 s11, s13;
	s10 =	sshrl.u32 s10, $0x3  }
0xd: {  	s22 =	sadd.s32 s6, s9;
	s19 =	sadd.s32 s21, s2;
	s25 =	sadd.s32 s6, s24  }
0xe: {  	s13 =	sshll.u32 s26, $0x7;
	s21 =	sadd.s32 s6, s14;
	s7 =	sadd.s32 s7, s8  }
0xf: {  	s12 =	sshrl.u32 s12, $0x3;
	s10 =	sadd.s32 s5, s10;
	s11 =	smax.u32 s11, $0x1  }
0x10: {  	s16 =	sshll.u32 s25, $0x4;
	s18 =	sadd.s32 s13, s2;
	s17 =	sshll.u32 s21, $0x4  }
0x11: {  	s8 =	sadd.s32 $0xA0, s7;
	s12 =	sadd.s32 s1, s12;
	[dreg:$0xa] =	wrdreg s10  }
0x12: {  	s10 =	sshll.u32 s22, $0x4;
	[dreg:$0xb] =	wrdreg s11;
	s11 =	sshll.u32 s24, $0x7  }
0x13: {  	s22 =	smul.u32 $0x9C4, s15;
	s24 =	sadd.s32 $0x140, s9;
	s8 =	sshrl.u32 s8, $0x3  }
0x14: {  	[dreg:$0x9] =	wrdreg s12;
	s23 =	sadd.s32 s4, s10;
	s20 =	sadd.s32 s11, s2  }
0x15: {  	s12 =	sadd.s32 s6, s26;
	s25 =	sadd.s32 s6, s24;
	s13 =	sshll.u32 s24, $0x7  }
0x16: {  	s26 =	sshrl.u32 s7, $0x3;
	s8 =	sadd.s32 s8, s1;
	s7 =	sadd.s32 $0x50, s7  }
0x17: {  	s24 =	sadd.s32 s0, s10;
	s10 =	smov.u32 s19;
	s19 =	sadd.s32 s0, s17  }
0x18: {  	[dreg:$0xc] =	wrdreg s23;
	s11 =	sshll.u32 s12, $0x4;
	s23 =	sshll.u32 s14, $0x7  }
0x19: {  	s12 =	smov.u32 s18;
	s5 =	sadd.s32 s22, s5;
	[dreg:$0x7] =	wrdreg s8  }
0x1a: {  	s18 =	sshll.u32 s25, $0x4;
	s13 =	sadd.s32 s13, s2;
	[dreg:$0x13] =	wrdreg s24  }
0x1b: {  	s14 =	sadd.s32 $0x190, s9;
	s7 =	sshrl.u32 s7, $0x3;
	[dreg:$0x19] =	wrdreg s19  }
0x1c: {  	s22 =	sadd.s32 $0x1E0, s9;
	s25 =	sadd.s32 s4, s16;
	[dreg:$0x5] =	wrdreg s5  }
0x1d: {  	s19 =	simm.s32 $0x50;
	s15 =	sadd.s32 s23, s2;
	[dreg:$0x14] =	wrdreg s25  }
0x1e: {  	s5 =	sadd.s32 s26, s1;
	s21 =	sadd.s32 s6, s14;
	[dreg:$0xe] =	wrdreg s12  }
0x1f: {  	s1 =	sadd.s32 s7, s1;
	s23 =	sadd.s32 s6, s22;
	[dreg:$0x10] =	wrdreg s13  }
0x20: {  	s7 =	sadd.s32 $0x230, s9;
	s26 =	sadd.s32 s0, s16;
	[dreg:$0x6] =	wrdreg s5  }
0x21: {  	s9 =	sadd.s32 s4, s11;
	s11 =	sadd.s32 s0, s11;
	[dreg:$0x8] =	wrdreg s1  }
0x22: {  	s16 =	sadd.s32 s4, s17;
	s17 =	simm.s32 $0x280;
	[dreg:$0x15] =	wrdreg s26  }
0x23: {  	s8 =	sshll.u32 s21, $0x4;
	s5 =	sshll.u32 s14, $0x7;
	[dreg:$0x16] =	wrdreg s9  }
0x24: {  	s1 =	sshll.u32 s23, $0x4;
	s6 =	sadd.s32 s6, s7;
	[dreg:$0x17] =	wrdreg s11  }
0x25: {  	s11 =	smov.u32 s20;
	[dreg:$0x18] =	wrdreg s16;
	s20 =	sadd.s32 s4, s18  }
0x26: {  	s21 =	sadd.s32 s0, s18;
	s26 =	sshll.u32 s7, $0x7;
	[dreg:$0xf] =	wrdreg s15  }
0x27: {  	s9 =	simm.s32 $0x200;
	s16 =	simm.s32 $0x100;
	[dreg:$0x1a] =	wrdreg s20  }
0x28: {  	s18 =	simm.s32 $0xA;
	s14 =	sadd.s32 s5, s2;
	[dreg:$0x1b] =	wrdreg s21  }
0x29: {  	s5 =	sshll.u32 s22, $0x7;
	s22 =	sadd.s32 s4, s8;
	[dreg:$0xd] =	wrdreg s11  }
0x2a: {  	s23 =	sadd.s32 s0, s8;
	s24 =	sadd.s32 s4, s1;
	[dreg:$0x1c] =	wrdreg s22  }
0x2b: {  	s1 =	sadd.s32 s0, s1;
	s7 =	sadd.s32 s26, s2;
	[dreg:$0x1d] =	wrdreg s23  }
0x2c: {  	s8 =	simm.s32 $0x80;
	s20 =	simm.s32 $0xB;
	[dreg:$0x1e] =	wrdreg s24  }
0x2d: {  	s21 =	simm.s32 $0x2B00;
	s26 =	simm.s32 $0x2;
	[dreg:$0x1f] =	wrdreg s1  }
0x2e: {  	s31 =	sadd.s32 s5, s2;
	s5 =	sshll.u32 s6, $0x4;
	[dreg:$0x11] =	wrdreg s14  }
0x2f: {  	s1 =	simm.s32 $0x300;
	s6 =	simm.s32 $0x180;
	[smem:$0x7FD] =	sst s7  }
0x30: {  	s22 =	simm.s32 $0xC;
	s0 =	sadd.s32 s0, s5;
	[dreg:$0x12] =	wrdreg s31  }
0x31: {  	s23 =	simm.s32 $0x5300;
	s25 =	sadd.s32 s4, s5;
	[smem:$0x7FA] =	sst s0  }
0x32: {  	s24 =	simm.s32 $0x1;
	[smem:$0x7FB] =	sst s25;
	s0 =	simm.s32 $0x0  }
0x33: {  	s5 =	simm.s32 $0xD;
	s25 =	simm.s32 $0x7;
	[smem:$0x7FC] =	sst s0  }
.LBB2_1:
0x34: {  	s0 =	rddreg [dreg:$0xc]  }
0x35: {  	[tilespmem:s1], [sflag:$0xD] =	stream.linear.gather [hbm4b:s0+s3], $0x2800, $0x38;
	[tilespmem:$0x1BB00] =	vst v63  }
0x36: {  	_ =	swait.ge [sflag:s5], $0x2800  }
0x37: {  	[sflag:s5] =	ssyncset.done $0x0  }
0x38: {  	[sflag:s5] =	ssyncadd.s32 $0xFFFFD800  }
0x39: {  	[spmem:s10] =	stream.linear.scatter [tilespmem:s1], [sflag:$0xD], $0x2800, $0x38;
	[tilespmem:$0x1BB00] =	vst v63  }
0x3a: {  	_ =	swait.ge [sflag:s5], $0x2800  }
0x3b: {  	[sflag:s5] =	ssyncset.done $0x0  }
0x3c: {  	s0 =	smov.u32 s10;
	s10 =	rddreg [dreg:$0x14];
	[sflag:s5] =	ssyncadd.s32 $0xFFFFD800  }
0x3d: {  	[tilespmem:s1], [sflag:$0xD] =	stream.linear.gather [hbm4b:s10+s3], $0x2800, $0x38;
	[tilespmem:$0x1BB00] =	vst v63  }
0x3e: {  	_ =	swait.ge [sflag:s5], $0x2800  }
0x3f: {  	[sflag:s5] =	ssyncset.done $0x0  }
0x40: {  	[sflag:s5] =	ssyncadd.s32 $0xFFFFD800  }
0x41: {  	[spmem:s11] =	stream.linear.scatter [tilespmem:s1], [sflag:$0xD], $0x2800, $0x38;
	[tilespmem:$0x1BB00] =	vst v63  }
0x42: {  	_ =	swait.ge [sflag:s5], $0x2800  }
0x43: {  	[sflag:s5] =	ssyncset.done $0x0  }
0x44: {  	s11 =	rddreg [dreg:$0x16];
	[sflag:s5] =	ssyncadd.s32 $0xFFFFD800  }
0x45: {  	[tilespmem:s1], [sflag:$0xD] =	stream.linear.gather [hbm4b:s11+s3], $0x2800, $0x38;
	[tilespmem:$0x1BB00] =	vst v63  }
0x46: {  	_ =	swait.ge [sflag:s5], $0x2800  }
0x47: {  	[sflag:s5] =	ssyncset.done $0x0  }
0x48: {  	[sflag:s5] =	ssyncadd.s32 $0xFFFFD800  }
0x49: {  	[spmem:s12] =	stream.linear.scatter [tilespmem:s1], [sflag:$0xD], $0x2800, $0x38;
	[tilespmem:$0x1BB00] =	vst v63  }
0x4a: {  	_ =	swait.ge [sflag:s5], $0x2800  }
0x4b: {  	[sflag:s5] =	ssyncset.done $0x0  }
0x4c: {  	s12 =	rddreg [dreg:$0x18];
	[sflag:s5] =	ssyncadd.s32 $0xFFFFD800  }
0x4d: {  	[tilespmem:s1], [sflag:$0xD] =	stream.linear.gather [hbm4b:s12+s3], $0x2800, $0x38;
	[tilespmem:$0x1BB00] =	vst v63  }
0x4e: {  	_ =	swait.ge [sflag:s5], $0x2800  }
0x4f: {  	[sflag:s5] =	ssyncset.done $0x0  }
0x50: {  	[sflag:s5] =	ssyncadd.s32 $0xFFFFD800  }
0x51: {  	[spmem:s15] =	stream.linear.scatter [tilespmem:s1], [sflag:$0xD], $0x2800, $0x38;
	[tilespmem:$0x1BB00] =	vst v63  }
0x52: {  	_ =	swait.ge [sflag:s5], $0x2800  }
0x53: {  	[sflag:s5] =	ssyncset.done $0x0  }
0x54: {  	s15 =	rddreg [dreg:$0x1a];
	[sflag:s5] =	ssyncadd.s32 $0xFFFFD800  }
0x55: {  	[tilespmem:s1], [sflag:$0xD] =	stream.linear.gather [hbm4b:s15+s3], $0x2800, $0x38;
	[tilespmem:$0x1BB00] =	vst v63  }
0x56: {  	_ =	swait.ge [sflag:s5], $0x2800  }
0x57: {  	[sflag:s5] =	ssyncset.done $0x0  }
0x58: {  	[sflag:s5] =	ssyncadd.s32 $0xFFFFD800  }
0x59: {  	[spmem:s13] =	stream.linear.scatter [tilespmem:s1], [sflag:$0xD], $0x2800, $0x38;
	[tilespmem:$0x1BB00] =	vst v63  }
0x5a: {  	_ =	swait.ge [sflag:s5], $0x2800  }
0x5b: {  	[sflag:s5] =	ssyncset.done $0x0  }
0x5c: {  	s11 =	rddreg [dreg:$0x1c];
	[sflag:s5] =	ssyncadd.s32 $0xFFFFD800  }
0x5d: {  	[tilespmem:s1], [sflag:$0xD] =	stream.linear.gather [hbm4b:s11+s3], $0x2800, $0x38;
	[tilespmem:$0x1BB00] =	vst v63  }
0x5e: {  	_ =	swait.ge [sflag:s5], $0x2800  }
0x5f: {  	[sflag:s5] =	ssyncset.done $0x0  }
0x60: {  	[sflag:s5] =	ssyncadd.s32 $0xFFFFD800  }
0x61: {  	[spmem:s14] =	stream.linear.scatter [tilespmem:s1], [sflag:$0xD], $0x2800, $0x38;
	[tilespmem:$0x1BB00] =	vst v63  }
0x62: {  	_ =	swait.ge [sflag:s5], $0x2800  }
0x63: {  	[sflag:s5] =	ssyncset.done $0x0  }
0x64: {  	s12 =	rddreg [dreg:$0x1e];
	[sflag:s5] =	ssyncadd.s32 $0xFFFFD800  }
0x65: {  	[tilespmem:s1], [sflag:$0xD] =	stream.linear.gather [hbm4b:s12+s3], $0x2800, $0x38;
	[tilespmem:$0x1BB00] =	vst v63  }
0x66: {  	_ =	swait.ge [sflag:s5], $0x2800  }
0x67: {  	[sflag:s5] =	ssyncset.done $0x0  }
0x68: {  	[sflag:s5] =	ssyncadd.s32 $0xFFFFD800  }
0x69: {  	[spmem:s31] =	stream.linear.scatter [tilespmem:s1], [sflag:$0xD], $0x2800, $0x38;
	[tilespmem:$0x1BB00] =	vst v63  }
0x6a: {  	_ =	swait.ge [sflag:s5], $0x2800  }
0x6b: {  	s13 =	sld [smem:$0x7FB]  }
0x6c: {  	[sflag:s5] =	ssyncset.done $0x0  }
0x6d: {  	[sflag:s5] =	ssyncadd.s32 $0xFFFFD800  }
0x6e: {  	[tilespmem:s1], [sflag:$0xD] =	stream.linear.gather [hbm4b:s13+s3], $0x2800, $0x38;
	[tilespmem:$0x1BB00] =	vst v63  }
0x6f: {  	_ =	swait.ge [sflag:s5], $0x2800  }
0x70: {  	[sflag:s5] =	ssyncset.done $0x0  }
0x71: {  	[sflag:s5] =	ssyncadd.s32 $0xFFFFD800  }
0x72: {  	[spmem:s7] =	stream.linear.scatter [tilespmem:s1], [sflag:$0xD], $0x2800, $0x38;
	[tilespmem:$0x1BB00] =	vst v63  }
0x73: {  	_ =	swait.ge [sflag:s5], $0x2800  }
0x74: {  	[sflag:s5] =	ssyncset.done $0x0  }
0x75: {  	p0 =	por $0x1, $0x1;
	[sflag:s5] =	ssyncadd.s32 $0xFFFFD800  }
0x76: {  	s10 =	simm.s32 @!p0 $0x4;
	[bflag:$0x0] =	sbarrier.arrive $0xFFFF  }
0x77: {  	_ =	swait.ge @!p0 [sflag:s10], $0x2800  }
0x78: {  	s14 =	rddreg [dreg:$0x6];
	[sflag:s10] =	ssyncset.done @!p0 $0x0  }
0x79: {  	s15 =	rddreg [dreg:$0x5];
	[sflag:s10] =	ssyncadd.s32 @!p0 $0xFFFFD800;
	s31 =	sadd.s32 $0x0, s14  }
0x7a: {  	[tilespmem:s3], [sflag:$0xA] =	stream.linear.gather [hbm4b:s31+s3], $0x50, $0x38;
	[tilespmem:$0x1BB00] =	vst v63  }
0x7b: {  	s11 =	simm.s32 @!p0 $0x5;
	s7 =	sadd.s32 $0x0, s15  }
0x7c: {  	[tilespmem:s6], [sflag:$0x7] =	stream.linear.gather [hbm4b:s7+s3], $0x50, $0x38;
	[tilespmem:$0x1BB00] =	vst v63  }
0x7d: {  	_ =	swait.ge @!p0 [sflag:s11], $0x2800  }
0x7e: {  	s13 =	rddreg [dreg:$0x8];
	[sflag:s11] =	ssyncset.done @!p0 $0x0  }
0x7f: {  	[sflag:s11] =	ssyncadd.s32 @!p0 $0xFFFFD800;
	s14 =	sadd.s32 $0x0, s13  }
0x80: {  	[tilespmem:s8], [sflag:$0xB] =	stream.linear.gather [hbm4b:s14+s3], $0x50, $0x38;
	[tilespmem:$0x1BB00] =	vst v63  }
0x81: {  	s12 =	simm.s32 @!p0 $0x6;
	s15 =	sadd.s32 $0xA, s7  }
0x82: {  	[tilespmem:s9], [sflag:$0x8] =	stream.linear.gather [hbm4b:s15+s3], $0x50, $0x38;
	[tilespmem:$0x1BB00] =	vst v63  }
0x83: {  	_ =	swait.ge @!p0 [sflag:s12], $0x2800  }
0x84: {  	s31 =	rddreg [dreg:$0x7];
	[sflag:s12] =	ssyncset.done @!p0 $0x0  }
0x85: {  	[sflag:s12] =	ssyncadd.s32 @!p0 $0xFFFFD800;
	s11 =	sadd.s32 $0x0, s31  }
0x86: {  	[tilespmem:s16], [sflag:$0xC] =	stream.linear.gather [hbm4b:s11+s3], $0x50, $0x38;
	[tilespmem:$0x1BB00] =	vst v63  }
0x87: {  	s10 =	sadd.s32 $0x14, s7  }
0x88: {  	[tilespmem:s17], [sflag:$0x9] =	stream.linear.gather [hbm4b:s10+s3], $0x50, $0x38;
	[tilespmem:$0x1BB00] =	vst v63  }
0x89: {  	_ =	swait.ge [sflag:s18], $0x50  }
0x8a: {  	[sflag:s18] =	ssyncset.done $0x0  }
0x8b: {  	[sflag:s18] =	ssyncadd.s32 $0xFFFFFFB0  }
0x8c: {  	[tilespmem:s1], [sflag:$0x1] =	stream.indirect.gather [hbm4b:s4+s19], $0x80, s3, s19, $0xb8;
	[tilespmem:$0x1BB00] =	vst v63  }
0x8d: {  	_ =	swait.ge [sflag:s20], $0x50  }
0x8e: {  	[sflag:s20] =	ssyncset.done $0x0  }
0x8f: {  	[sflag:s20] =	ssyncadd.s32 $0xFFFFFFB0  }
0x90: {  	[tilespmem:s21], [sflag:$0x2] =	stream.indirect.gather [hbm4b:s4+s19], $0x80, s8, s19, $0xb8;
	[tilespmem:$0x1BB00] =	vst v63  }
0x91: {  	_ =	swait.ge [sflag:s22], $0x50  }
0x92: {  	[sflag:s22] =	ssyncset.done $0x0  }
0x93: {  	[sflag:s22] =	ssyncadd.s32 $0xFFFFFFB0  }
0x94: {  	[tilespmem:s23], [sflag:$0x3] =	stream.indirect.gather [hbm4b:s4+s19], $0x80, s16, s19, $0xb8;
	[tilespmem:$0x1BB00] =	vst v63  }
0x95: {  	_ =	swait.ge [sflag:s24], $0x2800  }
0x96: {  	[sflag:s24] =	ssyncset.done $0x0  }
0x97: {  	[sflag:s24] =	ssyncadd.s32 $0xFFFFD800  }
0x98: {  	_ =	swait.ge [sflag:s25], $0x50  }
0x99: {  	[sflag:s25] =	ssyncset.done $0x0  }
0x9a: {  	[sflag:s25] =	ssyncadd.s32 $0xFFFFFFB0  }
0x9b: {  	[spmem:s2] =	stream.indirect.scatter.add.f32 [tilespmem:s1], [sflag:$0x4], $0x80, s6, s19, $0xb8;
	[tilespmem:$0x1BB00] =	vst v63  }
0x9c: {  	_ =	swait.ge [sflag:s26], $0x2800  }
0x9d: {  	[sflag:s26] =	ssyncset.done $0x0  }
0x9e: {  	[sflag:s26] =	ssyncadd.s32 $0xFFFFD800  }
0x9f: {  	_ =	swait.ge [sflag:s28], $0x50  }
0xa0: {  	[sflag:s28] =	ssyncset.done $0x0  }
0xa1: {  	[sflag:s28] =	ssyncadd.s32 $0xFFFFFFB0  }
0xa2: {  	[spmem:s2] =	stream.indirect.scatter.add.f32 [tilespmem:s21], [sflag:$0x5], $0x80, s9, s19, $0xb8;
	[tilespmem:$0x1BB00] =	vst v63  }
0xa3: {  	_ =	swait.ge [sflag:s29], $0x2800  }
0xa4: {  	[sflag:s29] =	ssyncset.done $0x0  }
0xa5: {  	[sflag:s29] =	ssyncadd.s32 $0xFFFFD800  }
0xa6: {  	p1 =	por $0x0, $0x0;
	_ =	swait.ge [sflag:s30], $0x50  }
0xa7: {  	s11 =	simm.s32 $0x3C;
	s10 =	simm.s32 $0x1E;
	[sflag:s30] =	ssyncset.done $0x0  }
.LBB2_2:
0xa8: {  	s12 =	simm.s32 @!p1 $0x4;
	[sflag:s30] =	ssyncadd.s32 $0xFFFFFFB0  }
0xa9: {  	[spmem:s2] =	stream.indirect.scatter.add.f32 [tilespmem:s23], [sflag:$0x6], $0x80, s17, s19, $0xb8;
	[tilespmem:$0x1BB00] =	vst v63  }
0xaa: {  	_ =	swait.ge @!p1 [sflag:s12], $0x2800  }
0xab: {  	[sflag:s12] =	ssyncset.done @!p1 $0x0;
	s14 =	rddreg [dreg:$0x6]  }
0xac: {  	s15 =	rddreg [dreg:$0x5];
	[sflag:s12] =	ssyncadd.s32 @!p1 $0xFFFFD800;
	s14 =	sadd.s32 s10, s14  }
0xad: {  	[tilespmem:s3], [sflag:$0xA] =	stream.linear.gather [hbm4b:s14+s3], $0x50, $0x38;
	[tilespmem:$0x1BB00] =	vst v63  }
0xae: {  	s12 =	sadd.s32 s10, s15;
	s14 =	simm.s32 @!p1 $0x5  }
0xaf: {  	[tilespmem:s6], [sflag:$0x7] =	stream.linear.gather [hbm4b:s12+s3], $0x50, $0x38;
	[tilespmem:$0x1BB00] =	vst v63  }
0xb0: {  	_ =	swait.ge @!p1 [sflag:s14], $0x2800  }
0xb1: {  	s15 =	rddreg [dreg:$0x8];
	[sflag:s14] =	ssyncset.done @!p1 $0x0  }
0xb2: {  	[sflag:s14] =	ssyncadd.s32 @!p1 $0xFFFFD800;
	s31 =	sadd.s32 s10, s15  }
0xb3: {  	[tilespmem:s8], [sflag:$0xB] =	stream.linear.gather [hbm4b:s31+s3], $0x50, $0x38;
	[tilespmem:$0x1BB00] =	vst v63  }
0xb4: {  	s7 =	sadd.s32 $0xA, s12;
	s15 =	simm.s32 @!p1 $0x6  }
0xb5: {  	[tilespmem:s9], [sflag:$0x8] =	stream.linear.gather [hbm4b:s7+s3], $0x50, $0x38;
	[tilespmem:$0x1BB00] =	vst v63  }
0xb6: {  	_ =	swait.ge @!p1 [sflag:s15], $0x2800  }
0xb7: {  	s31 =	rddreg [dreg:$0x7];
	[sflag:s15] =	ssyncset.done @!p1 $0x0  }
0xb8: {  	[sflag:s15] =	ssyncadd.s32 @!p1 $0xFFFFD800;
	s14 =	sadd.s32 s10, s31  }
0xb9: {  	[tilespmem:s16], [sflag:$0xC] =	stream.linear.gather [hbm4b:s14+s3], $0x50, $0x38;
	[tilespmem:$0x1BB00] =	vst v63  }
0xba: {  	s12 =	sadd.s32 $0x14, s12  }
0xbb: {  	[tilespmem:s17], [sflag:$0x9] =	stream.linear.gather [hbm4b:s12+s3], $0x50, $0x38;
	[tilespmem:$0x1BB00] =	vst v63  }
0xbc: {  	_ =	swait.ge [sflag:s18], $0x50  }
0xbd: {  	[sflag:s18] =	ssyncset.done $0x0  }
0xbe: {  	[sflag:s18] =	ssyncadd.s32 $0xFFFFFFB0  }
0xbf: {  	[tilespmem:s1], [sflag:$0x1] =	stream.indirect.gather [hbm4b:s4+s19], $0x80, s3, s19, $0xb8;
	[tilespmem:$0x1BB00] =	vst v63  }
0xc0: {  	_ =	swait.ge [sflag:s20], $0x50  }
0xc1: {  	[sflag:s20] =	ssyncset.done $0x0  }
0xc2: {  	[sflag:s20] =	ssyncadd.s32 $0xFFFFFFB0  }
0xc3: {  	[tilespmem:s21], [sflag:$0x2] =	stream.indirect.gather [hbm4b:s4+s19], $0x80, s8, s19, $0xb8;
	[tilespmem:$0x1BB00] =	vst v63  }
0xc4: {  	_ =	swait.ge [sflag:s22], $0x50  }
0xc5: {  	[sflag:s22] =	ssyncset.done $0x0  }
0xc6: {  	[sflag:s22] =	ssyncadd.s32 $0xFFFFFFB0  }
0xc7: {  	[tilespmem:s23], [sflag:$0x3] =	stream.indirect.gather [hbm4b:s4+s19], $0x80, s16, s19, $0xb8;
	[tilespmem:$0x1BB00] =	vst v63  }
0xc8: {  	_ =	swait.ge [sflag:s24], $0x2800  }
0xc9: {  	[sflag:s24] =	ssyncset.done $0x0  }
0xca: {  	[sflag:s24] =	ssyncadd.s32 $0xFFFFD800  }
0xcb: {  	_ =	swait.ge [sflag:s25], $0x50  }
0xcc: {  	[sflag:s25] =	ssyncset.done $0x0  }
0xcd: {  	[sflag:s25] =	ssyncadd.s32 $0xFFFFFFB0  }
0xce: {  	[spmem:s2] =	stream.indirect.scatter.add.f32 [tilespmem:s1], [sflag:$0x4], $0x80, s6, s19, $0xb8;
	[tilespmem:$0x1BB00] =	vst v63  }
0xcf: {  	_ =	swait.ge [sflag:s26], $0x2800  }
0xd0: {  	[sflag:s26] =	ssyncset.done $0x0  }
0xd1: {  	[sflag:s26] =	ssyncadd.s32 $0xFFFFD800  }
0xd2: {  	_ =	swait.ge [sflag:s28], $0x50  }
0xd3: {  	s13 =	smov.u32 s11;
	s11 =	sadd.s32 $0x1E, s11;
	[sflag:s28] =	ssyncset.done $0x0  }
0xd4: {  	p0 =	sne.s32 s11, $0x9BA;
	[sflag:s28] =	ssyncadd.s32 $0xFFFFFFB0  }
0xd5: {  	[spmem:s2] =	stream.indirect.scatter.add.f32 [tilespmem:s21], [sflag:$0x5], $0x80, s9, s19, $0xb8;
	[tilespmem:$0x1BB00] =	vst v63  }
.Ltmp0:
0xd6: {  	_ =	swait.ge [sflag:s29], $0x2800;
	(pc) =	sbr.rel @p0 .LBB2_2-.Ltmp0, $4  }
0xd7: {  	[sflag:s29] =	ssyncset.done $0x0  }
0xd8: {  	[sflag:s29] =	ssyncadd.s32 $0xFFFFD800  }
0xd9: {  	s10 =	smov.u32 s13;
	_ =	swait.ge [sflag:s30], $0x50  }
0xda: {  	p1 =	seq.s32 s10, $0x0;
	[sflag:s30] =	ssyncset.done $0x0  }
0xdb: {  	s11 =	simm.s32 @!p1 $0x4;
	[sflag:s30] =	ssyncadd.s32 $0xFFFFFFB0  }
0xdc: {  	[spmem:s2] =	stream.indirect.scatter.add.f32 [tilespmem:s23], [sflag:$0x6], $0x80, s17, s19, $0xb8;
	[tilespmem:$0x1BB00] =	vst v63  }
0xdd: {  	_ =	swait.ge @!p1 [sflag:s11], $0x2800  }
0xde: {  	s12 =	rddreg [dreg:$0x6];
	[sflag:s11] =	ssyncset.done @!p1 $0x0  }
0xdf: {  	s13 =	rddreg [dreg:$0x5];
	[sflag:s11] =	ssyncadd.s32 @!p1 $0xFFFFD800;
	s15 =	sadd.s32 s10, s12  }
0xe0: {  	[tilespmem:s3], [sflag:$0xA] =	stream.linear.gather [hbm4b:s15+s3], $0x50, $0x38;
	[tilespmem:$0x1BB00] =	vst v63  }
0xe1: {  	s11 =	sadd.s32 s10, s13;
	s12 =	simm.s32 @!p1 $0x5  }
0xe2: {  	[tilespmem:s6], [sflag:$0x7] =	stream.linear.gather [hbm4b:s11+s3], $0x50, $0x38;
	[tilespmem:$0x1BB00] =	vst v63  }
0xe3: {  	_ =	swait.ge @!p1 [sflag:s12], $0x2800  }
0xe4: {  	s7 =	rddreg [dreg:$0x8];
	[sflag:s12] =	ssyncset.done @!p1 $0x0  }
0xe5: {  	[sflag:s12] =	ssyncadd.s32 @!p1 $0xFFFFD800;
	s14 =	sadd.s32 s10, s7  }
0xe6: {  	[tilespmem:s8], [sflag:$0xB] =	stream.linear.gather [hbm4b:s14+s3], $0x50, $0x38;
	[tilespmem:$0x1BB00] =	vst v63  }
0xe7: {  	s13 =	simm.s32 @!p1 $0x6;
	s15 =	sadd.s32 $0xA, s11  }
0xe8: {  	[tilespmem:s9], [sflag:$0x8] =	stream.linear.gather [hbm4b:s15+s3], $0x50, $0x38;
	[tilespmem:$0x1BB00] =	vst v63  }
0xe9: {  	_ =	swait.ge @!p1 [sflag:s13], $0x2800  }
0xea: {  	s7 =	rddreg [dreg:$0x7];
	[sflag:s13] =	ssyncset.done @!p1 $0x0  }
0xeb: {  	[sflag:s13] =	ssyncadd.s32 @!p1 $0xFFFFD800;
	s13 =	sadd.s32 s10, s7  }
0xec: {  	[tilespmem:s16], [sflag:$0xC] =	stream.linear.gather [hbm4b:s13+s3], $0x50, $0x38;
	[tilespmem:$0x1BB00] =	vst v63  }
0xed: {  	s14 =	sadd.s32 $0x14, s11  }
0xee: {  	[tilespmem:s17], [sflag:$0x9] =	stream.linear.gather [hbm4b:s14+s3], $0x50, $0x38;
	[tilespmem:$0x1BB00] =	vst v63  }
0xef: {  	_ =	swait.ge [sflag:s18], $0x50  }
0xf0: {  	[sflag:s18] =	ssyncset.done $0x0  }
0xf1: {  	[sflag:s18] =	ssyncadd.s32 $0xFFFFFFB0  }
0xf2: {  	[tilespmem:s1], [sflag:$0x1] =	stream.indirect.gather [hbm4b:s4+s19], $0x80, s3, s19, $0xb8;
	[tilespmem:$0x1BB00] =	vst v63  }
0xf3: {  	_ =	swait.ge [sflag:s20], $0x50  }
0xf4: {  	[sflag:s20] =	ssyncset.done $0x0  }
0xf5: {  	[sflag:s20] =	ssyncadd.s32 $0xFFFFFFB0  }
0xf6: {  	[tilespmem:s21], [sflag:$0x2] =	stream.indirect.gather [hbm4b:s4+s19], $0x80, s8, s19, $0xb8;
	[tilespmem:$0x1BB00] =	vst v63  }
0xf7: {  	_ =	swait.ge [sflag:s22], $0x50  }
0xf8: {  	[sflag:s22] =	ssyncset.done $0x0  }
0xf9: {  	[sflag:s22] =	ssyncadd.s32 $0xFFFFFFB0  }
0xfa: {  	[tilespmem:s23], [sflag:$0x3] =	stream.indirect.gather [hbm4b:s4+s19], $0x80, s16, s19, $0xb8;
	[tilespmem:$0x1BB00] =	vst v63  }
0xfb: {  	_ =	swait.ge [sflag:s24], $0x2800  }
0xfc: {  	[sflag:s24] =	ssyncset.done $0x0  }
0xfd: {  	[sflag:s24] =	ssyncadd.s32 $0xFFFFD800  }
0xfe: {  	_ =	swait.ge [sflag:s25], $0x50  }
0xff: {  	[sflag:s25] =	ssyncset.done $0x0  }
0x100: {  	[sflag:s25] =	ssyncadd.s32 $0xFFFFFFB0  }
0x101: {  	[spmem:s2] =	stream.indirect.scatter.add.f32 [tilespmem:s1], [sflag:$0x4], $0x80, s6, s19, $0xb8;
	[tilespmem:$0x1BB00] =	vst v63  }
0x102: {  	_ =	swait.ge [sflag:s26], $0x2800  }
0x103: {  	[sflag:s26] =	ssyncset.done $0x0  }
0x104: {  	[sflag:s26] =	ssyncadd.s32 $0xFFFFD800  }
0x105: {  	_ =	swait.ge [sflag:s28], $0x50  }
0x106: {  	[sflag:s28] =	ssyncset.done $0x0  }
0x107: {  	[sflag:s28] =	ssyncadd.s32 $0xFFFFFFB0  }
0x108: {  	[spmem:s2] =	stream.indirect.scatter.add.f32 [tilespmem:s21], [sflag:$0x5], $0x80, s9, s19, $0xb8;
	[tilespmem:$0x1BB00] =	vst v63  }
0x109: {  	_ =	swait.ge [sflag:s29], $0x2800  }
0x10a: {  	[sflag:s29] =	ssyncset.done $0x0  }
0x10b: {  	[sflag:s29] =	ssyncadd.s32 $0xFFFFD800  }
0x10c: {  	_ =	swait.ge [sflag:s30], $0x50  }
0x10d: {  	[sflag:s30] =	ssyncset.done $0x0  }
0x10e: {  	s7 =	simm.s32 $0x4;
	[sflag:s30] =	ssyncadd.s32 $0xFFFFFFB0  }
0x10f: {  	[spmem:s2] =	stream.indirect.scatter.add.f32 [tilespmem:s23], [sflag:$0x6], $0x80, s17, s19, $0xb8;
	[tilespmem:$0x1BB00] =	vst v63  }
0x110: {  	_ =	swait.ge [sflag:s7], $0x2800  }
0x111: {  	[sflag:s7] =	ssyncset.done $0x0  }
0x112: {  	s15 =	simm.s32 $0x5;
	[sflag:s7] =	ssyncadd.s32 $0xFFFFD800  }
0x113: {  	_ =	swait.ge [sflag:s15], $0x2800  }
0x114: {  	[sflag:s15] =	ssyncset.done $0x0  }
0x115: {  	s11 =	simm.s32 $0x6;
	[sflag:s15] =	ssyncadd.s32 $0xFFFFD800  }
0x116: {  	_ =	swait.ge [sflag:s11], $0x2800  }
0x117: {  	[sflag:s11] =	ssyncset.done $0x0  }
0x118: {  	s12 =	rddreg [dreg:$0x9];
	[sflag:s11] =	ssyncadd.s32 $0xFFFFD800  }
0x119: {  	[tilespmem:s3], [sflag:$0xD] =	stream.linear.gather [hbm4b:s12+s3], $0x50, $0x38;
	[tilespmem:$0x1BB00] =	vst v63  }
0x11a: {  	_ =	swait.ge [sflag:s5], $0x50  }
0x11b: {  	[sflag:s5] =	ssyncset.done $0x0  }
0x11c: {  	s13 =	rddreg [dreg:$0xa];
	[sflag:s5] =	ssyncadd.s32 $0xFFFFFFB0  }
0x11d: {  	[tilespmem:s6], [sflag:$0xD] =	stream.linear.gather [hbm4b:s13+s3], $0x50, $0x38;
	[tilespmem:$0x1BB00] =	vst v63  }
0x11e: {  	_ =	swait.ge [sflag:s5], $0x50  }
0x11f: {  	[sflag:s5] =	ssyncset.done $0x0  }
0x120: {  	[sflag:s5] =	ssyncadd.s32 $0xFFFFFFB0  }
0x121: {  	[tilespmem:s1], [sflag:$0x1] =	stream.indirect.gather [hbm4b:s4+s19], $0x80, s3, s19, $0xb8;
	[tilespmem:$0x1BB00] =	vst v63  }
0x122: {  	_ =	swait.ge [sflag:s24], $0x2800  }
0x123: {  	[sflag:s24] =	ssyncset.done $0x0  }
0x124: {  	[sflag:s24] =	ssyncadd.s32 $0xFFFFD800  }
0x125: {  	[spmem:s2] =	stream.indirect.scatter.add.f32 [tilespmem:s1], [sflag:$0x4], $0x80, s6, s19, $0xb8;
	[tilespmem:$0x1BB00] =	vst v63  }
0x126: {  	_ =	swait.ge [sflag:s7], $0x2800  }
0x127: {  	[sflag:s7] =	ssyncset.done $0x0  }
0x128: {  	[sflag:s7] =	ssyncadd.s32 $0xFFFFD800  }
0x129: {  	[bflag:$0x0] =	sbarrier.arrive $0xFFFF  }
0x12a: {  	[tilespmem:s1], [sflag:$0xD] =	stream.linear.gather [spmem:s0], $0x2800, $0x38;
	[tilespmem:$0x1BB00] =	vst v63  }
0x12b: {  	_ =	swait.ge [sflag:s5], $0x2800  }
0x12c: {  	[sflag:s5] =	ssyncset.done $0x0  }
0x12d: {  	s14 =	rddreg [dreg:$0x13];
	[sflag:s5] =	ssyncadd.s32 $0xFFFFD800  }
0x12e: {  	[hbm4b:s14+s3] =	stream.linear.scatter [tilespmem:s1], [sflag:$0xD], $0x2800, $0x38;
	[tilespmem:$0x1BB00] =	vst v63  }
0x12f: {  	_ =	swait.ge [sflag:s5], $0x2800  }
0x130: {  	[sflag:s5] =	ssyncset.done $0x0  }
0x131: {  	s11 =	rddreg [dreg:$0xd];
	[sflag:s5] =	ssyncadd.s32 $0xFFFFD800  }
0x132: {  	[tilespmem:s1], [sflag:$0xD] =	stream.linear.gather [spmem:s11], $0x2800, $0x38;
	[tilespmem:$0x1BB00] =	vst v63  }
0x133: {  	_ =	swait.ge [sflag:s5], $0x2800  }
0x134: {  	[sflag:s5] =	ssyncset.done $0x0  }
0x135: {  	s15 =	rddreg [dreg:$0x15];
	[sflag:s5] =	ssyncadd.s32 $0xFFFFD800  }
0x136: {  	[hbm4b:s15+s3] =	stream.linear.scatter [tilespmem:s1], [sflag:$0xD], $0x2800, $0x38;
	[tilespmem:$0x1BB00] =	vst v63  }
0x137: {  	_ =	swait.ge [sflag:s5], $0x2800  }
0x138: {  	[sflag:s5] =	ssyncset.done $0x0  }
0x139: {  	s7 =	rddreg [dreg:$0xe];
	[sflag:s5] =	ssyncadd.s32 $0xFFFFD800  }
0x13a: {  	[tilespmem:s1], [sflag:$0xD] =	stream.linear.gather [spmem:s7], $0x2800, $0x38;
	[tilespmem:$0x1BB00] =	vst v63  }
0x13b: {  	_ =	swait.ge [sflag:s5], $0x2800  }
0x13c: {  	[sflag:s5] =	ssyncset.done $0x0  }
0x13d: {  	s12 =	rddreg [dreg:$0x17];
	[sflag:s5] =	ssyncadd.s32 $0xFFFFD800  }
0x13e: {  	[hbm4b:s12+s3] =	stream.linear.scatter [tilespmem:s1], [sflag:$0xD], $0x2800, $0x38;
	[tilespmem:$0x1BB00] =	vst v63  }
0x13f: {  	_ =	swait.ge [sflag:s5], $0x2800  }
0x140: {  	[sflag:s5] =	ssyncset.done $0x0  }
0x141: {  	s12 =	rddreg [dreg:$0xf];
	[sflag:s5] =	ssyncadd.s32 $0xFFFFD800  }
0x142: {  	[tilespmem:s1], [sflag:$0xD] =	stream.linear.gather [spmem:s12], $0x2800, $0x38;
	[tilespmem:$0x1BB00] =	vst v63  }
0x143: {  	_ =	swait.ge [sflag:s5], $0x2800  }
0x144: {  	[sflag:s5] =	ssyncset.done $0x0  }
0x145: {  	s13 =	rddreg [dreg:$0x19];
	[sflag:s5] =	ssyncadd.s32 $0xFFFFD800  }
0x146: {  	[hbm4b:s13+s3] =	stream.linear.scatter [tilespmem:s1], [sflag:$0xD], $0x2800, $0x38;
	[tilespmem:$0x1BB00] =	vst v63  }
0x147: {  	_ =	swait.ge [sflag:s5], $0x2800  }
0x148: {  	[sflag:s5] =	ssyncset.done $0x0  }
0x149: {  	s13 =	rddreg [dreg:$0x10];
	[sflag:s5] =	ssyncadd.s32 $0xFFFFD800  }
0x14a: {  	[tilespmem:s1], [sflag:$0xD] =	stream.linear.gather [spmem:s13], $0x2800, $0x38;
	[tilespmem:$0x1BB00] =	vst v63  }
0x14b: {  	_ =	swait.ge [sflag:s5], $0x2800  }
0x14c: {  	[sflag:s5] =	ssyncset.done $0x0  }
0x14d: {  	s14 =	rddreg [dreg:$0x1b];
	[sflag:s5] =	ssyncadd.s32 $0xFFFFD800  }
0x14e: {  	[hbm4b:s14+s3] =	stream.linear.scatter [tilespmem:s1], [sflag:$0xD], $0x2800, $0x38;
	[tilespmem:$0x1BB00] =	vst v63  }
0x14f: {  	_ =	swait.ge [sflag:s5], $0x2800  }
0x150: {  	[sflag:s5] =	ssyncset.done $0x0  }
0x151: {  	s14 =	rddreg [dreg:$0x11];
	[sflag:s5] =	ssyncadd.s32 $0xFFFFD800  }
0x152: {  	[tilespmem:s1], [sflag:$0xD] =	stream.linear.gather [spmem:s14], $0x2800, $0x38;
	[tilespmem:$0x1BB00] =	vst v63  }
0x153: {  	_ =	swait.ge [sflag:s5], $0x2800  }
0x154: {  	[sflag:s5] =	ssyncset.done $0x0  }
0x155: {  	s15 =	rddreg [dreg:$0x1d];
	[sflag:s5] =	ssyncadd.s32 $0xFFFFD800  }
0x156: {  	[hbm4b:s15+s3] =	stream.linear.scatter [tilespmem:s1], [sflag:$0xD], $0x2800, $0x38;
	[tilespmem:$0x1BB00] =	vst v63  }
0x157: {  	_ =	swait.ge [sflag:s5], $0x2800  }
0x158: {  	[sflag:s5] =	ssyncset.done $0x0  }
0x159: {  	s31 =	rddreg [dreg:$0x12];
	[sflag:s5] =	ssyncadd.s32 $0xFFFFD800  }
0x15a: {  	[tilespmem:s1], [sflag:$0xD] =	stream.linear.gather [spmem:s31], $0x2800, $0x38;
	[tilespmem:$0x1BB00] =	vst v63  }
0x15b: {  	_ =	swait.ge [sflag:s5], $0x2800  }
0x15c: {  	[sflag:s5] =	ssyncset.done $0x0  }
0x15d: {  	s7 =	rddreg [dreg:$0x1f];
	[sflag:s5] =	ssyncadd.s32 $0xFFFFD800  }
0x15e: {  	[hbm4b:s7+s3] =	stream.linear.scatter [tilespmem:s1], [sflag:$0xD], $0x2800, $0x38;
	[tilespmem:$0x1BB00] =	vst v63  }
0x15f: {  	_ =	swait.ge [sflag:s5], $0x2800  }
0x160: {  	s7 =	sld [smem:$0x7FD]  }
0x161: {  	[sflag:s5] =	ssyncset.done $0x0  }
0x162: {  	[sflag:s5] =	ssyncadd.s32 $0xFFFFD800  }
0x163: {  	[tilespmem:s1], [sflag:$0xD] =	stream.linear.gather [spmem:s7], $0x2800, $0x38;
	[tilespmem:$0x1BB00] =	vst v63  }
0x164: {  	_ =	swait.ge [sflag:s5], $0x2800  }
0x165: {  	s15 =	sld [smem:$0x7FA]  }
0x166: {  	[sflag:s5] =	ssyncset.done $0x0  }
0x167: {  	[sflag:s5] =	ssyncadd.s32 $0xFFFFD800  }
0x168: {  	[hbm4b:s15+s3] =	stream.linear.scatter [tilespmem:s1], [sflag:$0xD], $0x2800, $0x38;
	[tilespmem:$0x1BB00] =	vst v63  }
0x169: {  	_ =	swait.ge [sflag:s5], $0x2800  }
0x16a: {  	s15 =	sld [smem:$0x7FC];
	_ =	sdelay $0x2  }
0x16b: {  	s10 =	smov.u32 s0;
	s0 =	rddreg [dreg:$0xb];
	s15 =	sadd.s32 $0x1, s15  }
0x16c: {  	p0 =	sne.s32 s15, s0  }
.Ltmp1:
0x16d: {  	_ = 	snop;
	(pc) =	sbr.rel @p0 .LBB2_1-.Ltmp1, $3  }
0x16e: {  	_ =	sdelay $0x1  }
0x16f: {  	[sflag:s5] =	ssyncset.done $0x0;
	[smem:$0x7FC] =	sst s15  }
0x170: {  	[sflag:s5] =	ssyncadd.s32 $0xFFFFD800;
	s15 =	smov.u32 s12;
	s12 =	rddreg [dreg:$0xe]  }
0x171: {  	_ =	sfence.sel $0x180000  }
0x172: {  	[bflag:$0x0] =	sbarrier.arrive $0xFFFF  }
0x173: {  	_ =	strace $0x9000004A  }
0x174: {  	s0 =	stileid.u32;
	[bflag:$0x2] =	sbarrier.arrive $0xFFFF  }
0x175: {  	p0 =	sne.s32 s0, $0x0;
	s0 =	rddreg [dreg:$0x4]  }
0x176: {  	s0 =	sadd.s32 @!p0 $0x100000, s0  }
0x177: {  	[sflag:s0] =	ssyncadd.tile.s32 @!p0 $0x1;
	_ =	shalt  }
.Lfunc_end2:
_tile_overlayer_lowered:
.L_overlay_start_2:
0x178: {  	(tag) =	ssettag $0x2  }
0x179: {  	s0 =	rddreg [dreg:$0x0];
	s2 =	stileid.u32  }
0x17a: {  	s1 =	rddreg [dreg:$0x1];
	p0 =	sne.s32 s2, $0x0  }
0x17b: {  	s3 =	rddreg [dreg:$0x2];
	[bflag:$0x3] =	sbarrier.arrive $0xFFFF;
	s2 =	simm.s32 @!p0 $0x1C0D  }
0x17c: {  	[timem:s3], [sflag:s2] =	dma.local @!p0 [hbm:s0], s1  }
0x17d: {  	s0 =	simm.s32 @!p0 $0xD  }
0x17e: {  	_ =	swait.ge @!p0 [sflag:s0], s1  }
0x17f: {  	s1 =	ssub.s32 @!p0 $0x0, s1;
	[sflag:s0] =	ssyncset.done @!p0 $0x0  }
0x180: {  	[sflag:s0] =	ssyncadd.s32 @!p0 s1  }
0x181: {  	[bflag:$0x3] =	sbarrier.arrive $0xFFFF  }
0x182: {  	_ =	shalt  }

// kernel: kernel.7.cloned.1.call-start
scs
__scs_entry_jumppad:
0x0: {  	(pc) =	sbr.rel $0x88, $3  }
0x1: {  	(tag) =	ssettag $0x0;
	lr =	simm.s32 $0x1  }
0x2: {  	[smem:$0x3F9C] =	sst lr;
	_ =	strace $0xD0000000  }
0x3: {  	_ = 	snop  }
0x4: {  	_ = 	snop  }
0x5: {  	_ = 	snop  }
0x6: {  	_ = 	snop  }
0x7: {  	_ = 	snop  }
__scs_overlays_trampoline_lowered:
0x8: {  	[smem:$0x3FAB] =	sst s0  }
0x9: {  	[smem:$0x3FAC] =	sst s1  }
0xa: {  	[smem:$0x3FAD] =	sst s2  }
0xb: {  	[smem:$0x3FAE] =	sst s3  }
0xc: {  	[smem:$0x3FAF] =	sst s4  }
0xd: {  	[smem:$0x3FB0] =	sst s5  }
0xe: {  	[smem:$0x3FB1] =	sst s6  }
0xf: {  	[smem:$0x3FB2] =	sst s7  }
0x10: {  	[smem:$0x3FB3] =	sst s8  }
0x11: {  	[smem:$0x3FB4] =	sst s9;
	s0 =	simm.s32 @!p0 $0x0  }
0x12: {  	s1 =	sld [smem:$0x3F9A];
	s0 =	simm.s32 @p0 $0x1  }
0x13: {  	[smem:$0x3FB5] =	sst s0;
	s0 =	simm.s32 @!p1 $0x0  }
0x14: {  	s2 =	sld [smem:$0x3F99];
	s0 =	simm.s32 @p1 $0x1  }
0x15: {  	[smem:$0x3FB6] =	sst s0;
	s0 =	simm.s32 @!p2 $0x0  }
0x16: {  	s3 =	sld [smem:$0x3FDB];
	s0 =	simm.s32 @p2 $0x1  }
0x17: {  	s4 =	simm.s32 $0x1BF5;
	[smem:$0x3FB8] =	sst s0  }
0x18: {  	s0 =	sld [smem:$0x3F9B];
	_ =	swait.ge [sflag:s4], $0x0  }
0x19: {  	s7 =	sld [smem:$0x3F9C]  }
0x1a: {  	s8 =	sadd.s32 $0xFFFFE003, lr  }
0x1b: {  	s9 =	sadd.s32 $0xFFFFFEF7, lr;
	s5 =	simm.s32 $0xFFFFFFFF;
	p2 =	slt.u32 s8, $0xFFFFF086  }
0x1c: {  	p1 =	slt.u32 s9, $0xF7A;
	s5 =	simm.s32 @!p2 $0x0  }
0x1d: {  	s5 =	simm.s32 @p1 $0x1;
	p0 =	seq.s32 s7, s2  }
0x1e: {  	s7 =	smul.u32 @!p0 $0xF7A, s2;
	p2 =	seq.s32 @!p0 s5, $0x0  }
0x1f: {  	s9 =	smul.u32 $0xF7A, s1;
	s8 =	simm.s32 @!p0 $0x1BF5;
	p2 =	por !p2, p0  }
0x20: {  	[sflag:s8] =	ssyncset.s32 @!p0 $0xFFFFF086;
	s6 =	sadd.s32 @!p0 s3, s7;
	s7 =	simm.s32 @!p0 $0x108  }
0x21: {  	s3 =	sadd.s32 s3, s9;
	s6 =	sadd.s32 @!p0 $0x88, s6;
	s7 =	simm.s32 @p2 $0x1082  }
0x22: {  	[simem:s7], [sflag:s8] =	dma.local @!p0 [hbm:s6], $0xF7A  }
0x23: {  	s9 =	sor.u32 $0xD0000000, s2;
	s6 =	simm.s32 $0x108;
	_ =	swait.ge @!p0 [sflag:s8], $0x0  }
0x24: {  	s3 =	sadd.s32 $0x88, s3;
	s6 =	simm.s32 @!p1 $0x1082;
	[sflag:s4] =	ssyncset.s32 $0xFFFFF086  }
0x25: {  	[simem:s6], [sflag:s4] =	dma.local [hbm:s3], $0xF7A  }
0x26: {  	[smem:$0x3F9C] =	sst s1;
	(tag) =	ssettag s2;
	_ =	strace s9  }
0x27: {  	s1 =	sld [smem:$0x3FAC]  }
0x28: {  	s2 =	sld [smem:$0x3FAD]  }
0x29: {  	s4 =	sld [smem:$0x3FAF]  }
0x2a: {  	p0 =	seq.s32 s5, $0x0;
	s5 =	sld [smem:$0x3FB0]  }
0x2b: {  	s6 =	sld [smem:$0x3FB1]  }
0x2c: {  	s7 =	sld [smem:$0x3FB2]  }
0x2d: {  	s3 =	simm.s32 $0x108;
	s8 =	sld [smem:$0x3FB3]  }
0x2e: {  	s3 =	simm.s32 @!p0 $0x1082;
	s9 =	sld [smem:$0x3FB4]  }
0x2f: {  	lr =	sadd.s32 s0, s3;
	s0 =	sld [smem:$0x3FAB]  }
0x30: {  	s3 =	sld [smem:$0x3FAE]  }
0x31: {  	[smem:$0x3FB7] =	sst s10  }
0x32: {  	s10 =	sld [smem:$0x3FB5];
	_ =	sdelay $0x3  }
0x33: {  	p0 =	seq.s32 s10, $0x1;
	s10 =	sld [smem:$0x3FB7];
	_ =	sdelay $0x3  }
0x34: {  	[smem:$0x3FB7] =	sst s10  }
0x35: {  	s10 =	sld [smem:$0x3FB6];
	_ =	sdelay $0x3  }
0x36: {  	p1 =	seq.s32 s10, $0x1;
	s10 =	sld [smem:$0x3FB7];
	_ =	sdelay $0x3  }
0x37: {  	[smem:$0x3FB7] =	sst s10  }
0x38: {  	s10 =	sld [smem:$0x3FB8]  }
0x39: {  	_ = 	snop;
	(pc) =	sbr.ind lr, $3  }
0x3a: {  	_ = 	snop  }
0x3b: {  	_ = 	snop  }
0x3c: {  	p2 =	seq.s32 s10, $0x1;
	s10 =	sld [smem:$0x3FB7]  }
0x3d: {  	_ =	shalt  }
0x3e: {  	_ =	shalt  }
0x3f: {  	_ =	shalt  }
0x40: {  	_ =	shalt  }
0x41: {  	_ =	shalt  }
0x42: {  	_ =	shalt  }
0x43: {  	_ =	shalt  }
0x44: {  	_ =	shalt  }
0x45: {  	_ =	shalt  }
0x46: {  	_ =	shalt  }
0x47: {  	_ =	shalt  }
0x48: {  	_ =	shalt  }
0x49: {  	_ =	shalt  }
0x4a: {  	_ =	shalt  }
0x4b: {  	_ =	shalt  }
0x4c: {  	_ =	shalt  }
0x4d: {  	_ =	shalt  }
0x4e: {  	_ =	shalt  }
0x4f: {  	_ =	shalt  }
0x50: {  	_ =	shalt  }
0x51: {  	_ =	shalt  }
0x52: {  	_ =	shalt  }
0x53: {  	_ =	shalt  }
0x54: {  	_ =	shalt  }
0x55: {  	_ =	shalt  }
0x56: {  	_ =	shalt  }
0x57: {  	_ =	shalt  }
0x58: {  	_ =	shalt  }
0x59: {  	_ =	shalt  }
0x5a: {  	_ =	shalt  }
0x5b: {  	_ =	shalt  }
0x5c: {  	_ =	shalt  }
0x5d: {  	_ =	shalt  }
0x5e: {  	_ =	shalt  }
0x5f: {  	_ =	shalt  }
0x60: {  	_ =	shalt  }
0x61: {  	_ =	shalt  }
0x62: {  	_ =	shalt  }
0x63: {  	_ =	shalt  }
0x64: {  	_ =	shalt  }
0x65: {  	_ =	shalt  }
0x66: {  	_ =	shalt  }
0x67: {  	_ =	shalt  }
0x68: {  	_ =	shalt  }
0x69: {  	_ =	shalt  }
0x6a: {  	_ =	shalt  }
0x6b: {  	_ =	shalt  }
0x6c: {  	_ =	shalt  }
0x6d: {  	_ =	shalt  }
0x6e: {  	_ =	shalt  }
0x6f: {  	_ =	shalt  }
0x70: {  	_ =	shalt  }
0x71: {  	_ =	shalt  }
0x72: {  	_ =	shalt  }
0x73: {  	_ =	shalt  }
0x74: {  	_ =	shalt  }
0x75: {  	_ =	shalt  }
0x76: {  	_ =	shalt  }
0x77: {  	_ =	shalt  }
0x78: {  	_ =	shalt  }
0x79: {  	_ =	shalt  }
0x7a: {  	_ =	shalt  }
0x7b: {  	_ =	shalt  }
0x7c: {  	_ =	shalt  }
0x7d: {  	_ =	shalt  }
0x7e: {  	_ =	shalt  }
0x7f: {  	_ =	shalt  }
0x80: {  	_ =	shalt  }
0x81: {  	_ =	shalt  }
0x82: {  	_ =	shalt  }
0x83: {  	_ =	shalt  }
0x84: {  	_ =	shalt  }
0x85: {  	_ =	shalt  }
0x86: {  	_ =	shalt  }
0x87: {  	_ =	shalt  }
.Lfunc_end0:
.L_simem_size_0:
called_computation_lowered:
.L_overlay_start_0:
0x88: {  	s2 =	sld [smem:$0x3FD9]  }
0x89: {  	s3 =	sld [smem:$0x3FFE];
	_ =	sdelay $0x1  }
0x8a: {  	s1 =	srdreg.scid  }
0x8b: {  	s0 =	sand.u32 $0x1, s1  }
0x8c: {  	s17 =	sshll.u32 s0, $0xA;
	s2 =	sadd.s32 s3, s2  }
0x8d: {  	s2 =	sadd.s32 s2, s17  }
0x8e: {  	[smem:$0x3FC3] =	sst s2  }
0x8f: {  	_ = 	snop  }
0x90: {  	s2 =	sld [smem:$0x3FC7];
	(tm) =	ssettm $0x1  }
0x91: {  	s18 =	sld [smem:$0x3FFB];
	_ =	sdelay $0x3  }
0x92: {  	_ =	strace s18  }
0x93: {  	s3 =	sld [smem:$0x3FFC];
	_ =	sdelay $0x3  }
0x94: {  	_ =	strace s3  }
0x95: {  	s3 =	sld [smem:$0x3FFD];
	_ =	sdelay $0x3  }
0x96: {  	_ =	strace s3  }
0x97: {  	_ =	strace $0x8FFFFFFF  }
0x98: {  	s19 =	sld [smem:$0x3FDB];
	_ =	sdelay $0x1  }
0x99: {  	s4 =	simm.s32 $_scs_section_size  }
0x9a: {  	s5 =	simm.s32 $_size__tile_overlayer_lowered;
	s6 =	simm.s32 $_tile_overlayer_lowered  }
0x9b: {  	s22 =	simm.s32 $0x1BFF;
	s21 =	sshll.u32 s6, $0x1;
	s3 =	sadd.s32 s4, s19  }
0x9c: {  	s7 =	simm.s32 $0x0;
	s20 =	sshll.u32 s5, $0x1;
	s5 =	sadd.s32 s21, s3  }
0x9d: {  	[timem:s7], [sflag:s22] =	dma.local [hbm:s5], s20  }
0x9e: {  	_ =	swait.ge [sflag:s22], s20  }
0x9f: {  	s4 =	ssub.s32 $0x0, s20;
	[sflag:s22] =	ssyncset.done $0x0  }
0xa0: {  	[sflag:s22] =	ssyncadd.s32 s4;
	_ =	sdelay $0x1  }
0xa1: {  	s23 =	simm.s32 $0x1B8B  }
0xa2: {  	_ =	swait.ge [sflag:s23], $0x1  }
0xa3: {  	[sflag:s23] =	ssyncset.done $0x0  }
0xa4: {  	s25 =	simm.s32 $0x1B8E;
	s24 =	sld [smem:$0x3FFE];
	[sflag:s23] =	ssyncadd.s32 $0xFFFFFFFF  }
0xa5: {  	s26 =	simm.s32 $execute0_lowered;
	[smem:$0x3FD2] =	sst s25  }
0xa6: {  	s5 =	sshll.u32 s26, $0x1;
	_ =	strace $0x80000046;
	[dreg:$0x1] =	wrdreg $0xFFFFFFFF  }
0xa7: {  	s28 =	simm.s32 $_size_execute0_lowered;
	s3 =	sadd.s32 s3, s5;
	[dreg:$0x0] =	wrdreg $0x0  }
0xa8: {  	s5 =	sshll.u32 s28, $0x1;
	[dreg:$0x2] =	wrdreg s3  }
0xa9: {  	[dreg:$0x3] =	wrdreg s5  }
0xaa: {  	[dreg:$0x4] =	wrdreg $0xC0  }
0xab: {  	_ =	task [dreg:s7], $0x5FFFF  }
0xac: {  	[dreg:$0x1] =	wrdreg $0xFFFFFFFF  }
0xad: {  	[dreg:$0x0] =	wrdreg $0x60  }
0xae: {  	[dreg:$0x2] =	wrdreg s2  }
0xaf: {  	[dreg:$0x3] =	wrdreg s24  }
0xb0: {  	[dreg:$0x4] =	wrdreg $0x68800  }
0xb1: {  	[dreg:$0x5] =	wrdreg $0x9  }
0xb2: {  	_ =	task.clear_ibuf [dreg:s7], $0x6FFFF;
	_ =	strace $0x90000046  }
0xb3: {  	s29 =	simm.s32 $0x9;
	_ =	strace $0x80000048  }
0xb4: {  	_ =	swait.ge [sflag:s29], $0x1  }
0xb5: {  	[sflag:s29] =	ssyncadd.s32 $0xFFFFFFFF  }
0xb6: {  	_ =	strace $0x90000048  }
0xb7: {  	_ =	sfence  }
0xb8: {  	s30 =	sld [smem:$0x0];
	_ =	sdelay $0x2  }
0xb9: {  	s31 =	sshll.u32 s1, $0xD;
	s1 =	sshrl.u32 s1, $0x2  }
0xba: {  	s3 =	sand.u32 $0x4000, s31;
	s1 =	sadd.s32 s1, s30  }
0xbb: {  	s0 =	sor.u32 s3, s0;
	s1 =	sshll.u32 s1, $0x11  }
0xbc: {  	s0 =	sor.u32 s1, s0  }
0xbd: {  	s0 =	sadd.s32 $0x8F2B, s0  }
0xbe: {  	[sflag:s0] =	ssyncadd.remote.s32 $0x1  }
0xbf: {  	_ =	sfence.sel $0xFFFF  }
0xc0: {  	[dreg:$0x0] =	wrdreg $0xFFFFFFFF;
	(pc) =	sbr.abs _section_cstart, $3  }
0xc1: {  	[dreg:$0x1] =	wrdreg $0xFFFFFFFF  }
0xc2: {  	_ =	task.clear_ibuf [dreg:s7], $0x2FFFF;
	_ =	strace $0x9FFFFFFF  }
0xc3: {  	(tm) =	ssettm $0x7FFFFFFF  }
tec
execute0_lowered:
.L_overlay_start_1:
0x0: {  	(tag) =	ssettag $0x1  }
0x1: {  	s15 =	rddreg [dreg:$0x0]  }
0x2: {  	s4 =	rddreg [dreg:$0x1]  }
0x3: {  	s2 =	rddreg [dreg:$0x2];
	s1 =	stileid.u32  }
0x4: {  	s0 =	rddreg [dreg:$0x3];
	s14 =	smul.u32 $0x280, s1  }
0x5: {  	s5 =	srdreg.scid;
	s6 =	smul.u32 $0x50000, s1  }
0x6: {  	s3 =	simm.s32 $0x0;
	s13 =	sand.u32 $0x1, s5;
	s22 =	smul.u32 $0x2710, s1  }
0x7: {  	[smem:$0x7FF] =	sst s3;
	s17 =	sadd.s32 $0x1C00, s4;
	s16 =	smul.u32 $0x2800, s13  }
0x8: {  	_ =	strace $0x80000047;
	s5 =	ssub.s32 $0x2, s13;
	s19 =	smul.u32 $0x27100, s13  }
0x9: {  	s23 =	sshrl.u32 s5, $0x1;
	s24 =	sshrl.u32 s6, $0x2;
	s11 =	sadd.s32 $0x80, s14  }
0xa: {  	s26 =	sadd.s32 $0x100, s14;
	s28 =	sadd.s32 $0x180, s14;
	s7 =	sadd.s32 s16, s14  }
0xb: {  	s8 =	ssub.s32 s5, s23;
	s4 =	sadd.s32 s24, s2;
	s12 =	sshll.u32 s11, $0x7  }
0xc: {  	s11 =	sadd.s32 s16, s11;
	s18 =	sshll.u32 s26, $0x7;
	s29 =	sshll.u32 s28, $0x7  }
0xd: {  	s14 =	sadd.s32 $0x200, s14;
	s31 =	sadd.s32 s22, s19;
	s19 =	simm.s32 $0x80  }
0xe: {  	s25 =	sshll.u32 s7, $0x4;
	s6 =	smax.u32 s8, $0x1;
	s7 =	sadd.s32 $0x4000, s4  }
0xf: {  	s8 =	sadd.s32 $0x8000, s4;
	s9 =	sadd.s32 $0xC000, s4;
	s10 =	sadd.s32 $0x10000, s4  }
0x10: {  	s20 =	sadd.s32 s12, s2;
	s11 =	sshll.u32 s11, $0x4;
	s12 =	sadd.s32 s16, s26  }
0x11: {  	s21 =	sadd.s32 s18, s2;
	s18 =	sadd.s32 s16, s28;
	s23 =	sadd.s32 s29, s2  }
0x12: {  	s16 =	sadd.s32 s16, s14;
	s14 =	sshll.u32 s14, $0x7;
	s5 =	sadd.s32 s17, s25  }
0x13: {  	s11 =	sadd.s32 s17, s11;
	s12 =	sshll.u32 s12, $0x4;
	s30 =	sshll.u32 s18, $0x4  }
0x14: {  	s16 =	sshll.u32 s16, $0x4;
	s18 =	sshrl.u32 s31, $0x3;
	s24 =	sadd.s32 s14, s2  }
0x15: {  	s20 =	sshrl.u32 s20, $0x3;
	s21 =	sshrl.u32 s21, $0x3;
	s22 =	sshrl.u32 s23, $0x3  }
0x16: {  	s12 =	sadd.s32 s17, s12;
	s13 =	sadd.s32 s17, s30;
	s14 =	sadd.s32 s17, s16  }
0x17: {  	s15 =	sadd.s32 s18, s15;
	s16 =	simm.s32 $0x2880;
	s17 =	simm.s32 $0x1  }
0x18: {  	v0 =	vimm.f32 $1.000000000e+00;
	v1 =	vimm.f32 $0.0e+00;
	s18 =	simm.s32 $0x50;
	s23 =	sshrl.u32 s24, $0x3;
	s24 =	simm.s32 $0x0  }
.LBB2_1:
0x19: {  	[tilespmem:$0x80] =	vst v0  }
0x1a: {  	[tilespmem:$0x100] =	vst v0  }
0x1b: {  	[tilespmem:$0x180] =	vst v0  }
0x1c: {  	[tilespmem:$0x200] =	vst v0  }
0x1d: {  	[tilespmem:$0x280] =	vst v0  }
0x1e: {  	[tilespmem:$0x300] =	vst v0  }
0x1f: {  	[tilespmem:$0x380] =	vst v0  }
0x20: {  	[tilespmem:$0x400] =	vst v0  }
0x21: {  	[tilespmem:$0x480] =	vst v0  }
0x22: {  	[tilespmem:$0x500] =	vst v0  }
0x23: {  	[tilespmem:$0x580] =	vst v0  }
0x24: {  	[tilespmem:$0x600] =	vst v0  }
0x25: {  	[tilespmem:$0x680] =	vst v0  }
0x26: {  	[tilespmem:$0x700] =	vst v0  }
0x27: {  	[tilespmem:$0x780] =	vst v0  }
0x28: {  	[tilespmem:$0x800] =	vst v0  }
0x29: {  	[tilespmem:$0x880] =	vst v0  }
0x2a: {  	[tilespmem:$0x900] =	vst v0  }
0x2b: {  	[tilespmem:$0x980] =	vst v0  }
0x2c: {  	[tilespmem:$0xA00] =	vst v0  }
0x2d: {  	[tilespmem:$0xA80] =	vst v0  }
0x2e: {  	[tilespmem:$0xB00] =	vst v0  }
0x2f: {  	[tilespmem:$0xB80] =	vst v0  }
0x30: {  	[tilespmem:$0xC00] =	vst v0  }
0x31: {  	[tilespmem:$0xC80] =	vst v0  }
0x32: {  	[tilespmem:$0xD00] =	vst v0  }
0x33: {  	[tilespmem:$0xD80] =	vst v0  }
0x34: {  	[tilespmem:$0xE00] =	vst v0  }
0x35: {  	[tilespmem:$0xE80] =	vst v0  }
0x36: {  	[tilespmem:$0xF00] =	vst v0  }
0x37: {  	[tilespmem:$0xF80] =	vst v0  }
0x38: {  	[tilespmem:$0x1000] =	vst v0  }
0x39: {  	[tilespmem:$0x1080] =	vst v0  }
0x3a: {  	[tilespmem:$0x1100] =	vst v0  }
0x3b: {  	[tilespmem:$0x1180] =	vst v0  }
0x3c: {  	[tilespmem:$0x1200] =	vst v0  }
0x3d: {  	[tilespmem:$0x1280] =	vst v0  }
0x3e: {  	[tilespmem:$0x1300] =	vst v0  }
0x3f: {  	[tilespmem:$0x1380] =	vst v0  }
0x40: {  	[tilespmem:$0x1400] =	vst v0  }
0x41: {  	[tilespmem:$0x1480] =	vst v0  }
0x42: {  	[tilespmem:$0x1500] =	vst v0  }
0x43: {  	[tilespmem:$0x1580] =	vst v0  }
0x44: {  	[tilespmem:$0x1600] =	vst v0  }
0x45: {  	[tilespmem:$0x1680] =	vst v0  }
0x46: {  	[tilespmem:$0x1700] =	vst v0  }
0x47: {  	[tilespmem:$0x1780] =	vst v0  }
0x48: {  	[tilespmem:$0x1800] =	vst v0  }
0x49: {  	[tilespmem:$0x1880] =	vst v0  }
0x4a: {  	[tilespmem:$0x1900] =	vst v0  }
0x4b: {  	[tilespmem:$0x1980] =	vst v0  }
0x4c: {  	[tilespmem:$0x1A00] =	vst v0  }
0x4d: {  	[tilespmem:$0x1A80] =	vst v0  }
0x4e: {  	[tilespmem:$0x1B00] =	vst v0  }
0x4f: {  	[tilespmem:$0x1B80] =	vst v0  }
0x50: {  	[tilespmem:$0x1C00] =	vst v0  }
0x51: {  	[tilespmem:$0x1C80] =	vst v0  }
0x52: {  	[tilespmem:$0x1D00] =	vst v0  }
0x53: {  	[tilespmem:$0x1D80] =	vst v0  }
0x54: {  	[tilespmem:$0x1E00] =	vst v0  }
0x55: {  	[tilespmem:$0x1E80] =	vst v0  }
0x56: {  	[tilespmem:$0x1F00] =	vst v0  }
0x57: {  	[tilespmem:$0x1F80] =	vst v0  }
0x58: {  	[tilespmem:$0x2000] =	vst v0  }
0x59: {  	[tilespmem:$0x2080] =	vst v0  }
0x5a: {  	[tilespmem:$0x2100] =	vst v0  }
0x5b: {  	[tilespmem:$0x2180] =	vst v0  }
0x5c: {  	[tilespmem:$0x2200] =	vst v0  }
0x5d: {  	[tilespmem:$0x2280] =	vst v0  }
0x5e: {  	[tilespmem:$0x2300] =	vst v0  }
0x5f: {  	[tilespmem:$0x2380] =	vst v0  }
0x60: {  	[tilespmem:$0x2400] =	vst v0  }
0x61: {  	[tilespmem:$0x2480] =	vst v0  }
0x62: {  	[tilespmem:$0x2500] =	vst v0  }
0x63: {  	[tilespmem:$0x2580] =	vst v0  }
0x64: {  	[tilespmem:$0x2600] =	vst v0  }
0x65: {  	[tilespmem:$0x2680] =	vst v0  }
0x66: {  	[tilespmem:$0x2700] =	vst v0  }
0x67: {  	[tilespmem:$0x2780] =	vst v0  }
0x68: {  	[tilespmem:$0x2800] =	vst v0  }
0x69: {  	[tilespmem:$0x2880] =	vst v1  }
0x6a: {  	[tilespmem:$0x2900] =	vst v1  }
0x6b: {  	[tilespmem:$0x2980] =	vst v1  }
0x6c: {  	[tilespmem:$0x2A00] =	vst v1  }
0x6d: {  	[tilespmem:$0x2A80] =	vst v1  }
0x6e: {  	[tilespmem:$0x2B00] =	vst v1  }
0x6f: {  	[tilespmem:$0x2B80] =	vst v1  }
0x70: {  	[tilespmem:$0x2C00] =	vst v1  }
0x71: {  	[tilespmem:$0x2C80] =	vst v1  }
0x72: {  	[tilespmem:$0x2D00] =	vst v1  }
0x73: {  	[tilespmem:$0x2D80] =	vst v1  }
0x74: {  	[tilespmem:$0x2E00] =	vst v1  }
0x75: {  	[tilespmem:$0x2E80] =	vst v1  }
0x76: {  	[tilespmem:$0x2F00] =	vst v1  }
0x77: {  	[tilespmem:$0x2F80] =	vst v1  }
0x78: {  	[tilespmem:$0x3000] =	vst v1  }
0x79: {  	[tilespmem:$0x3080] =	vst v1  }
0x7a: {  	[tilespmem:$0x3100] =	vst v1  }
0x7b: {  	[tilespmem:$0x3180] =	vst v1  }
0x7c: {  	[tilespmem:$0x3200] =	vst v1  }
0x7d: {  	[tilespmem:$0x3280] =	vst v1  }
0x7e: {  	[tilespmem:$0x3300] =	vst v1  }
0x7f: {  	[tilespmem:$0x3380] =	vst v1  }
0x80: {  	[tilespmem:$0x3400] =	vst v1  }
0x81: {  	[tilespmem:$0x3480] =	vst v1  }
0x82: {  	[tilespmem:$0x3500] =	vst v1  }
0x83: {  	[tilespmem:$0x3580] =	vst v1  }
0x84: {  	[tilespmem:$0x3600] =	vst v1  }
0x85: {  	[tilespmem:$0x3680] =	vst v1  }
0x86: {  	[tilespmem:$0x3700] =	vst v1  }
0x87: {  	[tilespmem:$0x3780] =	vst v1  }
0x88: {  	[tilespmem:$0x3800] =	vst v1  }
0x89: {  	[tilespmem:$0x3880] =	vst v1  }
0x8a: {  	[tilespmem:$0x3900] =	vst v1  }
0x8b: {  	[tilespmem:$0x3980] =	vst v1  }
0x8c: {  	[tilespmem:$0x3A00] =	vst v1  }
0x8d: {  	[tilespmem:$0x3A80] =	vst v1  }
0x8e: {  	[tilespmem:$0x3B00] =	vst v1  }
0x8f: {  	[tilespmem:$0x3B80] =	vst v1  }
0x90: {  	[tilespmem:$0x3C00] =	vst v1  }
0x91: {  	[tilespmem:$0x3C80] =	vst v1  }
0x92: {  	[tilespmem:$0x3D00] =	vst v1  }
0x93: {  	[tilespmem:$0x3D80] =	vst v1  }
0x94: {  	[tilespmem:$0x3E00] =	vst v1  }
0x95: {  	[tilespmem:$0x3E80] =	vst v1  }
0x96: {  	[tilespmem:$0x3F00] =	vst v1  }
0x97: {  	[tilespmem:$0x3F80] =	vst v1  }
0x98: {  	[tilespmem:$0x4000] =	vst v1  }
0x99: {  	[tilespmem:$0x4080] =	vst v1  }
0x9a: {  	[tilespmem:$0x4100] =	vst v1  }
0x9b: {  	[tilespmem:$0x4180] =	vst v1  }
0x9c: {  	[tilespmem:$0x4200] =	vst v1  }
0x9d: {  	[tilespmem:$0x4280] =	vst v1  }
0x9e: {  	[tilespmem:$0x4300] =	vst v1  }
0x9f: {  	[tilespmem:$0x4380] =	vst v1  }
0xa0: {  	[tilespmem:$0x4400] =	vst v1  }
0xa1: {  	[tilespmem:$0x4480] =	vst v1  }
0xa2: {  	[tilespmem:$0x4500] =	vst v1  }
0xa3: {  	[tilespmem:$0x4580] =	vst v1  }
0xa4: {  	[tilespmem:$0x4600] =	vst v1  }
0xa5: {  	[tilespmem:$0x4680] =	vst v1  }
0xa6: {  	[tilespmem:$0x4700] =	vst v1  }
0xa7: {  	[tilespmem:$0x4780] =	vst v1  }
0xa8: {  	[tilespmem:$0x4800] =	vst v1  }
0xa9: {  	[tilespmem:$0x4880] =	vst v1  }
0xaa: {  	[tilespmem:$0x4900] =	vst v1  }
0xab: {  	[tilespmem:$0x4980] =	vst v1  }
0xac: {  	[tilespmem:$0x4A00] =	vst v1  }
0xad: {  	[tilespmem:$0x4A80] =	vst v1  }
0xae: {  	[tilespmem:$0x4B00] =	vst v1  }
0xaf: {  	[tilespmem:$0x4B80] =	vst v1  }
0xb0: {  	[tilespmem:$0x4C00] =	vst v1  }
0xb1: {  	[tilespmem:$0x4C80] =	vst v1  }
0xb2: {  	[tilespmem:$0x4D00] =	vst v1  }
0xb3: {  	[tilespmem:$0x4D80] =	vst v1  }
0xb4: {  	[tilespmem:$0x4E00] =	vst v1  }
0xb5: {  	[tilespmem:$0x4E80] =	vst v1  }
0xb6: {  	[tilespmem:$0x4F00] =	vst v1  }
0xb7: {  	[tilespmem:$0x4F80] =	vst v1  }
0xb8: {  	[tilespmem:$0x5000] =	vst v1  }
0xb9: {  	[tilespmem:$0x5080] =	vst v1  }
0xba: {  	[tilespmem:$0x5100] =	vst v1  }
0xbb: {  	[tilespmem:$0x5180] =	vst v1  }
0xbc: {  	[tilespmem:$0x5200] =	vst v1  }
0xbd: {  	[tilespmem:$0x5280] =	vst v1  }
0xbe: {  	[tilespmem:$0x5300] =	vst v1  }
0xbf: {  	[tilespmem:$0x5380] =	vst v1  }
0xc0: {  	[tilespmem:$0x5400] =	vst v1  }
0xc1: {  	[tilespmem:$0x5480] =	vst v1  }
0xc2: {  	[tilespmem:$0x5500] =	vst v1  }
0xc3: {  	[tilespmem:$0x5580] =	vst v1  }
0xc4: {  	[tilespmem:$0x5600] =	vst v1  }
0xc5: {  	[tilespmem:$0x5680] =	vst v1  }
0xc6: {  	[tilespmem:$0x5700] =	vst v1  }
0xc7: {  	[tilespmem:$0x5780] =	vst v1  }
0xc8: {  	[tilespmem:$0x5800] =	vst v1  }
0xc9: {  	[tilespmem:$0x5880] =	vst v1  }
0xca: {  	[tilespmem:$0x5900] =	vst v1  }
0xcb: {  	[tilespmem:$0x5980] =	vst v1  }
0xcc: {  	[tilespmem:$0x5A00] =	vst v1  }
0xcd: {  	[tilespmem:$0x5A80] =	vst v1  }
0xce: {  	[tilespmem:$0x5B00] =	vst v1  }
0xcf: {  	[tilespmem:$0x5B80] =	vst v1  }
0xd0: {  	[tilespmem:$0x5C00] =	vst v1  }
0xd1: {  	[tilespmem:$0x5C80] =	vst v1  }
0xd2: {  	[tilespmem:$0x5D00] =	vst v1  }
0xd3: {  	[tilespmem:$0x5D80] =	vst v1  }
0xd4: {  	[tilespmem:$0x5E00] =	vst v1  }
0xd5: {  	[tilespmem:$0x5E80] =	vst v1  }
0xd6: {  	[tilespmem:$0x5F00] =	vst v1  }
0xd7: {  	[tilespmem:$0x5F80] =	vst v1  }
0xd8: {  	[tilespmem:$0x6000] =	vst v1  }
0xd9: {  	[tilespmem:$0x6080] =	vst v1  }
0xda: {  	[tilespmem:$0x6100] =	vst v1  }
0xdb: {  	[tilespmem:$0x6180] =	vst v1  }
0xdc: {  	[tilespmem:$0x6200] =	vst v1  }
0xdd: {  	[tilespmem:$0x6280] =	vst v1  }
0xde: {  	[tilespmem:$0x6300] =	vst v1  }
0xdf: {  	[tilespmem:$0x6380] =	vst v1  }
0xe0: {  	[tilespmem:$0x6400] =	vst v1  }
0xe1: {  	[tilespmem:$0x6480] =	vst v1  }
0xe2: {  	[tilespmem:$0x6500] =	vst v1  }
0xe3: {  	[tilespmem:$0x6580] =	vst v1  }
0xe4: {  	[tilespmem:$0x6600] =	vst v1  }
0xe5: {  	[tilespmem:$0x6680] =	vst v1  }
0xe6: {  	[tilespmem:$0x6700] =	vst v1  }
0xe7: {  	[tilespmem:$0x6780] =	vst v1  }
0xe8: {  	[tilespmem:$0x6800] =	vst v1  }
0xe9: {  	[spmem:s4] =	stream.linear.scatter [tilespmem:s16], [sflag:$0x1], $0x4000, $0x38;
	[tilespmem:$0x9080] =	vst v63  }
0xea: {  	_ =	swait.ge [sflag:s17], $0x4000  }
0xeb: {  	[sflag:s17] =	ssyncset.done $0x0  }
0xec: {  	[sflag:s17] =	ssyncadd.s32 $0xFFFFC000  }
0xed: {  	[spmem:s7] =	stream.linear.scatter [tilespmem:s16], [sflag:$0x1], $0x4000, $0x38;
	[tilespmem:$0x9080] =	vst v63  }
0xee: {  	_ =	swait.ge [sflag:s17], $0x4000  }
0xef: {  	[sflag:s17] =	ssyncset.done $0x0  }
0xf0: {  	[sflag:s17] =	ssyncadd.s32 $0xFFFFC000  }
0xf1: {  	[spmem:s8] =	stream.linear.scatter [tilespmem:s16], [sflag:$0x1], $0x4000, $0x38;
	[tilespmem:$0x9080] =	vst v63  }
0xf2: {  	_ =	swait.ge [sflag:s17], $0x4000  }
0xf3: {  	[sflag:s17] =	ssyncset.done $0x0  }
0xf4: {  	[sflag:s17] =	ssyncadd.s32 $0xFFFFC000  }
0xf5: {  	[spmem:s9] =	stream.linear.scatter [tilespmem:s16], [sflag:$0x1], $0x4000, $0x38;
	[tilespmem:$0x9080] =	vst v63  }
0xf6: {  	_ =	swait.ge [sflag:s17], $0x4000  }
0xf7: {  	[sflag:s17] =	ssyncset.done $0x0  }
0xf8: {  	[sflag:s17] =	ssyncadd.s32 $0xFFFFC000  }
0xf9: {  	[spmem:s10] =	stream.linear.scatter [tilespmem:s16], [sflag:$0x1], $0x4000, $0x38;
	[tilespmem:$0x9080] =	vst v63  }
0xfa: {  	_ =	swait.ge [sflag:s17], $0x4000  }
0xfb: {  	[sflag:s17] =	ssyncset.done $0x0  }
0xfc: {  	[sflag:s17] =	ssyncadd.s32 $0xFFFFC000  }
0xfd: {  	s25 =	sadd.s32 $0x0, s15;
	[bflag:$0x0] =	sbarrier.arrive $0xFFFF  }
0xfe: {  	[tilespmem:s3], [sflag:$0x1] =	stream.linear.gather [hbm4b:s25+s3], $0x50, $0x38;
	[tilespmem:$0x9080] =	vst v63  }
0xff: {  	_ =	swait.ge [sflag:s17], $0x50  }
0x100: {  	[sflag:s17] =	ssyncset.done $0x0  }
0x101: {  	[sflag:s17] =	ssyncadd.s32 $0xFFFFFFB0  }
0x102: {  	[spmem:s2] =	stream.indirect.scatter.add.f32 [tilespmem:s19], [sflag:$0x1], $0x10, s3, s18, $0xb8;
	[tilespmem:$0x9080] =	vst v63  }
0x103: {  	_ =	swait.ge [sflag:s17], $0x500  }
0x104: {  	s26 =	simm.s32 $0x14;
	s25 =	simm.s32 $0xA;
	[sflag:s17] =	ssyncset.done $0x0  }
.LBB2_2:
0x105: {  	s28 =	sadd.s32 s25, s15  }
0x106: {  	[sflag:s17] =	ssyncadd.s32 $0xFFFFFB00;
	s25 =	smov.u32 s26;
	s29 =	sadd.s32 $0xA, s26  }
0x107: {  	[tilespmem:s3], [sflag:$0x1] =	stream.linear.gather [hbm4b:s28+s3], $0x50, $0x38;
	[tilespmem:$0x9080] =	vst v63  }
0x108: {  	p0 =	sne.s32 s26, $0x4D8;
	_ =	swait.ge [sflag:s17], $0x50  }
.Ltmp0:
0x109: {  	[sflag:s17] =	ssyncset.done $0x0;
	(pc) =	sbr.rel @p0 .LBB2_2-.Ltmp0, $4  }
0x10a: {  	[sflag:s17] =	ssyncadd.s32 $0xFFFFFFB0  }
0x10b: {  	[spmem:s2] =	stream.indirect.scatter.add.f32 [tilespmem:s19], [sflag:$0x1], $0x10, s3, s18, $0xb8;
	[tilespmem:$0x9080] =	vst v63  }
0x10c: {  	_ =	swait.ge [sflag:s17], $0x500  }
0x10d: {  	s26 =	smov.u32 s29;
	[sflag:s17] =	ssyncset.done $0x0  }
0x10e: {  	s25 =	sadd.s32 s25, s15;
	[sflag:s17] =	ssyncadd.s32 $0xFFFFFB00  }
0x10f: {  	[tilespmem:s3], [sflag:$0x1] =	stream.linear.gather [hbm4b:s25+s3], $0x50, $0x38;
	[tilespmem:$0x9080] =	vst v63  }
0x110: {  	_ =	swait.ge [sflag:s17], $0x50  }
0x111: {  	[sflag:s17] =	ssyncset.done $0x0  }
0x112: {  	[sflag:s17] =	ssyncadd.s32 $0xFFFFFFB0  }
0x113: {  	[spmem:s2] =	stream.indirect.scatter.add.f32 [tilespmem:s19], [sflag:$0x1], $0x10, s3, s18, $0xb8;
	[tilespmem:$0x9080] =	vst v63  }
0x114: {  	_ =	swait.ge [sflag:s17], $0x500  }
0x115: {  	[sflag:s17] =	ssyncset.done $0x0  }
0x116: {  	s31 =	sshll.u32 s1, $0x6;
	[sflag:s17] =	ssyncadd.s32 $0xFFFFFB00  }
0x117: {  	s26 =	sshrl.u32 s4, $0x3;
	s25 =	sor.u32 $0x1C01, s31;
	[bflag:$0x0] =	sbarrier.arrive $0xFFFF  }
0x118: {  	[hbm:s5], [sflag:s25] =	dma.local [spmem:s26], $0x800  }
0x119: {  	_ =	swait.ge [sflag:s17], $0x800  }
0x11a: {  	[sflag:s17] =	ssyncset.done $0x0  }
0x11b: {  	[sflag:s17] =	ssyncadd.s32 $0xFFFFF800  }
0x11c: {  	[hbm:s11], [sflag:s25] =	dma.local [spmem:s20], $0x800  }
0x11d: {  	_ =	swait.ge [sflag:s17], $0x800  }
0x11e: {  	[sflag:s17] =	ssyncset.done $0x0  }
0x11f: {  	[sflag:s17] =	ssyncadd.s32 $0xFFFFF800  }
0x120: {  	[hbm:s12], [sflag:s25] =	dma.local [spmem:s21], $0x800  }
0x121: {  	_ =	swait.ge [sflag:s17], $0x800  }
0x122: {  	[sflag:s17] =	ssyncset.done $0x0  }
0x123: {  	[sflag:s17] =	ssyncadd.s32 $0xFFFFF800  }
0x124: {  	[hbm:s13], [sflag:s25] =	dma.local [spmem:s22], $0x800  }
0x125: {  	s24 =	sadd.s32 $0x1, s24;
	_ =	swait.ge [sflag:s17], $0x800  }
0x126: {  	p0 =	sne.s32 s24, s6;
	[sflag:s17] =	ssyncset.done $0x0  }
.Ltmp1:
0x127: {  	[sflag:s17] =	ssyncadd.s32 $0xFFFFF800;
	(pc) =	sbr.rel @p0 .LBB2_1-.Ltmp1, $4  }
0x128: {  	[hbm:s14], [sflag:s25] =	dma.local [spmem:s23], $0x800  }
0x129: {  	_ =	swait.ge [sflag:s17], $0x800  }
0x12a: {  	[sflag:s17] =	ssyncset.done $0x0  }
0x12b: {  	[sflag:s17] =	ssyncadd.s32 $0xFFFFF800  }
0x12c: {  	_ =	sfence.sel $0x180000  }
0x12d: {  	[bflag:$0x0] =	sbarrier.arrive $0xFFFF  }
0x12e: {  	p0 =	sne.s32 s1, $0x0;
	_ =	strace $0x90000047  }
0x12f: {  	s0 =	sadd.s32 @!p0 $0x100000, s0;
	[bflag:$0x2] =	sbarrier.arrive $0xFFFF  }
0x130: {  	[sflag:s0] =	ssyncadd.tile.s32 @!p0 $0x1;
	_ =	shalt  }
.Lfunc_end2:
_tile_overlayer_lowered:
.L_overlay_start_2:
0x131: {  	(tag) =	ssettag $0x2  }
0x132: {  	s0 =	rddreg [dreg:$0x0];
	s2 =	stileid.u32  }
0x133: {  	s1 =	rddreg [dreg:$0x1];
	p0 =	sne.s32 s2, $0x0  }
0x134: {  	s3 =	rddreg [dreg:$0x2];
	[bflag:$0x3] =	sbarrier.arrive $0xFFFF;
	s2 =	simm.s32 @!p0 $0x1C01  }
0x135: {  	[timem:s3], [sflag:s2] =	dma.local @!p0 [hbm:s0], s1  }
0x136: {  	s0 =	simm.s32 @!p0 $0x1  }
0x137: {  	_ =	swait.ge @!p0 [sflag:s0], s1  }
0x138: {  	s1 =	ssub.s32 @!p0 $0x0, s1;
	[sflag:s0] =	ssyncset.done @!p0 $0x0  }
0x139: {  	[sflag:s0] =	ssyncadd.s32 @!p0 s1  }
0x13a: {  	[bflag:$0x3] =	sbarrier.arrive $0xFFFF  }
0x13b: {  	_ =	shalt  }

</sc_bundles>
